<compile_context>
chip_gen: v7x
topology: tpu7x:2x2x1
jax: 0.10.2.dev20260603
libtpu: 0.0.44.dev20260713+nightly
codegen_flags: <defaults>
</compile_context>

<pallas_src>
import functools

import jax
import jax.numpy as jnp
from jax import lax
from jax.experimental import pallas as pl
from jax.experimental.pallas import tpu as pltpu
from jax.experimental.pallas import tpu_sc as plsc

N = 10000
E = 160000
D = 256
DH = D // 2
NS = 16
NC = 2
CH = 64
EPW = E // NS
NFULL = EPW // CH
TAIL = EPW - NFULL * CH
NCHUNK = NFULL + 1
EPW_PAD = NCHUNK * CH
SRCROWS = NCHUNK // 2 + 1
ACC_ROWS = 10112
ZPW = ACC_ROWS // NS


def _sc_edge_aggregate(nfeat, efeat, srcs, dsts, zrows):
    mesh = plsc.VectorSubcoreMesh(core_axis_name="c", subcore_axis_name="s")

    @functools.partial(
        pl.kernel,
        out_type=jax.ShapeDtypeStruct((ACC_ROWS, D), jnp.float32),
        mesh=mesh,
        scratch_types=[
            pltpu.VMEM((SRCROWS, 2 * CH), jnp.int32),
            pltpu.VMEM((1, CH), jnp.int32),
            pltpu.VMEM((1, CH), jnp.int32),
            pltpu.VMEM((CH, DH), jnp.float32),
            pltpu.VMEM((CH, DH), jnp.float32),
            pltpu.VMEM((CH, DH), jnp.float32),
            pltpu.VMEM((CH, DH), jnp.float32),
            pltpu.SemaphoreType.DMA,
            pltpu.SemaphoreType.DMA,
            pltpu.VMEM_SHARED((ACC_ROWS, DH), jnp.float32),
        ],
    )
    def k(nfeat_hbm, efeat_hbm, src_hbm, dst_hbm, zero_hbm, out_hbm,
          src_v, d0, d1, g0, g1, e0, e1, sem0, sem1, acc):
        c = lax.axis_index("c")
        s = lax.axis_index("s")
        col = c * DH
        dd = (d0, d1)
        gg = (g0, g1)
        ee = (e0, e1)
        ss = (sem0, sem1)

        pltpu.sync_copy(src_hbm.at[s], src_v)

        def issue(b, j):
            pltpu.async_copy(
                nfeat_hbm.at[src_v.at[(j - b) // 2, pl.ds(b * CH, CH)],
                             pl.ds(col, DH)],
                gg[b], ss[b])
            pltpu.async_copy(
                efeat_hbm.at[pl.ds(s * EPW + j * CH, CH), pl.ds(col, DH)],
                ee[b], ss[b])
            pltpu.async_copy(dst_hbm.at[s, pl.ds(j, 1)], dd[b], ss[b])

        def drain(b):
            pltpu.make_async_copy(zero_hbm.at[pl.ds(0, CH)], gg[b],
                                  ss[b]).wait()
            pltpu.make_async_copy(zero_hbm.at[pl.ds(0, CH)], ee[b],
                                  ss[b]).wait()
            pltpu.make_async_copy(dst_hbm.at[s, pl.ds(0, 1)], dd[b],
                                  ss[b]).wait()

        def consume(b):
            gbuf, ebuf = gg[b], ee[b]

            def rows(r, _):
                for kk in range(DH // 16):
                    sl = (r, pl.ds(kk * 16, 16))
                    ebuf[sl] = jnp.maximum(ebuf[sl] + gbuf[sl], 0.0)
                return 0
            lax.fori_loop(0, CH, rows, 0)
            pltpu.sync_copy(ebuf, acc.at[dd[b].at[0]], add=True)

        issue(0, 0)
        issue(1, 1)
        pltpu.sync_copy(zero_hbm, acc.at[pl.ds(s * ZPW, ZPW)])
        plsc.subcore_barrier()

        def pair_body(o, _):
            for b in range(2):
                drain(b)
                consume(b)
                issue(b, 2 * o + b + 2)
            return 0
        lax.fori_loop(0, NFULL // 2 - 1, pair_body, 0)
        for b in range(2):
            drain(b)
            consume(b)

        pltpu.sync_copy(
            nfeat_hbm.at[src_v.at[NFULL // 2, pl.ds(0, CH)], pl.ds(col, DH)],
            g0)
        pltpu.sync_copy(dst_hbm.at[s, pl.ds(NFULL, 1)], d0)
        pltpu.sync_copy(
            efeat_hbm.at[pl.ds(s * EPW + NFULL * CH, TAIL), pl.ds(col, DH)],
            e0.at[pl.ds(0, TAIL)])
        consume(0)

        plsc.subcore_barrier()
        pltpu.sync_copy(acc.at[pl.ds(s * ZPW, ZPW)],
                        out_hbm.at[pl.ds(s * ZPW, ZPW), pl.ds(col, DH)])

    return k(nfeat, efeat, srcs, dsts, zrows)


def _tc_mlp(agg, nfeat, W1, b1, gamma, beta, W2, b2):
    def body(agg_r, nf_r, w1_r, b1_r, g_r, bb_r, w2_r, b2_r, out_r):
        h = agg_r[0:N, :] + nf_r[...]
        h1 = lax.dot_general(h, w1_r[...], (((1,), (1,)), ((), ())),
                             preferred_element_type=jnp.float32) + b1_r[...]
        mean = jnp.mean(h1, axis=0, keepdims=True)
        var = jnp.mean(jnp.square(h1 - mean), axis=0, keepdims=True)
        hn = (h1 - mean) * lax.rsqrt(var + 1e-5) * g_r[...] + bb_r[...]
        hn = jnp.maximum(hn, 0.0)
        out_r[...] = lax.dot_general(hn, w2_r[...], (((1,), (1,)), ((), ())),
                                     preferred_element_type=jnp.float32) + b2_r[...]

    return pl.pallas_call(
        body,
        out_shape=jax.ShapeDtypeStruct((N, D), jnp.float32),
    )(agg, nfeat, W1, b1.reshape(1, 2 * D), gamma.reshape(1, 2 * D),
      beta.reshape(1, 2 * D), W2, b2.reshape(1, D))


def kernel(nfeat, edge_index, efeat, W1, b1, gamma, beta, W2, b2):
    src = edge_index[0].reshape(NS, EPW)
    dst = edge_index[1].reshape(NS, EPW)
    srcs = jnp.pad(src, ((0, 0), (0, SRCROWS * 2 * CH - EPW)))
    srcs = srcs.reshape(NS, SRCROWS, 2 * CH)
    dsts = jnp.pad(dst, ((0, 0), (0, EPW_PAD - EPW)),
                   constant_values=N).reshape(NS, NCHUNK, CH)

    zrows = jnp.zeros((ZPW, DH), jnp.float32)
    agg = _sc_edge_aggregate(nfeat, efeat, srcs, dsts, zrows)
    return _tc_mlp(agg, nfeat, W1, b1, gamma, beta, W2, b2)

# --- scband reference (transcript-rebuilt; emitter-appended) ---
"""Pipeline reference for scband-ginconv-layer-16346645529219 (READ-ONLY COPY).

The authoritative reference and input builder live on the scoring server;
editing this copy changes nothing except your own understanding.
"""

import jax, jax.numpy as jnp
import numpy as np

N = 10000
E = 160000
D = 256

def setup_inputs(seed: int = 0) -> dict:
    key = jax.random.key(seed)
    ks = jax.random.split(key, 8)
    nfeat = jax.random.normal(ks[0], (N, D), dtype=jnp.float32)
    efeat = jax.random.normal(ks[1], (E, D), dtype=jnp.float32)
    edge_index = jax.random.randint(ks[2], (2, E), 0, N, dtype=jnp.int32)
    # mlp_project_in: Linear(D, 2D)
    W1 = jax.random.normal(ks[3], (2 * D, D), dtype=jnp.float32) * (1.0 / np.sqrt(D))
    b1 = jnp.zeros((2 * D,), dtype=jnp.float32)
    # BatchNorm1d(2D) affine params
    gamma = jnp.ones((2 * D,), dtype=jnp.float32)
    beta = jnp.zeros((2 * D,), dtype=jnp.float32)
    # mlp_project_out: Linear(2D, D)
    W2 = jax.random.normal(ks[4], (D, 2 * D), dtype=jnp.float32) * (1.0 / np.sqrt(2 * D))
    b2 = jnp.zeros((D,), dtype=jnp.float32)
    return {"nfeat": nfeat, "edge_index": edge_index, "efeat": efeat,
            "W1": W1, "b1": b1, "gamma": gamma, "beta": beta, "W2": W2, "b2": b2}

def reference(nfeat, edge_index, efeat, W1, b1, gamma, beta, W2, b2):
    eps = 0.0  # init_eps=0, learn_eps=False (buffer)
    src = edge_index[0]
    dst = edge_index[1]
    # apply_edges(copy_u): gather source node features onto edges
    e = nfeat[src]
    # edata['e'] = relu(efeat + e)
    e = jax.nn.relu(efeat + e)
    # update_all(copy_e, sum): scatter-add edge messages to destination nodes
    agg = jax.ops.segment_sum(e, dst, num_segments=N)
    # GIN combine: agg + (1 + eps) * nfeat
    h = agg + (1.0 + eps) * nfeat
    # mlp_project_in
    h = h @ W1.T + b1
    # BatchNorm1d (training-mode batch statistics over node dimension)
    mean = jnp.mean(h, axis=0)
    var = jnp.var(h, axis=0)
    h = (h - mean) / jnp.sqrt(var + 1e-5) * gamma + beta
    # mlp_project_out(relu(.))
    h = jax.nn.relu(h)
    out = h @ W2.T + b2
    return out

if __name__ == "__main__":
    import jax
    _d = setup_inputs()
    print(jax.jit(kernel)(*tuple(_d.values())))

</pallas_src>

<mosaic_0001>
#map = affine_map<(d0, d1) -> (0, 0)>
#map1 = affine_map<(d0, d1) -> (0, 0, 0)>
module attributes {stable_mosaic.version = 14 : i64} {
  func.func @k(%arg0: i32, %arg1: i32, %arg2: memref<10000x256xf32, #tpu.memory_space<hbm>>, %arg3: memref<160000x256xf32, #tpu.memory_space<hbm>>, %arg4: memref<16x79x128xi32, #tpu.memory_space<hbm>>, %arg5: memref<16x157x64xi32, #tpu.memory_space<hbm>>, %arg6: memref<632x128xf32, #tpu.memory_space<hbm>>, %arg7: memref<10112x256xf32, #tpu.memory_space<hbm>>, %arg8: memref<79x128xi32, #tpu.memory_space<vmem>>, %arg9: memref<1x64xi32, #tpu.memory_space<vmem>>, %arg10: memref<1x64xi32, #tpu.memory_space<vmem>>, %arg11: memref<64x128xf32, #tpu.memory_space<vmem>>, %arg12: memref<64x128xf32, #tpu.memory_space<vmem>>, %arg13: memref<64x128xf32, #tpu.memory_space<vmem>>, %arg14: memref<64x128xf32, #tpu.memory_space<vmem>>, %arg15: memref<!tpu.dma_semaphore, #tpu.memory_space<semaphore_mem>>, %arg16: memref<!tpu.dma_semaphore, #tpu.memory_space<semaphore_mem>>, %arg17: memref<10112x128xf32, #tpu.memory_space<vmem_shared>>) attributes {dimension_semantics = [#tpu.dimension_semantics<core_parallel>, #tpu.dimension_semantics<subcore_parallel>], iteration_bounds = array<i64: 2, 16>, scalar_prefetch = 0 : i64, scratch_operands = 10 : i64, tpu.core_type = #tpu.core_type<sc_vector_subcore>, window_params = [{transform_indices = #map}, {transform_indices = #map}, {transform_indices = #map1}, {transform_indices = #map1}, {transform_indices = #map}, {transform_indices = #map}]} {
    %mul3A = arith.constant 128 : i32
    %mul3A_0 = arith.muli %arg0, %mul3A : i32
    "tpu.region"() ({
      %run_scoped3A_119 = tpu.sem_alloc : memref<!tpu.dma_semaphore, #tpu.memory_space<semaphore_mem>>
      %dma_start3A_120 = arith.constant 0 : i32
      %dma_start3A_121 = arith.constant 0 : i32
      %dma_start3A_122 = tpu.memref_slice %arg4[%arg1, %dma_start3A_120, %dma_start3A_121] : memref<16x79x128xi32, #tpu.memory_space<hbm>> -> memref<1x79x128xi32, #tpu.memory_space<hbm>>
      %dma_start3A_123 = tpu.memref_squeeze %dma_start3A_122 : memref<1x79x128xi32, #tpu.memory_space<hbm>> -> memref<79x128xi32, #tpu.memory_space<hbm>>
      %dma_start3A_124 = arith.constant 0 : i32
      %dma_start3A_125 = arith.constant 0 : i32
      %dma_start3A_126 = tpu.memref_slice %arg4[%arg1, %dma_start3A_124, %dma_start3A_125] : memref<16x79x128xi32, #tpu.memory_space<hbm>> -> memref<1x79x128xi32, #tpu.memory_space<hbm>>
      %dma_start3A_127 = tpu.memref_squeeze %dma_start3A_126 : memref<1x79x128xi32, #tpu.memory_space<hbm>> -> memref<79x128xi32, #tpu.memory_space<hbm>>
      tpu.enqueue_dma source(%dma_start3A_127 : memref<79x128xi32, #tpu.memory_space<hbm>>) target(%arg8 : memref<79x128xi32, #tpu.memory_space<vmem>>) target_semaphore(%run_scoped3A_119 : memref<!tpu.dma_semaphore, #tpu.memory_space<semaphore_mem>>)
      %dma_wait3A_128 = arith.constant 0 : i32
      %dma_wait3A_129 = arith.constant 0 : i32
      %dma_wait3A_130 = tpu.memref_slice %arg4[%arg1, %dma_wait3A_128, %dma_wait3A_129] : memref<16x79x128xi32, #tpu.memory_space<hbm>> -> memref<1x79x128xi32, #tpu.memory_space<hbm>>
      %dma_wait3A_131 = tpu.memref_squeeze %dma_wait3A_130 : memref<1x79x128xi32, #tpu.memory_space<hbm>> -> memref<79x128xi32, #tpu.memory_space<hbm>>
      %dma_wait3A_132 = arith.constant 0 : i32
      %dma_wait3A_133 = arith.constant 0 : i32
      %dma_wait3A_134 = tpu.memref_slice %arg4[%arg1, %dma_wait3A_132, %dma_wait3A_133] : memref<16x79x128xi32, #tpu.memory_space<hbm>> -> memref<1x79x128xi32, #tpu.memory_space<hbm>>
      %dma_wait3A_135 = tpu.memref_squeeze %dma_wait3A_134 : memref<1x79x128xi32, #tpu.memory_space<hbm>> -> memref<79x128xi32, #tpu.memory_space<hbm>>
      tpu.wait_dma2 semaphore(%run_scoped3A_119 : memref<!tpu.dma_semaphore, #tpu.memory_space<semaphore_mem>>) src(%dma_wait3A_135 : memref<79x128xi32, #tpu.memory_space<hbm>>) dst(%arg8 : memref<79x128xi32, #tpu.memory_space<vmem>>)
      tpu.yield
    }) : () -> ()
    %dma_start3A = arith.constant 0 : i32
    %dma_start3A_1 = arith.constant 0 : i32
    %dma_start3A_2 = tpu.memref_slice %arg8[%dma_start3A, %dma_start3A_1] : memref<79x128xi32, #tpu.memory_space<vmem>> -> memref<1x64xi32, #tpu.memory_space<vmem>>
    %dma_start3A_3 = tpu.memref_squeeze %dma_start3A_2 : memref<1x64xi32, #tpu.memory_space<vmem>> -> memref<64xi32, #tpu.memory_space<vmem>>
    %dma_start3A_4 = arith.constant 0 : i32
    %dma_start3A_5 = tpu.memref_slice %arg2[%dma_start3A_4, %mul3A_0] : memref<10000x256xf32, #tpu.memory_space<hbm>> -> memref<10000x128xf32, #tpu.memory_space<hbm>>
    tpu.enqueue_indirect_dma source(%dma_start3A_5 : memref<10000x128xf32, #tpu.memory_space<hbm>>) target(%arg11 : memref<64x128xf32, #tpu.memory_space<vmem>>) offsets(%dma_start3A_3 : memref<64xi32, #tpu.memory_space<vmem>>) semaphore(%arg15 : memref<!tpu.dma_semaphore, #tpu.memory_space<semaphore_mem>>)
    %mul3A_6 = arith.constant 10000 : i32
    %mul3A_7 = arith.muli %arg1, %mul3A_6 : i32
    %add3A = arith.constant 0 : i32
    %add3A_8 = arith.addi %mul3A_7, %add3A : i32
    %dma_start3A_9 = tpu.memref_slice %arg3[%add3A_8, %mul3A_0] : memref<160000x256xf32, #tpu.memory_space<hbm>> -> memref<64x128xf32, #tpu.memory_space<hbm>>
    %dma_start3A_10 = tpu.memref_slice %arg3[%add3A_8, %mul3A_0] : memref<160000x256xf32, #tpu.memory_space<hbm>> -> memref<64x128xf32, #tpu.memory_space<hbm>>
    tpu.enqueue_dma source(%dma_start3A_10 : memref<64x128xf32, #tpu.memory_space<hbm>>) target(%arg13 : memref<64x128xf32, #tpu.memory_space<vmem>>) target_semaphore(%arg15 : memref<!tpu.dma_semaphore, #tpu.memory_space<semaphore_mem>>)
    %dma_start3A_11 = arith.constant 0 : i32
    %dma_start3A_12 = arith.constant 0 : i32
    %dma_start3A_13 = tpu.memref_slice %arg5[%arg1, %dma_start3A_11, %dma_start3A_12] : memref<16x157x64xi32, #tpu.memory_space<hbm>> -> memref<1x1x64xi32, #tpu.memory_space<hbm>>
    %dma_start3A_14 = tpu.memref_squeeze %dma_start3A_13 : memref<1x1x64xi32, #tpu.memory_space<hbm>> -> memref<1x64xi32, #tpu.memory_space<hbm>>
    %dma_start3A_15 = arith.constant 0 : i32
    %dma_start3A_16 = arith.constant 0 : i32
    %dma_start3A_17 = tpu.memref_slice %arg5[%arg1, %dma_start3A_15, %dma_start3A_16] : memref<16x157x64xi32, #tpu.memory_space<hbm>> -> memref<1x1x64xi32, #tpu.memory_space<hbm>>
    %dma_start3A_18 = tpu.memref_squeeze %dma_start3A_17 : memref<1x1x64xi32, #tpu.memory_space<hbm>> -> memref<1x64xi32, #tpu.memory_space<hbm>>
    tpu.enqueue_dma source(%dma_start3A_18 : memref<1x64xi32, #tpu.memory_space<hbm>>) target(%arg9 : memref<1x64xi32, #tpu.memory_space<vmem>>) target_semaphore(%arg15 : memref<!tpu.dma_semaphore, #tpu.memory_space<semaphore_mem>>)
    %dma_start3A_19 = arith.constant 0 : i32
    %dma_start3A_20 = arith.constant 64 : i32
    %dma_start3A_21 = tpu.memref_slice %arg8[%dma_start3A_19, %dma_start3A_20] : memref<79x128xi32, #tpu.memory_space<vmem>> -> memref<1x64xi32, #tpu.memory_space<vmem>>
    %dma_start3A_22 = tpu.memref_squeeze %dma_start3A_21 : memref<1x64xi32, #tpu.memory_space<vmem>> -> memref<64xi32, #tpu.memory_space<vmem>>
    %dma_start3A_23 = arith.constant 0 : i32
    %dma_start3A_24 = tpu.memref_slice %arg2[%dma_start3A_23, %mul3A_0] : memref<10000x256xf32, #tpu.memory_space<hbm>> -> memref<10000x128xf32, #tpu.memory_space<hbm>>
    tpu.enqueue_indirect_dma source(%dma_start3A_24 : memref<10000x128xf32, #tpu.memory_space<hbm>>) target(%arg12 : memref<64x128xf32, #tpu.memory_space<vmem>>) offsets(%dma_start3A_22 : memref<64xi32, #tpu.memory_space<vmem>>) semaphore(%arg16 : memref<!tpu.dma_semaphore, #tpu.memory_space<semaphore_mem>>)
    %mul3A_25 = arith.constant 10000 : i32
    %mul3A_26 = arith.muli %arg1, %mul3A_25 : i32
    %add3A_27 = arith.constant 64 : i32
    %add3A_28 = arith.addi %mul3A_26, %add3A_27 : i32
    %dma_start3A_29 = tpu.memref_slice %arg3[%add3A_28, %mul3A_0] : memref<160000x256xf32, #tpu.memory_space<hbm>> -> memref<64x128xf32, #tpu.memory_space<hbm>>
    %dma_start3A_30 = tpu.memref_slice %arg3[%add3A_28, %mul3A_0] : memref<160000x256xf32, #tpu.memory_space<hbm>> -> memref<64x128xf32, #tpu.memory_space<hbm>>
    tpu.enqueue_dma source(%dma_start3A_30 : memref<64x128xf32, #tpu.memory_space<hbm>>) target(%arg14 : memref<64x128xf32, #tpu.memory_space<vmem>>) target_semaphore(%arg16 : memref<!tpu.dma_semaphore, #tpu.memory_space<semaphore_mem>>)
    %dma_start3A_31 = arith.constant 1 : i32
    %dma_start3A_32 = arith.constant 0 : i32
    %dma_start3A_33 = tpu.memref_slice %arg5[%arg1, %dma_start3A_31, %dma_start3A_32] : memref<16x157x64xi32, #tpu.memory_space<hbm>> -> memref<1x1x64xi32, #tpu.memory_space<hbm>>
    %dma_start3A_34 = tpu.memref_squeeze %dma_start3A_33 : memref<1x1x64xi32, #tpu.memory_space<hbm>> -> memref<1x64xi32, #tpu.memory_space<hbm>>
    %dma_start3A_35 = arith.constant 1 : i32
    %dma_start3A_36 = arith.constant 0 : i32
    %dma_start3A_37 = tpu.memref_slice %arg5[%arg1, %dma_start3A_35, %dma_start3A_36] : memref<16x157x64xi32, #tpu.memory_space<hbm>> -> memref<1x1x64xi32, #tpu.memory_space<hbm>>
    %dma_start3A_38 = tpu.memref_squeeze %dma_start3A_37 : memref<1x1x64xi32, #tpu.memory_space<hbm>> -> memref<1x64xi32, #tpu.memory_space<hbm>>
    tpu.enqueue_dma source(%dma_start3A_38 : memref<1x64xi32, #tpu.memory_space<hbm>>) target(%arg10 : memref<1x64xi32, #tpu.memory_space<vmem>>) target_semaphore(%arg16 : memref<!tpu.dma_semaphore, #tpu.memory_space<semaphore_mem>>)
    %mul3A_39 = arith.constant 632 : i32
    %mul3A_40 = arith.muli %arg1, %mul3A_39 : i32
    "tpu.region"() ({
      %run_scoped3A_119 = tpu.sem_alloc : memref<!tpu.dma_semaphore, #tpu.memory_space<semaphore_mem>>
      %dma_start3A_120 = arith.constant 0 : i32
      %dma_start3A_121 = tpu.memref_slice %arg17[%mul3A_40, %dma_start3A_120] : memref<10112x128xf32, #tpu.memory_space<vmem_shared>> -> memref<632x128xf32, #tpu.memory_space<vmem_shared>>
      tpu.enqueue_dma source(%arg6 : memref<632x128xf32, #tpu.memory_space<hbm>>) target(%dma_start3A_121 : memref<632x128xf32, #tpu.memory_space<vmem_shared>>) target_semaphore(%run_scoped3A_119 : memref<!tpu.dma_semaphore, #tpu.memory_space<semaphore_mem>>)
      %dma_wait3A_122 = arith.constant 0 : i32
      %dma_wait3A_123 = tpu.memref_slice %arg17[%mul3A_40, %dma_wait3A_122] : memref<10112x128xf32, #tpu.memory_space<vmem_shared>> -> memref<632x128xf32, #tpu.memory_space<vmem_shared>>
      tpu.wait_dma2 semaphore(%run_scoped3A_119 : memref<!tpu.dma_semaphore, #tpu.memory_space<semaphore_mem>>) src(%arg6 : memref<632x128xf32, #tpu.memory_space<hbm>>) dst(%dma_wait3A_123 : memref<632x128xf32, #tpu.memory_space<vmem_shared>>)
      tpu.yield
    }) : () -> ()
    %barrier3A = arith.constant 0 : index
    tpu.barrier barrier_id(%barrier3A)
    %scan3A = arith.constant 0 : i32
    %scan3A_41 = arith.constant 0 : i32
    %scan3A_42 = arith.constant 77 : i32
    %scan3A_43 = arith.addi %scan3A_41, %scan3A_42 : i32
    %scan3A_44 = arith.constant 1 : i32
    %scan3A_45 = scf.for %scan3A_119 = %scan3A_41 to %scan3A_43 step %scan3A_44 iter_args(%scan3A_120 = %scan3A) -> (i32)  : i32 {
      %dma_wait3A_121 = arith.constant 0 : i32
      %dma_wait3A_122 = arith.constant 0 : i32
      %dma_wait3A_123 = tpu.memref_slice %arg6[%dma_wait3A_121, %dma_wait3A_122] : memref<632x128xf32, #tpu.memory_space<hbm>> -> memref<64x128xf32, #tpu.memory_space<hbm>>
      %dma_wait3A_124 = arith.constant 0 : i32
      %dma_wait3A_125 = arith.constant 0 : i32
      %dma_wait3A_126 = tpu.memref_slice %arg6[%dma_wait3A_124, %dma_wait3A_125] : memref<632x128xf32, #tpu.memory_space<hbm>> -> memref<64x128xf32, #tpu.memory_space<hbm>>
      tpu.wait_dma2 semaphore(%arg15 : memref<!tpu.dma_semaphore, #tpu.memory_space<semaphore_mem>>) src(%dma_wait3A_126 : memref<64x128xf32, #tpu.memory_space<hbm>>) dst(%arg11 : memref<64x128xf32, #tpu.memory_space<vmem>>)
      %dma_wait3A_127 = arith.constant 0 : i32
      %dma_wait3A_128 = arith.constant 0 : i32
      %dma_wait3A_129 = tpu.memref_slice %arg6[%dma_wait3A_127, %dma_wait3A_128] : memref<632x128xf32, #tpu.memory_space<hbm>> -> memref<64x128xf32, #tpu.memory_space<hbm>>
      %dma_wait3A_130 = arith.constant 0 : i32
      %dma_wait3A_131 = arith.constant 0 : i32
      %dma_wait3A_132 = tpu.memref_slice %arg6[%dma_wait3A_130, %dma_wait3A_131] : memref<632x128xf32, #tpu.memory_space<hbm>> -> memref<64x128xf32, #tpu.memory_space<hbm>>
      tpu.wait_dma2 semaphore(%arg15 : memref<!tpu.dma_semaphore, #tpu.memory_space<semaphore_mem>>) src(%dma_wait3A_132 : memref<64x128xf32, #tpu.memory_space<hbm>>) dst(%arg13 : memref<64x128xf32, #tpu.memory_space<vmem>>)
      %dma_wait3A_133 = arith.constant 0 : i32
      %dma_wait3A_134 = arith.constant 0 : i32
      %dma_wait3A_135 = tpu.memref_slice %arg5[%arg1, %dma_wait3A_133, %dma_wait3A_134] : memref<16x157x64xi32, #tpu.memory_space<hbm>> -> memref<1x1x64xi32, #tpu.memory_space<hbm>>
      %dma_wait3A_136 = tpu.memref_squeeze %dma_wait3A_135 : memref<1x1x64xi32, #tpu.memory_space<hbm>> -> memref<1x64xi32, #tpu.memory_space<hbm>>
      %dma_wait3A_137 = arith.constant 0 : i32
      %dma_wait3A_138 = arith.constant 0 : i32
      %dma_wait3A_139 = tpu.memref_slice %arg5[%arg1, %dma_wait3A_137, %dma_wait3A_138] : memref<16x157x64xi32, #tpu.memory_space<hbm>> -> memref<1x1x64xi32, #tpu.memory_space<hbm>>
      %dma_wait3A_140 = tpu.memref_squeeze %dma_wait3A_139 : memref<1x1x64xi32, #tpu.memory_space<hbm>> -> memref<1x64xi32, #tpu.memory_space<hbm>>
      tpu.wait_dma2 semaphore(%arg15 : memref<!tpu.dma_semaphore, #tpu.memory_space<semaphore_mem>>) src(%dma_wait3A_140 : memref<1x64xi32, #tpu.memory_space<hbm>>) dst(%arg9 : memref<1x64xi32, #tpu.memory_space<vmem>>)
      %scan3A_141 = arith.constant 0 : i32
      %scan3A_142 = arith.constant 0 : i32
      %scan3A_143 = arith.constant 64 : i32
      %scan3A_144 = arith.addi %scan3A_142, %scan3A_143 : i32
      %scan3A_145 = arith.constant 1 : i32
      %scan3A_146 = scf.for %scan3A_270 = %scan3A_142 to %scan3A_144 step %scan3A_145 iter_args(%scan3A_271 = %scan3A_141) -> (i32)  : i32 {
        %get3A = arith.index_cast %scan3A_270 : i32 to index
        %get3A_272 = arith.constant 0 : index
        %get3A_273 = tpu.vector_load %arg13[%get3A, %get3A_272] {strides = array<i32>} : memref<64x128xf32, #tpu.memory_space<vmem>>, vector<1x16xf32>,
        %get3A_274 = vector.shape_cast %get3A_273 : vector<1x16xf32> to vector<16xf32>
        %get3A_275 = arith.index_cast %scan3A_270 : i32 to index
        %get3A_276 = arith.constant 0 : index
        %get3A_277 = tpu.vector_load %arg11[%get3A_275, %get3A_276] {strides = array<i32>} : memref<64x128xf32, #tpu.memory_space<vmem>>, vector<1x16xf32>,
        %get3A_278 = vector.shape_cast %get3A_277 : vector<1x16xf32> to vector<16xf32>
        %add3A_279 = arith.addf %get3A_274, %get3A_278 : vector<16xf32>
        %max3A = arith.constant 0.000000e+00 : f32
        %max3A_280 = vector.broadcast %max3A : f32 to vector<16xf32>
        %max3A_281 = arith.maximumf %add3A_279, %max3A_280 : vector<16xf32>
        %swap3A = arith.index_cast %scan3A_270 : i32 to index
        %swap3A_282 = arith.constant 0 : index
        %swap3A_283 = tpu.vector_load %arg13[%swap3A, %swap3A_282] {strides = array<i32>} : memref<64x128xf32, #tpu.memory_space<vmem>>, vector<1x16xf32>,
        %swap3A_284 = vector.shape_cast %swap3A_283 : vector<1x16xf32> to vector<16xf32>
        %swap3A_285 = vector.shape_cast %max3A_281 : vector<16xf32> to vector<1x16xf32>
        tpu.vector_store %arg13[%swap3A, %swap3A_282], %swap3A_285 {strides = array<i32>} : memref<64x128xf32, #tpu.memory_space<vmem>>, vector<1x16xf32>,
        %get3A_286 = arith.index_cast %scan3A_270 : i32 to index
        %get3A_287 = arith.constant 16 : index
        %get3A_288 = tpu.vector_load %arg13[%get3A_286, %get3A_287] {strides = array<i32>} : memref<64x128xf32, #tpu.memory_space<vmem>>, vector<1x16xf32>,
        %get3A_289 = vector.shape_cast %get3A_288 : vector<1x16xf32> to vector<16xf32>
        %get3A_290 = arith.index_cast %scan3A_270 : i32 to index
        %get3A_291 = arith.constant 16 : index
        %get3A_292 = tpu.vector_load %arg11[%get3A_290, %get3A_291] {strides = array<i32>} : memref<64x128xf32, #tpu.memory_space<vmem>>, vector<1x16xf32>,
        %get3A_293 = vector.shape_cast %get3A_292 : vector<1x16xf32> to vector<16xf32>
        %add3A_294 = arith.addf %get3A_289, %get3A_293 : vector<16xf32>
        %max3A_295 = arith.constant 0.000000e+00 : f32
        %max3A_296 = vector.broadcast %max3A_295 : f32 to vector<16xf32>
        %max3A_297 = arith.maximumf %add3A_294, %max3A_296 : vector<16xf32>
        %swap3A_298 = arith.index_cast %scan3A_270 : i32 to index
        %swap3A_299 = arith.constant 16 : index
        %swap3A_300 = tpu.vector_load %arg13[%swap3A_298, %swap3A_299] {strides = array<i32>} : memref<64x128xf32, #tpu.memory_space<vmem>>, vector<1x16xf32>,
        %swap3A_301 = vector.shape_cast %swap3A_300 : vector<1x16xf32> to vector<16xf32>
        %swap3A_302 = vector.shape_cast %max3A_297 : vector<16xf32> to vector<1x16xf32>
        tpu.vector_store %arg13[%swap3A_298, %swap3A_299], %swap3A_302 {strides = array<i32>} : memref<64x128xf32, #tpu.memory_space<vmem>>, vector<1x16xf32>,
        %get3A_303 = arith.index_cast %scan3A_270 : i32 to index
        %get3A_304 = arith.constant 32 : index
        %get3A_305 = tpu.vector_load %arg13[%get3A_303, %get3A_304] {strides = array<i32>} : memref<64x128xf32, #tpu.memory_space<vmem>>, vector<1x16xf32>,
        %get3A_306 = vector.shape_cast %get3A_305 : vector<1x16xf32> to vector<16xf32>
        %get3A_307 = arith.index_cast %scan3A_270 : i32 to index
        %get3A_308 = arith.constant 32 : index
        %get3A_309 = tpu.vector_load %arg11[%get3A_307, %get3A_308] {strides = array<i32>} : memref<64x128xf32, #tpu.memory_space<vmem>>, vector<1x16xf32>,
        %get3A_310 = vector.shape_cast %get3A_309 : vector<1x16xf32> to vector<16xf32>
        %add3A_311 = arith.addf %get3A_306, %get3A_310 : vector<16xf32>
        %max3A_312 = arith.constant 0.000000e+00 : f32
        %max3A_313 = vector.broadcast %max3A_312 : f32 to vector<16xf32>
        %max3A_314 = arith.maximumf %add3A_311, %max3A_313 : vector<16xf32>
        %swap3A_315 = arith.index_cast %scan3A_270 : i32 to index
        %swap3A_316 = arith.constant 32 : index
        %swap3A_317 = tpu.vector_load %arg13[%swap3A_315, %swap3A_316] {strides = array<i32>} : memref<64x128xf32, #tpu.memory_space<vmem>>, vector<1x16xf32>,
        %swap3A_318 = vector.shape_cast %swap3A_317 : vector<1x16xf32> to vector<16xf32>
        %swap3A_319 = vector.shape_cast %max3A_314 : vector<16xf32> to vector<1x16xf32>
        tpu.vector_store %arg13[%swap3A_315, %swap3A_316], %swap3A_319 {strides = array<i32>} : memref<64x128xf32, #tpu.memory_space<vmem>>, vector<1x16xf32>,
        %get3A_320 = arith.index_cast %scan3A_270 : i32 to index
        %get3A_321 = arith.constant 48 : index
        %get3A_322 = tpu.vector_load %arg13[%get3A_320, %get3A_321] {strides = array<i32>} : memref<64x128xf32, #tpu.memory_space<vmem>>, vector<1x16xf32>,
        %get3A_323 = vector.shape_cast %get3A_322 : vector<1x16xf32> to vector<16xf32>
        %get3A_324 = arith.index_cast %scan3A_270 : i32 to index
        %get3A_325 = arith.constant 48 : index
        %get3A_326 = tpu.vector_load %arg11[%get3A_324, %get3A_325] {strides = array<i32>} : memref<64x128xf32, #tpu.memory_space<vmem>>, vector<1x16xf32>,
        %get3A_327 = vector.shape_cast %get3A_326 : vector<1x16xf32> to vector<16xf32>
        %add3A_328 = arith.addf %get3A_323, %get3A_327 : vector<16xf32>
        %max3A_329 = arith.constant 0.000000e+00 : f32
        %max3A_330 = vector.broadcast %max3A_329 : f32 to vector<16xf32>
        %max3A_331 = arith.maximumf %add3A_328, %max3A_330 : vector<16xf32>
        %swap3A_332 = arith.index_cast %scan3A_270 : i32 to index
        %swap3A_333 = arith.constant 48 : index
        %swap3A_334 = tpu.vector_load %arg13[%swap3A_332, %swap3A_333] {strides = array<i32>} : memref<64x128xf32, #tpu.memory_space<vmem>>, vector<1x16xf32>,
        %swap3A_335 = vector.shape_cast %swap3A_334 : vector<1x16xf32> to vector<16xf32>
        %swap3A_336 = vector.shape_cast %max3A_331 : vector<16xf32> to vector<1x16xf32>
        tpu.vector_store %arg13[%swap3A_332, %swap3A_333], %swap3A_336 {strides = array<i32>} : memref<64x128xf32, #tpu.memory_space<vmem>>, vector<1x16xf32>,
        %get3A_337 = arith.index_cast %scan3A_270 : i32 to index
        %get3A_338 = arith.constant 64 : index
        %get3A_339 = tpu.vector_load %arg13[%get3A_337, %get3A_338] {strides = array<i32>} : memref<64x128xf32, #tpu.memory_space<vmem>>, vector<1x16xf32>,
        %get3A_340 = vector.shape_cast %get3A_339 : vector<1x16xf32> to vector<16xf32>
        %get3A_341 = arith.index_cast %scan3A_270 : i32 to index
        %get3A_342 = arith.constant 64 : index
        %get3A_343 = tpu.vector_load %arg11[%get3A_341, %get3A_342] {strides = array<i32>} : memref<64x128xf32, #tpu.memory_space<vmem>>, vector<1x16xf32>,
        %get3A_344 = vector.shape_cast %get3A_343 : vector<1x16xf32> to vector<16xf32>
        %add3A_345 = arith.addf %get3A_340, %get3A_344 : vector<16xf32>
        %max3A_346 = arith.constant 0.000000e+00 : f32
        %max3A_347 = vector.broadcast %max3A_346 : f32 to vector<16xf32>
        %max3A_348 = arith.maximumf %add3A_345, %max3A_347 : vector<16xf32>
        %swap3A_349 = arith.index_cast %scan3A_270 : i32 to index
        %swap3A_350 = arith.constant 64 : index
        %swap3A_351 = tpu.vector_load %arg13[%swap3A_349, %swap3A_350] {strides = array<i32>} : memref<64x128xf32, #tpu.memory_space<vmem>>, vector<1x16xf32>,
        %swap3A_352 = vector.shape_cast %swap3A_351 : vector<1x16xf32> to vector<16xf32>
        %swap3A_353 = vector.shape_cast %max3A_348 : vector<16xf32> to vector<1x16xf32>
        tpu.vector_store %arg13[%swap3A_349, %swap3A_350], %swap3A_353 {strides = array<i32>} : memref<64x128xf32, #tpu.memory_space<vmem>>, vector<1x16xf32>,
        %get3A_354 = arith.index_cast %scan3A_270 : i32 to index
        %get3A_355 = arith.constant 80 : index
        %get3A_356 = tpu.vector_load %arg13[%get3A_354, %get3A_355] {strides = array<i32>} : memref<64x128xf32, #tpu.memory_space<vmem>>, vector<1x16xf32>,
        %get3A_357 = vector.shape_cast %get3A_356 : vector<1x16xf32> to vector<16xf32>
        %get3A_358 = arith.index_cast %scan3A_270 : i32 to index
        %get3A_359 = arith.constant 80 : index
        %get3A_360 = tpu.vector_load %arg11[%get3A_358, %get3A_359] {strides = array<i32>} : memref<64x128xf32, #tpu.memory_space<vmem>>, vector<1x16xf32>,
        %get3A_361 = vector.shape_cast %get3A_360 : vector<1x16xf32> to vector<16xf32>
        %add3A_362 = arith.addf %get3A_357, %get3A_361 : vector<16xf32>
        %max3A_363 = arith.constant 0.000000e+00 : f32
        %max3A_364 = vector.broadcast %max3A_363 : f32 to vector<16xf32>
        %max3A_365 = arith.maximumf %add3A_362, %max3A_364 : vector<16xf32>
        %swap3A_366 = arith.index_cast %scan3A_270 : i32 to index
        %swap3A_367 = arith.constant 80 : index
        %swap3A_368 = tpu.vector_load %arg13[%swap3A_366, %swap3A_367] {strides = array<i32>} : memref<64x128xf32, #tpu.memory_space<vmem>>, vector<1x16xf32>,
        %swap3A_369 = vector.shape_cast %swap3A_368 : vector<1x16xf32> to vector<16xf32>
        %swap3A_370 = vector.shape_cast %max3A_365 : vector<16xf32> to vector<1x16xf32>
        tpu.vector_store %arg13[%swap3A_366, %swap3A_367], %swap3A_370 {strides = array<i32>} : memref<64x128xf32, #tpu.memory_space<vmem>>, vector<1x16xf32>,
        %get3A_371 = arith.index_cast %scan3A_270 : i32 to index
        %get3A_372 = arith.constant 96 : index
        %get3A_373 = tpu.vector_load %arg13[%get3A_371, %get3A_372] {strides = array<i32>} : memref<64x128xf32, #tpu.memory_space<vmem>>, vector<1x16xf32>,
        %get3A_374 = vector.shape_cast %get3A_373 : vector<1x16xf32> to vector<16xf32>
        %get3A_375 = arith.index_cast %scan3A_270 : i32 to index
        %get3A_376 = arith.constant 96 : index
        %get3A_377 = tpu.vector_load %arg11[%get3A_375, %get3A_376] {strides = array<i32>} : memref<64x128xf32, #tpu.memory_space<vmem>>, vector<1x16xf32>,
        %get3A_378 = vector.shape_cast %get3A_377 : vector<1x16xf32> to vector<16xf32>
        %add3A_379 = arith.addf %get3A_374, %get3A_378 : vector<16xf32>
        %max3A_380 = arith.constant 0.000000e+00 : f32
        %max3A_381 = vector.broadcast %max3A_380 : f32 to vector<16xf32>
        %max3A_382 = arith.maximumf %add3A_379, %max3A_381 : vector<16xf32>
        %swap3A_383 = arith.index_cast %scan3A_270 : i32 to index
        %swap3A_384 = arith.constant 96 : index
        %swap3A_385 = tpu.vector_load %arg13[%swap3A_383, %swap3A_384] {strides = array<i32>} : memref<64x128xf32, #tpu.memory_space<vmem>>, vector<1x16xf32>,
        %swap3A_386 = vector.shape_cast %swap3A_385 : vector<1x16xf32> to vector<16xf32>
        %swap3A_387 = vector.shape_cast %max3A_382 : vector<16xf32> to vector<1x16xf32>
        tpu.vector_store %arg13[%swap3A_383, %swap3A_384], %swap3A_387 {strides = array<i32>} : memref<64x128xf32, #tpu.memory_space<vmem>>, vector<1x16xf32>,
        %get3A_388 = arith.index_cast %scan3A_270 : i32 to index
        %get3A_389 = arith.constant 112 : index
        %get3A_390 = tpu.vector_load %arg13[%get3A_388, %get3A_389] {strides = array<i32>} : memref<64x128xf32, #tpu.memory_space<vmem>>, vector<1x16xf32>,
        %get3A_391 = vector.shape_cast %get3A_390 : vector<1x16xf32> to vector<16xf32>
        %get3A_392 = arith.index_cast %scan3A_270 : i32 to index
        %get3A_393 = arith.constant 112 : index
        %get3A_394 = tpu.vector_load %arg11[%get3A_392, %get3A_393] {strides = array<i32>} : memref<64x128xf32, #tpu.memory_space<vmem>>, vector<1x16xf32>,
        %get3A_395 = vector.shape_cast %get3A_394 : vector<1x16xf32> to vector<16xf32>
        %add3A_396 = arith.addf %get3A_391, %get3A_395 : vector<16xf32>
        %max3A_397 = arith.constant 0.000000e+00 : f32
        %max3A_398 = vector.broadcast %max3A_397 : f32 to vector<16xf32>
        %max3A_399 = arith.maximumf %add3A_396, %max3A_398 : vector<16xf32>
        %swap3A_400 = arith.index_cast %scan3A_270 : i32 to index
        %swap3A_401 = arith.constant 112 : index
        %swap3A_402 = tpu.vector_load %arg13[%swap3A_400, %swap3A_401] {strides = array<i32>} : memref<64x128xf32, #tpu.memory_space<vmem>>, vector<1x16xf32>,
        %swap3A_403 = vector.shape_cast %swap3A_402 : vector<1x16xf32> to vector<16xf32>
        %swap3A_404 = vector.shape_cast %max3A_399 : vector<16xf32> to vector<1x16xf32>
        tpu.vector_store %arg13[%swap3A_400, %swap3A_401], %swap3A_404 {strides = array<i32>} : memref<64x128xf32, #tpu.memory_space<vmem>>, vector<1x16xf32>,
        %scan3A_405 = arith.constant 0 : i32
        scf.yield %scan3A_405 : i32
      }
      %scan3A_147 = arith.constant 64 : i32
      %run_scoped3A_148 = arith.constant 0 : i32
      "tpu.region"() ({
        %run_scoped3A_270 = tpu.sem_alloc : memref<!tpu.dma_semaphore, #tpu.memory_space<semaphore_mem>>
        %dma_start3A_271 = arith.constant 0 : i32
        %dma_start3A_272 = tpu.memref_slice %arg9[%run_scoped3A_148, %dma_start3A_271] : memref<1x64xi32, #tpu.memory_space<vmem>> -> memref<1x64xi32, #tpu.memory_space<vmem>>
        %dma_start3A_273 = tpu.memref_squeeze %dma_start3A_272 : memref<1x64xi32, #tpu.memory_space<vmem>> -> memref<64xi32, #tpu.memory_space<vmem>>
        %dma_start3A_274 = arith.constant 0 : i32
        %dma_start3A_275 = arith.constant 0 : i32
        %dma_start3A_276 = tpu.memref_slice %arg17[%dma_start3A_274, %dma_start3A_275] : memref<10112x128xf32, #tpu.memory_space<vmem_shared>> -> memref<10112x128xf32, #tpu.memory_space<vmem_shared>>
        tpu.enqueue_indirect_dma source(%arg13 : memref<64x128xf32, #tpu.memory_space<vmem>>) target(%dma_start3A_276 : memref<10112x128xf32, #tpu.memory_space<vmem_shared>>) offsets(%dma_start3A_273 : memref<64xi32, #tpu.memory_space<vmem>>) semaphore(%run_scoped3A_270 : memref<!tpu.dma_semaphore, #tpu.memory_space<semaphore_mem>>) {add = true}
        %dma_wait3A_277 = arith.constant 0 : i32
        %dma_wait3A_278 = tpu.memref_slice %arg9[%run_scoped3A_148, %dma_wait3A_277] : memref<1x64xi32, #tpu.memory_space<vmem>> -> memref<1x64xi32, #tpu.memory_space<vmem>>
        %dma_wait3A_279 = tpu.memref_squeeze %dma_wait3A_278 : memref<1x64xi32, #tpu.memory_space<vmem>> -> memref<64xi32, #tpu.memory_space<vmem>>
        %dma_wait3A_280 = arith.constant 0 : i32
        %dma_wait3A_281 = arith.constant 0 : i32
        %dma_wait3A_282 = tpu.memref_slice %arg17[%dma_wait3A_280, %dma_wait3A_281] : memref<10112x128xf32, #tpu.memory_space<vmem_shared>> -> memref<10112x128xf32, #tpu.memory_space<vmem_shared>>
        tpu.wait_indirect_dma semaphore(%run_scoped3A_270 : memref<!tpu.dma_semaphore, #tpu.memory_space<semaphore_mem>>) src(%arg13 : memref<64x128xf32, #tpu.memory_space<vmem>>) dst(%dma_wait3A_282 : memref<10112x128xf32, #tpu.memory_space<vmem_shared>>)
        tpu.yield
      }) : () -> ()
      %mul3A_149 = arith.constant 2 : i32
      %mul3A_150 = arith.muli %mul3A_149, %scan3A_119 : i32
      %add3A_151 = arith.constant 0 : i32
      %add3A_152 = arith.addi %mul3A_150, %add3A_151 : i32
      %add3A_153 = arith.constant 2 : i32
      %add3A_154 = arith.addi %add3A_152, %add3A_153 : i32
      %sub3A = arith.constant 0 : i32
      %sub3A_155 = arith.subi %add3A_154, %sub3A : i32
      %jit3A = arith.constant 2 : i32
      %div3A = arith.divsi %sub3A_155, %jit3A : i32
      %sign3A = arith.constant 0 : i32
      %sign3A_156 = arith.cmpi sgt, %sub3A_155, %sign3A : i32
      %sign3A_157 = arith.extui %sign3A_156 : i1 to i32
      %sign3A_158 = arith.constant 0 : i32
      %sign3A_159 = arith.cmpi slt, %sub3A_155, %sign3A_158 : i32
      %sign3A_160 = arith.extui %sign3A_159 : i1 to i32
      %sign3A_161 = arith.subi %sign3A_157, %sign3A_160 : i32
      %sign3A_162 = arith.constant 0 : i32
      %sign3A_163 = arith.cmpi sgt, %jit3A, %sign3A_162 : i32
      %sign3A_164 = arith.extui %sign3A_163 : i1 to i32
      %sign3A_165 = arith.constant 0 : i32
      %sign3A_166 = arith.cmpi slt, %jit3A, %sign3A_165 : i32
      %sign3A_167 = arith.extui %sign3A_166 : i1 to i32
      %sign3A_168 = arith.subi %sign3A_164, %sign3A_167 : i32
      %ne3A = arith.cmpi ne, %sign3A_161, %sign3A_168 : i32
      %rem3A = arith.remsi %sub3A_155, %jit3A : i32
      %ne3A_169 = arith.constant 0 : i32
      %ne3A_170 = arith.cmpi ne, %rem3A, %ne3A_169 : i32
      %and3A = arith.andi %ne3A, %ne3A_170 : i1
      %sub3A_171 = arith.constant 1 : i32
      %sub3A_172 = arith.subi %div3A, %sub3A_171 : i32
      %select_n3A = arith.select %and3A, %sub3A_172, %div3A : i32
      %dma_start3A_173 = arith.constant 0 : i32
      %dma_start3A_174 = tpu.memref_slice %arg8[%select_n3A, %dma_start3A_173] : memref<79x128xi32, #tpu.memory_space<vmem>> -> memref<1x64xi32, #tpu.memory_space<vmem>>
      %dma_start3A_175 = tpu.memref_squeeze %dma_start3A_174 : memref<1x64xi32, #tpu.memory_space<vmem>> -> memref<64xi32, #tpu.memory_space<vmem>>
      %dma_start3A_176 = arith.constant 0 : i32
      %dma_start3A_177 = tpu.memref_slice %arg2[%dma_start3A_176, %mul3A_0] : memref<10000x256xf32, #tpu.memory_space<hbm>> -> memref<10000x128xf32, #tpu.memory_space<hbm>>
      tpu.enqueue_indirect_dma source(%dma_start3A_177 : memref<10000x128xf32, #tpu.memory_space<hbm>>) target(%arg11 : memref<64x128xf32, #tpu.memory_space<vmem>>) offsets(%dma_start3A_175 : memref<64xi32, #tpu.memory_space<vmem>>) semaphore(%arg15 : memref<!tpu.dma_semaphore, #tpu.memory_space<semaphore_mem>>)
      %mul3A_178 = arith.constant 10000 : i32
      %mul3A_179 = arith.muli %arg1, %mul3A_178 : i32
      %mul3A_180 = arith.constant 64 : i32
      %mul3A_181 = arith.muli %add3A_154, %mul3A_180 : i32
      %add3A_182 = arith.addi %mul3A_179, %mul3A_181 : i32
      %dma_start3A_183 = tpu.memref_slice %arg3[%add3A_182, %mul3A_0] : memref<160000x256xf32, #tpu.memory_space<hbm>> -> memref<64x128xf32, #tpu.memory_space<hbm>>
      %dma_start3A_184 = tpu.memref_slice %arg3[%add3A_182, %mul3A_0] : memref<160000x256xf32, #tpu.memory_space<hbm>> -> memref<64x128xf32, #tpu.memory_space<hbm>>
      tpu.enqueue_dma source(%dma_start3A_184 : memref<64x128xf32, #tpu.memory_space<hbm>>) target(%arg13 : memref<64x128xf32, #tpu.memory_space<vmem>>) target_semaphore(%arg15 : memref<!tpu.dma_semaphore, #tpu.memory_space<semaphore_mem>>)
      %dma_start3A_185 = arith.constant 0 : i32
      %dma_start3A_186 = tpu.memref_slice %arg5[%arg1, %add3A_154, %dma_start3A_185] : memref<16x157x64xi32, #tpu.memory_space<hbm>> -> memref<1x1x64xi32, #tpu.memory_space<hbm>>
      %dma_start3A_187 = tpu.memref_squeeze %dma_start3A_186 : memref<1x1x64xi32, #tpu.memory_space<hbm>> -> memref<1x64xi32, #tpu.memory_space<hbm>>
      %dma_start3A_188 = arith.constant 0 : i32
      %dma_start3A_189 = tpu.memref_slice %arg5[%arg1, %add3A_154, %dma_start3A_188] : memref<16x157x64xi32, #tpu.memory_space<hbm>> -> memref<1x1x64xi32, #tpu.memory_space<hbm>>
      %dma_start3A_190 = tpu.memref_squeeze %dma_start3A_189 : memref<1x1x64xi32, #tpu.memory_space<hbm>> -> memref<1x64xi32, #tpu.memory_space<hbm>>
      tpu.enqueue_dma source(%dma_start3A_190 : memref<1x64xi32, #tpu.memory_space<hbm>>) target(%arg9 : memref<1x64xi32, #tpu.memory_space<vmem>>) target_semaphore(%arg15 : memref<!tpu.dma_semaphore, #tpu.memory_space<semaphore_mem>>)
      %dma_wait3A_191 = arith.constant 0 : i32
      %dma_wait3A_192 = arith.constant 0 : i32
      %dma_wait3A_193 = tpu.memref_slice %arg6[%dma_wait3A_191, %dma_wait3A_192] : memref<632x128xf32, #tpu.memory_space<hbm>> -> memref<64x128xf32, #tpu.memory_space<hbm>>
      %dma_wait3A_194 = arith.constant 0 : i32
      %dma_wait3A_195 = arith.constant 0 : i32
      %dma_wait3A_196 = tpu.memref_slice %arg6[%dma_wait3A_194, %dma_wait3A_195] : memref<632x128xf32, #tpu.memory_space<hbm>> -> memref<64x128xf32, #tpu.memory_space<hbm>>
      tpu.wait_dma2 semaphore(%arg16 : memref<!tpu.dma_semaphore, #tpu.memory_space<semaphore_mem>>) src(%dma_wait3A_196 : memref<64x128xf32, #tpu.memory_space<hbm>>) dst(%arg12 : memref<64x128xf32, #tpu.memory_space<vmem>>)
      %dma_wait3A_197 = arith.constant 0 : i32
      %dma_wait3A_198 = arith.constant 0 : i32
      %dma_wait3A_199 = tpu.memref_slice %arg6[%dma_wait3A_197, %dma_wait3A_198] : memref<632x128xf32, #tpu.memory_space<hbm>> -> memref<64x128xf32, #tpu.memory_space<hbm>>
      %dma_wait3A_200 = arith.constant 0 : i32
      %dma_wait3A_201 = arith.constant 0 : i32
      %dma_wait3A_202 = tpu.memref_slice %arg6[%dma_wait3A_200, %dma_wait3A_201] : memref<632x128xf32, #tpu.memory_space<hbm>> -> memref<64x128xf32, #tpu.memory_space<hbm>>
      tpu.wait_dma2 semaphore(%arg16 : memref<!tpu.dma_semaphore, #tpu.memory_space<semaphore_mem>>) src(%dma_wait3A_202 : memref<64x128xf32, #tpu.memory_space<hbm>>) dst(%arg14 : memref<64x128xf32, #tpu.memory_space<vmem>>)
      %dma_wait3A_203 = arith.constant 0 : i32
      %dma_wait3A_204 = arith.constant 0 : i32
      %dma_wait3A_205 = tpu.memref_slice %arg5[%arg1, %dma_wait3A_203, %dma_wait3A_204] : memref<16x157x64xi32, #tpu.memory_space<hbm>> -> memref<1x1x64xi32, #tpu.memory_space<hbm>>
      %dma_wait3A_206 = tpu.memref_squeeze %dma_wait3A_205 : memref<1x1x64xi32, #tpu.memory_space<hbm>> -> memref<1x64xi32, #tpu.memory_space<hbm>>
      %dma_wait3A_207 = arith.constant 0 : i32
      %dma_wait3A_208 = arith.constant 0 : i32
      %dma_wait3A_209 = tpu.memref_slice %arg5[%arg1, %dma_wait3A_207, %dma_wait3A_208] : memref<16x157x64xi32, #tpu.memory_space<hbm>> -> memref<1x1x64xi32, #tpu.memory_space<hbm>>
      %dma_wait3A_210 = tpu.memref_squeeze %dma_wait3A_209 : memref<1x1x64xi32, #tpu.memory_space<hbm>> -> memref<1x64xi32, #tpu.memory_space<hbm>>
      tpu.wait_dma2 semaphore(%arg16 : memref<!tpu.dma_semaphore, #tpu.memory_space<semaphore_mem>>) src(%dma_wait3A_210 : memref<1x64xi32, #tpu.memory_space<hbm>>) dst(%arg10 : memref<1x64xi32, #tpu.memory_space<vmem>>)
      %scan3A_211 = arith.constant 0 : i32
      %scan3A_212 = arith.constant 0 : i32
      %scan3A_213 = arith.constant 64 : i32
      %scan3A_214 = arith.addi %scan3A_212, %scan3A_213 : i32
      %scan3A_215 = arith.constant 1 : i32
      %scan3A_216 = scf.for %scan3A_270 = %scan3A_212 to %scan3A_214 step %scan3A_215 iter_args(%scan3A_271 = %scan3A_211) -> (i32)  : i32 {
        %get3A = arith.index_cast %scan3A_270 : i32 to index
        %get3A_272 = arith.constant 0 : index
        %get3A_273 = tpu.vector_load %arg14[%get3A, %get3A_272] {strides = array<i32>} : memref<64x128xf32, #tpu.memory_space<vmem>>, vector<1x16xf32>,
        %get3A_274 = vector.shape_cast %get3A_273 : vector<1x16xf32> to vector<16xf32>
        %get3A_275 = arith.index_cast %scan3A_270 : i32 to index
        %get3A_276 = arith.constant 0 : index
        %get3A_277 = tpu.vector_load %arg12[%get3A_275, %get3A_276] {strides = array<i32>} : memref<64x128xf32, #tpu.memory_space<vmem>>, vector<1x16xf32>,
        %get3A_278 = vector.shape_cast %get3A_277 : vector<1x16xf32> to vector<16xf32>
        %add3A_279 = arith.addf %get3A_274, %get3A_278 : vector<16xf32>
        %max3A = arith.constant 0.000000e+00 : f32
        %max3A_280 = vector.broadcast %max3A : f32 to vector<16xf32>
        %max3A_281 = arith.maximumf %add3A_279, %max3A_280 : vector<16xf32>
        %swap3A = arith.index_cast %scan3A_270 : i32 to index
        %swap3A_282 = arith.constant 0 : index
        %swap3A_283 = tpu.vector_load %arg14[%swap3A, %swap3A_282] {strides = array<i32>} : memref<64x128xf32, #tpu.memory_space<vmem>>, vector<1x16xf32>,
        %swap3A_284 = vector.shape_cast %swap3A_283 : vector<1x16xf32> to vector<16xf32>
        %swap3A_285 = vector.shape_cast %max3A_281 : vector<16xf32> to vector<1x16xf32>
        tpu.vector_store %arg14[%swap3A, %swap3A_282], %swap3A_285 {strides = array<i32>} : memref<64x128xf32, #tpu.memory_space<vmem>>, vector<1x16xf32>,
        %get3A_286 = arith.index_cast %scan3A_270 : i32 to index
        %get3A_287 = arith.constant 16 : index
        %get3A_288 = tpu.vector_load %arg14[%get3A_286, %get3A_287] {strides = array<i32>} : memref<64x128xf32, #tpu.memory_space<vmem>>, vector<1x16xf32>,
        %get3A_289 = vector.shape_cast %get3A_288 : vector<1x16xf32> to vector<16xf32>
        %get3A_290 = arith.index_cast %scan3A_270 : i32 to index
        %get3A_291 = arith.constant 16 : index
        %get3A_292 = tpu.vector_load %arg12[%get3A_290, %get3A_291] {strides = array<i32>} : memref<64x128xf32, #tpu.memory_space<vmem>>, vector<1x16xf32>,
        %get3A_293 = vector.shape_cast %get3A_292 : vector<1x16xf32> to vector<16xf32>
        %add3A_294 = arith.addf %get3A_289, %get3A_293 : vector<16xf32>
        %max3A_295 = arith.constant 0.000000e+00 : f32
        %max3A_296 = vector.broadcast %max3A_295 : f32 to vector<16xf32>
        %max3A_297 = arith.maximumf %add3A_294, %max3A_296 : vector<16xf32>
        %swap3A_298 = arith.index_cast %scan3A_270 : i32 to index
        %swap3A_299 = arith.constant 16 : index
        %swap3A_300 = tpu.vector_load %arg14[%swap3A_298, %swap3A_299] {strides = array<i32>} : memref<64x128xf32, #tpu.memory_space<vmem>>, vector<1x16xf32>,
        %swap3A_301 = vector.shape_cast %swap3A_300 : vector<1x16xf32> to vector<16xf32>
        %swap3A_302 = vector.shape_cast %max3A_297 : vector<16xf32> to vector<1x16xf32>
        tpu.vector_store %arg14[%swap3A_298, %swap3A_299], %swap3A_302 {strides = array<i32>} : memref<64x128xf32, #tpu.memory_space<vmem>>, vector<1x16xf32>,
        %get3A_303 = arith.index_cast %scan3A_270 : i32 to index
        %get3A_304 = arith.constant 32 : index
        %get3A_305 = tpu.vector_load %arg14[%get3A_303, %get3A_304] {strides = array<i32>} : memref<64x128xf32, #tpu.memory_space<vmem>>, vector<1x16xf32>,
        %get3A_306 = vector.shape_cast %get3A_305 : vector<1x16xf32> to vector<16xf32>
        %get3A_307 = arith.index_cast %scan3A_270 : i32 to index
        %get3A_308 = arith.constant 32 : index
        %get3A_309 = tpu.vector_load %arg12[%get3A_307, %get3A_308] {strides = array<i32>} : memref<64x128xf32, #tpu.memory_space<vmem>>, vector<1x16xf32>,
        %get3A_310 = vector.shape_cast %get3A_309 : vector<1x16xf32> to vector<16xf32>
        %add3A_311 = arith.addf %get3A_306, %get3A_310 : vector<16xf32>
        %max3A_312 = arith.constant 0.000000e+00 : f32
        %max3A_313 = vector.broadcast %max3A_312 : f32 to vector<16xf32>
        %max3A_314 = arith.maximumf %add3A_311, %max3A_313 : vector<16xf32>
        %swap3A_315 = arith.index_cast %scan3A_270 : i32 to index
        %swap3A_316 = arith.constant 32 : index
        %swap3A_317 = tpu.vector_load %arg14[%swap3A_315, %swap3A_316] {strides = array<i32>} : memref<64x128xf32, #tpu.memory_space<vmem>>, vector<1x16xf32>,
        %swap3A_318 = vector.shape_cast %swap3A_317 : vector<1x16xf32> to vector<16xf32>
        %swap3A_319 = vector.shape_cast %max3A_314 : vector<16xf32> to vector<1x16xf32>
        tpu.vector_store %arg14[%swap3A_315, %swap3A_316], %swap3A_319 {strides = array<i32>} : memref<64x128xf32, #tpu.memory_space<vmem>>, vector<1x16xf32>,
        %get3A_320 = arith.index_cast %scan3A_270 : i32 to index
        %get3A_321 = arith.constant 48 : index
        %get3A_322 = tpu.vector_load %arg14[%get3A_320, %get3A_321] {strides = array<i32>} : memref<64x128xf32, #tpu.memory_space<vmem>>, vector<1x16xf32>,
        %get3A_323 = vector.shape_cast %get3A_322 : vector<1x16xf32> to vector<16xf32>
        %get3A_324 = arith.index_cast %scan3A_270 : i32 to index
        %get3A_325 = arith.constant 48 : index
        %get3A_326 = tpu.vector_load %arg12[%get3A_324, %get3A_325] {strides = array<i32>} : memref<64x128xf32, #tpu.memory_space<vmem>>, vector<1x16xf32>,
        %get3A_327 = vector.shape_cast %get3A_326 : vector<1x16xf32> to vector<16xf32>
        %add3A_328 = arith.addf %get3A_323, %get3A_327 : vector<16xf32>
        %max3A_329 = arith.constant 0.000000e+00 : f32
        %max3A_330 = vector.broadcast %max3A_329 : f32 to vector<16xf32>
        %max3A_331 = arith.maximumf %add3A_328, %max3A_330 : vector<16xf32>
        %swap3A_332 = arith.index_cast %scan3A_270 : i32 to index
        %swap3A_333 = arith.constant 48 : index
        %swap3A_334 = tpu.vector_load %arg14[%swap3A_332, %swap3A_333] {strides = array<i32>} : memref<64x128xf32, #tpu.memory_space<vmem>>, vector<1x16xf32>,
        %swap3A_335 = vector.shape_cast %swap3A_334 : vector<1x16xf32> to vector<16xf32>
        %swap3A_336 = vector.shape_cast %max3A_331 : vector<16xf32> to vector<1x16xf32>
        tpu.vector_store %arg14[%swap3A_332, %swap3A_333], %swap3A_336 {strides = array<i32>} : memref<64x128xf32, #tpu.memory_space<vmem>>, vector<1x16xf32>,
        %get3A_337 = arith.index_cast %scan3A_270 : i32 to index
        %get3A_338 = arith.constant 64 : index
        %get3A_339 = tpu.vector_load %arg14[%get3A_337, %get3A_338] {strides = array<i32>} : memref<64x128xf32, #tpu.memory_space<vmem>>, vector<1x16xf32>,
        %get3A_340 = vector.shape_cast %get3A_339 : vector<1x16xf32> to vector<16xf32>
        %get3A_341 = arith.index_cast %scan3A_270 : i32 to index
        %get3A_342 = arith.constant 64 : index
        %get3A_343 = tpu.vector_load %arg12[%get3A_341, %get3A_342] {strides = array<i32>} : memref<64x128xf32, #tpu.memory_space<vmem>>, vector<1x16xf32>,
        %get3A_344 = vector.shape_cast %get3A_343 : vector<1x16xf32> to vector<16xf32>
        %add3A_345 = arith.addf %get3A_340, %get3A_344 : vector<16xf32>
        %max3A_346 = arith.constant 0.000000e+00 : f32
        %max3A_347 = vector.broadcast %max3A_346 : f32 to vector<16xf32>
        %max3A_348 = arith.maximumf %add3A_345, %max3A_347 : vector<16xf32>
        %swap3A_349 = arith.index_cast %scan3A_270 : i32 to index
        %swap3A_350 = arith.constant 64 : index
        %swap3A_351 = tpu.vector_load %arg14[%swap3A_349, %swap3A_350] {strides = array<i32>} : memref<64x128xf32, #tpu.memory_space<vmem>>, vector<1x16xf32>,
        %swap3A_352 = vector.shape_cast %swap3A_351 : vector<1x16xf32> to vector<16xf32>
        %swap3A_353 = vector.shape_cast %max3A_348 : vector<16xf32> to vector<1x16xf32>
        tpu.vector_store %arg14[%swap3A_349, %swap3A_350], %swap3A_353 {strides = array<i32>} : memref<64x128xf32, #tpu.memory_space<vmem>>, vector<1x16xf32>,
        %get3A_354 = arith.index_cast %scan3A_270 : i32 to index
        %get3A_355 = arith.constant 80 : index
        %get3A_356 = tpu.vector_load %arg14[%get3A_354, %get3A_355] {strides = array<i32>} : memref<64x128xf32, #tpu.memory_space<vmem>>, vector<1x16xf32>,
        %get3A_357 = vector.shape_cast %get3A_356 : vector<1x16xf32> to vector<16xf32>
        %get3A_358 = arith.index_cast %scan3A_270 : i32 to index
        %get3A_359 = arith.constant 80 : index
        %get3A_360 = tpu.vector_load %arg12[%get3A_358, %get3A_359] {strides = array<i32>} : memref<64x128xf32, #tpu.memory_space<vmem>>, vector<1x16xf32>,
        %get3A_361 = vector.shape_cast %get3A_360 : vector<1x16xf32> to vector<16xf32>
        %add3A_362 = arith.addf %get3A_357, %get3A_361 : vector<16xf32>
        %max3A_363 = arith.constant 0.000000e+00 : f32
        %max3A_364 = vector.broadcast %max3A_363 : f32 to vector<16xf32>
        %max3A_365 = arith.maximumf %add3A_362, %max3A_364 : vector<16xf32>
        %swap3A_366 = arith.index_cast %scan3A_270 : i32 to index
        %swap3A_367 = arith.constant 80 : index
        %swap3A_368 = tpu.vector_load %arg14[%swap3A_366, %swap3A_367] {strides = array<i32>} : memref<64x128xf32, #tpu.memory_space<vmem>>, vector<1x16xf32>,
        %swap3A_369 = vector.shape_cast %swap3A_368 : vector<1x16xf32> to vector<16xf32>
        %swap3A_370 = vector.shape_cast %max3A_365 : vector<16xf32> to vector<1x16xf32>
        tpu.vector_store %arg14[%swap3A_366, %swap3A_367], %swap3A_370 {strides = array<i32>} : memref<64x128xf32, #tpu.memory_space<vmem>>, vector<1x16xf32>,
        %get3A_371 = arith.index_cast %scan3A_270 : i32 to index
        %get3A_372 = arith.constant 96 : index
        %get3A_373 = tpu.vector_load %arg14[%get3A_371, %get3A_372] {strides = array<i32>} : memref<64x128xf32, #tpu.memory_space<vmem>>, vector<1x16xf32>,
        %get3A_374 = vector.shape_cast %get3A_373 : vector<1x16xf32> to vector<16xf32>
        %get3A_375 = arith.index_cast %scan3A_270 : i32 to index
        %get3A_376 = arith.constant 96 : index
        %get3A_377 = tpu.vector_load %arg12[%get3A_375, %get3A_376] {strides = array<i32>} : memref<64x128xf32, #tpu.memory_space<vmem>>, vector<1x16xf32>,
        %get3A_378 = vector.shape_cast %get3A_377 : vector<1x16xf32> to vector<16xf32>
        %add3A_379 = arith.addf %get3A_374, %get3A_378 : vector<16xf32>
        %max3A_380 = arith.constant 0.000000e+00 : f32
        %max3A_381 = vector.broadcast %max3A_380 : f32 to vector<16xf32>
        %max3A_382 = arith.maximumf %add3A_379, %max3A_381 : vector<16xf32>
        %swap3A_383 = arith.index_cast %scan3A_270 : i32 to index
        %swap3A_384 = arith.constant 96 : index
        %swap3A_385 = tpu.vector_load %arg14[%swap3A_383, %swap3A_384] {strides = array<i32>} : memref<64x128xf32, #tpu.memory_space<vmem>>, vector<1x16xf32>,
        %swap3A_386 = vector.shape_cast %swap3A_385 : vector<1x16xf32> to vector<16xf32>
        %swap3A_387 = vector.shape_cast %max3A_382 : vector<16xf32> to vector<1x16xf32>
        tpu.vector_store %arg14[%swap3A_383, %swap3A_384], %swap3A_387 {strides = array<i32>} : memref<64x128xf32, #tpu.memory_space<vmem>>, vector<1x16xf32>,
        %get3A_388 = arith.index_cast %scan3A_270 : i32 to index
        %get3A_389 = arith.constant 112 : index
        %get3A_390 = tpu.vector_load %arg14[%get3A_388, %get3A_389] {strides = array<i32>} : memref<64x128xf32, #tpu.memory_space<vmem>>, vector<1x16xf32>,
        %get3A_391 = vector.shape_cast %get3A_390 : vector<1x16xf32> to vector<16xf32>
        %get3A_392 = arith.index_cast %scan3A_270 : i32 to index
        %get3A_393 = arith.constant 112 : index
        %get3A_394 = tpu.vector_load %arg12[%get3A_392, %get3A_393] {strides = array<i32>} : memref<64x128xf32, #tpu.memory_space<vmem>>, vector<1x16xf32>,
        %get3A_395 = vector.shape_cast %get3A_394 : vector<1x16xf32> to vector<16xf32>
        %add3A_396 = arith.addf %get3A_391, %get3A_395 : vector<16xf32>
        %max3A_397 = arith.constant 0.000000e+00 : f32
        %max3A_398 = vector.broadcast %max3A_397 : f32 to vector<16xf32>
        %max3A_399 = arith.maximumf %add3A_396, %max3A_398 : vector<16xf32>
        %swap3A_400 = arith.index_cast %scan3A_270 : i32 to index
        %swap3A_401 = arith.constant 112 : index
        %swap3A_402 = tpu.vector_load %arg14[%swap3A_400, %swap3A_401] {strides = array<i32>} : memref<64x128xf32, #tpu.memory_space<vmem>>, vector<1x16xf32>,
        %swap3A_403 = vector.shape_cast %swap3A_402 : vector<1x16xf32> to vector<16xf32>
        %swap3A_404 = vector.shape_cast %max3A_399 : vector<16xf32> to vector<1x16xf32>
        tpu.vector_store %arg14[%swap3A_400, %swap3A_401], %swap3A_404 {strides = array<i32>} : memref<64x128xf32, #tpu.memory_space<vmem>>, vector<1x16xf32>,
        %scan3A_405 = arith.constant 0 : i32
        scf.yield %scan3A_405 : i32
      }
      %scan3A_217 = arith.constant 64 : i32
      %run_scoped3A_218 = arith.constant 0 : i32
      "tpu.region"() ({
        %run_scoped3A_270 = tpu.sem_alloc : memref<!tpu.dma_semaphore, #tpu.memory_space<semaphore_mem>>
        %dma_start3A_271 = arith.constant 0 : i32
        %dma_start3A_272 = tpu.memref_slice %arg10[%run_scoped3A_218, %dma_start3A_271] : memref<1x64xi32, #tpu.memory_space<vmem>> -> memref<1x64xi32, #tpu.memory_space<vmem>>
        %dma_start3A_273 = tpu.memref_squeeze %dma_start3A_272 : memref<1x64xi32, #tpu.memory_space<vmem>> -> memref<64xi32, #tpu.memory_space<vmem>>
        %dma_start3A_274 = arith.constant 0 : i32
        %dma_start3A_275 = arith.constant 0 : i32
        %dma_start3A_276 = tpu.memref_slice %arg17[%dma_start3A_274, %dma_start3A_275] : memref<10112x128xf32, #tpu.memory_space<vmem_shared>> -> memref<10112x128xf32, #tpu.memory_space<vmem_shared>>
        tpu.enqueue_indirect_dma source(%arg14 : memref<64x128xf32, #tpu.memory_space<vmem>>) target(%dma_start3A_276 : memref<10112x128xf32, #tpu.memory_space<vmem_shared>>) offsets(%dma_start3A_273 : memref<64xi32, #tpu.memory_space<vmem>>) semaphore(%run_scoped3A_270 : memref<!tpu.dma_semaphore, #tpu.memory_space<semaphore_mem>>) {add = true}
        %dma_wait3A_277 = arith.constant 0 : i32
        %dma_wait3A_278 = tpu.memref_slice %arg10[%run_scoped3A_218, %dma_wait3A_277] : memref<1x64xi32, #tpu.memory_space<vmem>> -> memref<1x64xi32, #tpu.memory_space<vmem>>
        %dma_wait3A_279 = tpu.memref_squeeze %dma_wait3A_278 : memref<1x64xi32, #tpu.memory_space<vmem>> -> memref<64xi32, #tpu.memory_space<vmem>>
        %dma_wait3A_280 = arith.constant 0 : i32
        %dma_wait3A_281 = arith.constant 0 : i32
        %dma_wait3A_282 = tpu.memref_slice %arg17[%dma_wait3A_280, %dma_wait3A_281] : memref<10112x128xf32, #tpu.memory_space<vmem_shared>> -> memref<10112x128xf32, #tpu.memory_space<vmem_shared>>
        tpu.wait_indirect_dma semaphore(%run_scoped3A_270 : memref<!tpu.dma_semaphore, #tpu.memory_space<semaphore_mem>>) src(%arg14 : memref<64x128xf32, #tpu.memory_space<vmem>>) dst(%dma_wait3A_282 : memref<10112x128xf32, #tpu.memory_space<vmem_shared>>)
        tpu.yield
      }) : () -> ()
      %mul3A_219 = arith.constant 2 : i32
      %mul3A_220 = arith.muli %mul3A_219, %scan3A_119 : i32
      %add3A_221 = arith.constant 1 : i32
      %add3A_222 = arith.addi %mul3A_220, %add3A_221 : i32
      %add3A_223 = arith.constant 2 : i32
      %add3A_224 = arith.addi %add3A_222, %add3A_223 : i32
      %sub3A_225 = arith.constant 1 : i32
      %sub3A_226 = arith.subi %add3A_224, %sub3A_225 : i32
      %jit3A_227 = arith.constant 2 : i32
      %div3A_228 = arith.divsi %sub3A_226, %jit3A_227 : i32
      %sign3A_229 = arith.constant 0 : i32
      %sign3A_230 = arith.cmpi sgt, %sub3A_226, %sign3A_229 : i32
      %sign3A_231 = arith.extui %sign3A_230 : i1 to i32
      %sign3A_232 = arith.constant 0 : i32
      %sign3A_233 = arith.cmpi slt, %sub3A_226, %sign3A_232 : i32
      %sign3A_234 = arith.extui %sign3A_233 : i1 to i32
      %sign3A_235 = arith.subi %sign3A_231, %sign3A_234 : i32
      %sign3A_236 = arith.constant 0 : i32
      %sign3A_237 = arith.cmpi sgt, %jit3A_227, %sign3A_236 : i32
      %sign3A_238 = arith.extui %sign3A_237 : i1 to i32
      %sign3A_239 = arith.constant 0 : i32
      %sign3A_240 = arith.cmpi slt, %jit3A_227, %sign3A_239 : i32
      %sign3A_241 = arith.extui %sign3A_240 : i1 to i32
      %sign3A_242 = arith.subi %sign3A_238, %sign3A_241 : i32
      %ne3A_243 = arith.cmpi ne, %sign3A_235, %sign3A_242 : i32
      %rem3A_244 = arith.remsi %sub3A_226, %jit3A_227 : i32
      %ne3A_245 = arith.constant 0 : i32
      %ne3A_246 = arith.cmpi ne, %rem3A_244, %ne3A_245 : i32
      %and3A_247 = arith.andi %ne3A_243, %ne3A_246 : i1
      %sub3A_248 = arith.constant 1 : i32
      %sub3A_249 = arith.subi %div3A_228, %sub3A_248 : i32
      %select_n3A_250 = arith.select %and3A_247, %sub3A_249, %div3A_228 : i32
      %dma_start3A_251 = arith.constant 64 : i32
      %dma_start3A_252 = tpu.memref_slice %arg8[%select_n3A_250, %dma_start3A_251] : memref<79x128xi32, #tpu.memory_space<vmem>> -> memref<1x64xi32, #tpu.memory_space<vmem>>
      %dma_start3A_253 = tpu.memref_squeeze %dma_start3A_252 : memref<1x64xi32, #tpu.memory_space<vmem>> -> memref<64xi32, #tpu.memory_space<vmem>>
      %dma_start3A_254 = arith.constant 0 : i32
      %dma_start3A_255 = tpu.memref_slice %arg2[%dma_start3A_254, %mul3A_0] : memref<10000x256xf32, #tpu.memory_space<hbm>> -> memref<10000x128xf32, #tpu.memory_space<hbm>>
      tpu.enqueue_indirect_dma source(%dma_start3A_255 : memref<10000x128xf32, #tpu.memory_space<hbm>>) target(%arg12 : memref<64x128xf32, #tpu.memory_space<vmem>>) offsets(%dma_start3A_253 : memref<64xi32, #tpu.memory_space<vmem>>) semaphore(%arg16 : memref<!tpu.dma_semaphore, #tpu.memory_space<semaphore_mem>>)
      %mul3A_256 = arith.constant 10000 : i32
      %mul3A_257 = arith.muli %arg1, %mul3A_256 : i32
      %mul3A_258 = arith.constant 64 : i32
      %mul3A_259 = arith.muli %add3A_224, %mul3A_258 : i32
      %add3A_260 = arith.addi %mul3A_257, %mul3A_259 : i32
      %dma_start3A_261 = tpu.memref_slice %arg3[%add3A_260, %mul3A_0] : memref<160000x256xf32, #tpu.memory_space<hbm>> -> memref<64x128xf32, #tpu.memory_space<hbm>>
      %dma_start3A_262 = tpu.memref_slice %arg3[%add3A_260, %mul3A_0] : memref<160000x256xf32, #tpu.memory_space<hbm>> -> memref<64x128xf32, #tpu.memory_space<hbm>>
      tpu.enqueue_dma source(%dma_start3A_262 : memref<64x128xf32, #tpu.memory_space<hbm>>) target(%arg14 : memref<64x128xf32, #tpu.memory_space<vmem>>) target_semaphore(%arg16 : memref<!tpu.dma_semaphore, #tpu.memory_space<semaphore_mem>>)
      %dma_start3A_263 = arith.constant 0 : i32
      %dma_start3A_264 = tpu.memref_slice %arg5[%arg1, %add3A_224, %dma_start3A_263] : memref<16x157x64xi32, #tpu.memory_space<hbm>> -> memref<1x1x64xi32, #tpu.memory_space<hbm>>
      %dma_start3A_265 = tpu.memref_squeeze %dma_start3A_264 : memref<1x1x64xi32, #tpu.memory_space<hbm>> -> memref<1x64xi32, #tpu.memory_space<hbm>>
      %dma_start3A_266 = arith.constant 0 : i32
      %dma_start3A_267 = tpu.memref_slice %arg5[%arg1, %add3A_224, %dma_start3A_266] : memref<16x157x64xi32, #tpu.memory_space<hbm>> -> memref<1x1x64xi32, #tpu.memory_space<hbm>>
      %dma_start3A_268 = tpu.memref_squeeze %dma_start3A_267 : memref<1x1x64xi32, #tpu.memory_space<hbm>> -> memref<1x64xi32, #tpu.memory_space<hbm>>
      tpu.enqueue_dma source(%dma_start3A_268 : memref<1x64xi32, #tpu.memory_space<hbm>>) target(%arg10 : memref<1x64xi32, #tpu.memory_space<vmem>>) target_semaphore(%arg16 : memref<!tpu.dma_semaphore, #tpu.memory_space<semaphore_mem>>)
      %scan3A_269 = arith.constant 0 : i32
      scf.yield %scan3A_269 : i32
    }
    %scan3A_46 = arith.constant 77 : i32
    %dma_wait3A = arith.constant 0 : i32
    %dma_wait3A_47 = arith.constant 0 : i32
    %dma_wait3A_48 = tpu.memref_slice %arg6[%dma_wait3A, %dma_wait3A_47] : memref<632x128xf32, #tpu.memory_space<hbm>> -> memref<64x128xf32, #tpu.memory_space<hbm>>
    %dma_wait3A_49 = arith.constant 0 : i32
    %dma_wait3A_50 = arith.constant 0 : i32
    %dma_wait3A_51 = tpu.memref_slice %arg6[%dma_wait3A_49, %dma_wait3A_50] : memref<632x128xf32, #tpu.memory_space<hbm>> -> memref<64x128xf32, #tpu.memory_space<hbm>>
    tpu.wait_dma2 semaphore(%arg15 : memref<!tpu.dma_semaphore, #tpu.memory_space<semaphore_mem>>) src(%dma_wait3A_51 : memref<64x128xf32, #tpu.memory_space<hbm>>) dst(%arg11 : memref<64x128xf32, #tpu.memory_space<vmem>>)
    %dma_wait3A_52 = arith.constant 0 : i32
    %dma_wait3A_53 = arith.constant 0 : i32
    %dma_wait3A_54 = tpu.memref_slice %arg6[%dma_wait3A_52, %dma_wait3A_53] : memref<632x128xf32, #tpu.memory_space<hbm>> -> memref<64x128xf32, #tpu.memory_space<hbm>>
    %dma_wait3A_55 = arith.constant 0 : i32
    %dma_wait3A_56 = arith.constant 0 : i32
    %dma_wait3A_57 = tpu.memref_slice %arg6[%dma_wait3A_55, %dma_wait3A_56] : memref<632x128xf32, #tpu.memory_space<hbm>> -> memref<64x128xf32, #tpu.memory_space<hbm>>
    tpu.wait_dma2 semaphore(%arg15 : memref<!tpu.dma_semaphore, #tpu.memory_space<semaphore_mem>>) src(%dma_wait3A_57 : memref<64x128xf32, #tpu.memory_space<hbm>>) dst(%arg13 : memref<64x128xf32, #tpu.memory_space<vmem>>)
    %dma_wait3A_58 = arith.constant 0 : i32
    %dma_wait3A_59 = arith.constant 0 : i32
    %dma_wait3A_60 = tpu.memref_slice %arg5[%arg1, %dma_wait3A_58, %dma_wait3A_59] : memref<16x157x64xi32, #tpu.memory_space<hbm>> -> memref<1x1x64xi32, #tpu.memory_space<hbm>>
    %dma_wait3A_61 = tpu.memref_squeeze %dma_wait3A_60 : memref<1x1x64xi32, #tpu.memory_space<hbm>> -> memref<1x64xi32, #tpu.memory_space<hbm>>
    %dma_wait3A_62 = arith.constant 0 : i32
    %dma_wait3A_63 = arith.constant 0 : i32
    %dma_wait3A_64 = tpu.memref_slice %arg5[%arg1, %dma_wait3A_62, %dma_wait3A_63] : memref<16x157x64xi32, #tpu.memory_space<hbm>> -> memref<1x1x64xi32, #tpu.memory_space<hbm>>
    %dma_wait3A_65 = tpu.memref_squeeze %dma_wait3A_64 : memref<1x1x64xi32, #tpu.memory_space<hbm>> -> memref<1x64xi32, #tpu.memory_space<hbm>>
    tpu.wait_dma2 semaphore(%arg15 : memref<!tpu.dma_semaphore, #tpu.memory_space<semaphore_mem>>) src(%dma_wait3A_65 : memref<1x64xi32, #tpu.memory_space<hbm>>) dst(%arg9 : memref<1x64xi32, #tpu.memory_space<vmem>>)
    %scan3A_66 = arith.constant 0 : i32
    %scan3A_67 = arith.constant 0 : i32
    %scan3A_68 = arith.constant 64 : i32
    %scan3A_69 = arith.addi %scan3A_67, %scan3A_68 : i32
    %scan3A_70 = arith.constant 1 : i32
    %scan3A_71 = scf.for %scan3A_119 = %scan3A_67 to %scan3A_69 step %scan3A_70 iter_args(%scan3A_120 = %scan3A_66) -> (i32)  : i32 {
      %get3A = arith.index_cast %scan3A_119 : i32 to index
      %get3A_121 = arith.constant 0 : index
      %get3A_122 = tpu.vector_load %arg13[%get3A, %get3A_121] {strides = array<i32>} : memref<64x128xf32, #tpu.memory_space<vmem>>, vector<1x16xf32>,
      %get3A_123 = vector.shape_cast %get3A_122 : vector<1x16xf32> to vector<16xf32>
      %get3A_124 = arith.index_cast %scan3A_119 : i32 to index
      %get3A_125 = arith.constant 0 : index
      %get3A_126 = tpu.vector_load %arg11[%get3A_124, %get3A_125] {strides = array<i32>} : memref<64x128xf32, #tpu.memory_space<vmem>>, vector<1x16xf32>,
      %get3A_127 = vector.shape_cast %get3A_126 : vector<1x16xf32> to vector<16xf32>
      %add3A_128 = arith.addf %get3A_123, %get3A_127 : vector<16xf32>
      %max3A = arith.constant 0.000000e+00 : f32
      %max3A_129 = vector.broadcast %max3A : f32 to vector<16xf32>
      %max3A_130 = arith.maximumf %add3A_128, %max3A_129 : vector<16xf32>
      %swap3A = arith.index_cast %scan3A_119 : i32 to index
      %swap3A_131 = arith.constant 0 : index
      %swap3A_132 = tpu.vector_load %arg13[%swap3A, %swap3A_131] {strides = array<i32>} : memref<64x128xf32, #tpu.memory_space<vmem>>, vector<1x16xf32>,
      %swap3A_133 = vector.shape_cast %swap3A_132 : vector<1x16xf32> to vector<16xf32>
      %swap3A_134 = vector.shape_cast %max3A_130 : vector<16xf32> to vector<1x16xf32>
      tpu.vector_store %arg13[%swap3A, %swap3A_131], %swap3A_134 {strides = array<i32>} : memref<64x128xf32, #tpu.memory_space<vmem>>, vector<1x16xf32>,
      %get3A_135 = arith.index_cast %scan3A_119 : i32 to index
      %get3A_136 = arith.constant 16 : index
      %get3A_137 = tpu.vector_load %arg13[%get3A_135, %get3A_136] {strides = array<i32>} : memref<64x128xf32, #tpu.memory_space<vmem>>, vector<1x16xf32>,
      %get3A_138 = vector.shape_cast %get3A_137 : vector<1x16xf32> to vector<16xf32>
      %get3A_139 = arith.index_cast %scan3A_119 : i32 to index
      %get3A_140 = arith.constant 16 : index
      %get3A_141 = tpu.vector_load %arg11[%get3A_139, %get3A_140] {strides = array<i32>} : memref<64x128xf32, #tpu.memory_space<vmem>>, vector<1x16xf32>,
      %get3A_142 = vector.shape_cast %get3A_141 : vector<1x16xf32> to vector<16xf32>
      %add3A_143 = arith.addf %get3A_138, %get3A_142 : vector<16xf32>
      %max3A_144 = arith.constant 0.000000e+00 : f32
      %max3A_145 = vector.broadcast %max3A_144 : f32 to vector<16xf32>
      %max3A_146 = arith.maximumf %add3A_143, %max3A_145 : vector<16xf32>
      %swap3A_147 = arith.index_cast %scan3A_119 : i32 to index
      %swap3A_148 = arith.constant 16 : index
      %swap3A_149 = tpu.vector_load %arg13[%swap3A_147, %swap3A_148] {strides = array<i32>} : memref<64x128xf32, #tpu.memory_space<vmem>>, vector<1x16xf32>,
      %swap3A_150 = vector.shape_cast %swap3A_149 : vector<1x16xf32> to vector<16xf32>
      %swap3A_151 = vector.shape_cast %max3A_146 : vector<16xf32> to vector<1x16xf32>
      tpu.vector_store %arg13[%swap3A_147, %swap3A_148], %swap3A_151 {strides = array<i32>} : memref<64x128xf32, #tpu.memory_space<vmem>>, vector<1x16xf32>,
      %get3A_152 = arith.index_cast %scan3A_119 : i32 to index
      %get3A_153 = arith.constant 32 : index
      %get3A_154 = tpu.vector_load %arg13[%get3A_152, %get3A_153] {strides = array<i32>} : memref<64x128xf32, #tpu.memory_space<vmem>>, vector<1x16xf32>,
      %get3A_155 = vector.shape_cast %get3A_154 : vector<1x16xf32> to vector<16xf32>
      %get3A_156 = arith.index_cast %scan3A_119 : i32 to index
      %get3A_157 = arith.constant 32 : index
      %get3A_158 = tpu.vector_load %arg11[%get3A_156, %get3A_157] {strides = array<i32>} : memref<64x128xf32, #tpu.memory_space<vmem>>, vector<1x16xf32>,
      %get3A_159 = vector.shape_cast %get3A_158 : vector<1x16xf32> to vector<16xf32>
      %add3A_160 = arith.addf %get3A_155, %get3A_159 : vector<16xf32>
      %max3A_161 = arith.constant 0.000000e+00 : f32
      %max3A_162 = vector.broadcast %max3A_161 : f32 to vector<16xf32>
      %max3A_163 = arith.maximumf %add3A_160, %max3A_162 : vector<16xf32>
      %swap3A_164 = arith.index_cast %scan3A_119 : i32 to index
      %swap3A_165 = arith.constant 32 : index
      %swap3A_166 = tpu.vector_load %arg13[%swap3A_164, %swap3A_165] {strides = array<i32>} : memref<64x128xf32, #tpu.memory_space<vmem>>, vector<1x16xf32>,
      %swap3A_167 = vector.shape_cast %swap3A_166 : vector<1x16xf32> to vector<16xf32>
      %swap3A_168 = vector.shape_cast %max3A_163 : vector<16xf32> to vector<1x16xf32>
      tpu.vector_store %arg13[%swap3A_164, %swap3A_165], %swap3A_168 {strides = array<i32>} : memref<64x128xf32, #tpu.memory_space<vmem>>, vector<1x16xf32>,
      %get3A_169 = arith.index_cast %scan3A_119 : i32 to index
      %get3A_170 = arith.constant 48 : index
      %get3A_171 = tpu.vector_load %arg13[%get3A_169, %get3A_170] {strides = array<i32>} : memref<64x128xf32, #tpu.memory_space<vmem>>, vector<1x16xf32>,
      %get3A_172 = vector.shape_cast %get3A_171 : vector<1x16xf32> to vector<16xf32>
      %get3A_173 = arith.index_cast %scan3A_119 : i32 to index
      %get3A_174 = arith.constant 48 : index
      %get3A_175 = tpu.vector_load %arg11[%get3A_173, %get3A_174] {strides = array<i32>} : memref<64x128xf32, #tpu.memory_space<vmem>>, vector<1x16xf32>,
      %get3A_176 = vector.shape_cast %get3A_175 : vector<1x16xf32> to vector<16xf32>
      %add3A_177 = arith.addf %get3A_172, %get3A_176 : vector<16xf32>
      %max3A_178 = arith.constant 0.000000e+00 : f32
      %max3A_179 = vector.broadcast %max3A_178 : f32 to vector<16xf32>
      %max3A_180 = arith.maximumf %add3A_177, %max3A_179 : vector<16xf32>
      %swap3A_181 = arith.index_cast %scan3A_119 : i32 to index
      %swap3A_182 = arith.constant 48 : index
      %swap3A_183 = tpu.vector_load %arg13[%swap3A_181, %swap3A_182] {strides = array<i32>} : memref<64x128xf32, #tpu.memory_space<vmem>>, vector<1x16xf32>,
      %swap3A_184 = vector.shape_cast %swap3A_183 : vector<1x16xf32> to vector<16xf32>
      %swap3A_185 = vector.shape_cast %max3A_180 : vector<16xf32> to vector<1x16xf32>
      tpu.vector_store %arg13[%swap3A_181, %swap3A_182], %swap3A_185 {strides = array<i32>} : memref<64x128xf32, #tpu.memory_space<vmem>>, vector<1x16xf32>,
      %get3A_186 = arith.index_cast %scan3A_119 : i32 to index
      %get3A_187 = arith.constant 64 : index
      %get3A_188 = tpu.vector_load %arg13[%get3A_186, %get3A_187] {strides = array<i32>} : memref<64x128xf32, #tpu.memory_space<vmem>>, vector<1x16xf32>,
      %get3A_189 = vector.shape_cast %get3A_188 : vector<1x16xf32> to vector<16xf32>
      %get3A_190 = arith.index_cast %scan3A_119 : i32 to index
      %get3A_191 = arith.constant 64 : index
      %get3A_192 = tpu.vector_load %arg11[%get3A_190, %get3A_191] {strides = array<i32>} : memref<64x128xf32, #tpu.memory_space<vmem>>, vector<1x16xf32>,
      %get3A_193 = vector.shape_cast %get3A_192 : vector<1x16xf32> to vector<16xf32>
      %add3A_194 = arith.addf %get3A_189, %get3A_193 : vector<16xf32>
      %max3A_195 = arith.constant 0.000000e+00 : f32
      %max3A_196 = vector.broadcast %max3A_195 : f32 to vector<16xf32>
      %max3A_197 = arith.maximumf %add3A_194, %max3A_196 : vector<16xf32>
      %swap3A_198 = arith.index_cast %scan3A_119 : i32 to index
      %swap3A_199 = arith.constant 64 : index
      %swap3A_200 = tpu.vector_load %arg13[%swap3A_198, %swap3A_199] {strides = array<i32>} : memref<64x128xf32, #tpu.memory_space<vmem>>, vector<1x16xf32>,
      %swap3A_201 = vector.shape_cast %swap3A_200 : vector<1x16xf32> to vector<16xf32>
      %swap3A_202 = vector.shape_cast %max3A_197 : vector<16xf32> to vector<1x16xf32>
      tpu.vector_store %arg13[%swap3A_198, %swap3A_199], %swap3A_202 {strides = array<i32>} : memref<64x128xf32, #tpu.memory_space<vmem>>, vector<1x16xf32>,
      %get3A_203 = arith.index_cast %scan3A_119 : i32 to index
      %get3A_204 = arith.constant 80 : index
      %get3A_205 = tpu.vector_load %arg13[%get3A_203, %get3A_204] {strides = array<i32>} : memref<64x128xf32, #tpu.memory_space<vmem>>, vector<1x16xf32>,
      %get3A_206 = vector.shape_cast %get3A_205 : vector<1x16xf32> to vector<16xf32>
      %get3A_207 = arith.index_cast %scan3A_119 : i32 to index
      %get3A_208 = arith.constant 80 : index
      %get3A_209 = tpu.vector_load %arg11[%get3A_207, %get3A_208] {strides = array<i32>} : memref<64x128xf32, #tpu.memory_space<vmem>>, vector<1x16xf32>,
      %get3A_210 = vector.shape_cast %get3A_209 : vector<1x16xf32> to vector<16xf32>
      %add3A_211 = arith.addf %get3A_206, %get3A_210 : vector<16xf32>
      %max3A_212 = arith.constant 0.000000e+00 : f32
      %max3A_213 = vector.broadcast %max3A_212 : f32 to vector<16xf32>
      %max3A_214 = arith.maximumf %add3A_211, %max3A_213 : vector<16xf32>
      %swap3A_215 = arith.index_cast %scan3A_119 : i32 to index
      %swap3A_216 = arith.constant 80 : index
      %swap3A_217 = tpu.vector_load %arg13[%swap3A_215, %swap3A_216] {strides = array<i32>} : memref<64x128xf32, #tpu.memory_space<vmem>>, vector<1x16xf32>,
      %swap3A_218 = vector.shape_cast %swap3A_217 : vector<1x16xf32> to vector<16xf32>
      %swap3A_219 = vector.shape_cast %max3A_214 : vector<16xf32> to vector<1x16xf32>
      tpu.vector_store %arg13[%swap3A_215, %swap3A_216], %swap3A_219 {strides = array<i32>} : memref<64x128xf32, #tpu.memory_space<vmem>>, vector<1x16xf32>,
      %get3A_220 = arith.index_cast %scan3A_119 : i32 to index
      %get3A_221 = arith.constant 96 : index
      %get3A_222 = tpu.vector_load %arg13[%get3A_220, %get3A_221] {strides = array<i32>} : memref<64x128xf32, #tpu.memory_space<vmem>>, vector<1x16xf32>,
      %get3A_223 = vector.shape_cast %get3A_222 : vector<1x16xf32> to vector<16xf32>
      %get3A_224 = arith.index_cast %scan3A_119 : i32 to index
      %get3A_225 = arith.constant 96 : index
      %get3A_226 = tpu.vector_load %arg11[%get3A_224, %get3A_225] {strides = array<i32>} : memref<64x128xf32, #tpu.memory_space<vmem>>, vector<1x16xf32>,
      %get3A_227 = vector.shape_cast %get3A_226 : vector<1x16xf32> to vector<16xf32>
      %add3A_228 = arith.addf %get3A_223, %get3A_227 : vector<16xf32>
      %max3A_229 = arith.constant 0.000000e+00 : f32
      %max3A_230 = vector.broadcast %max3A_229 : f32 to vector<16xf32>
      %max3A_231 = arith.maximumf %add3A_228, %max3A_230 : vector<16xf32>
      %swap3A_232 = arith.index_cast %scan3A_119 : i32 to index
      %swap3A_233 = arith.constant 96 : index
      %swap3A_234 = tpu.vector_load %arg13[%swap3A_232, %swap3A_233] {strides = array<i32>} : memref<64x128xf32, #tpu.memory_space<vmem>>, vector<1x16xf32>,
      %swap3A_235 = vector.shape_cast %swap3A_234 : vector<1x16xf32> to vector<16xf32>
      %swap3A_236 = vector.shape_cast %max3A_231 : vector<16xf32> to vector<1x16xf32>
      tpu.vector_store %arg13[%swap3A_232, %swap3A_233], %swap3A_236 {strides = array<i32>} : memref<64x128xf32, #tpu.memory_space<vmem>>, vector<1x16xf32>,
      %get3A_237 = arith.index_cast %scan3A_119 : i32 to index
      %get3A_238 = arith.constant 112 : index
      %get3A_239 = tpu.vector_load %arg13[%get3A_237, %get3A_238] {strides = array<i32>} : memref<64x128xf32, #tpu.memory_space<vmem>>, vector<1x16xf32>,
      %get3A_240 = vector.shape_cast %get3A_239 : vector<1x16xf32> to vector<16xf32>
      %get3A_241 = arith.index_cast %scan3A_119 : i32 to index
      %get3A_242 = arith.constant 112 : index
      %get3A_243 = tpu.vector_load %arg11[%get3A_241, %get3A_242] {strides = array<i32>} : memref<64x128xf32, #tpu.memory_space<vmem>>, vector<1x16xf32>,
      %get3A_244 = vector.shape_cast %get3A_243 : vector<1x16xf32> to vector<16xf32>
      %add3A_245 = arith.addf %get3A_240, %get3A_244 : vector<16xf32>
      %max3A_246 = arith.constant 0.000000e+00 : f32
      %max3A_247 = vector.broadcast %max3A_246 : f32 to vector<16xf32>
      %max3A_248 = arith.maximumf %add3A_245, %max3A_247 : vector<16xf32>
      %swap3A_249 = arith.index_cast %scan3A_119 : i32 to index
      %swap3A_250 = arith.constant 112 : index
      %swap3A_251 = tpu.vector_load %arg13[%swap3A_249, %swap3A_250] {strides = array<i32>} : memref<64x128xf32, #tpu.memory_space<vmem>>, vector<1x16xf32>,
      %swap3A_252 = vector.shape_cast %swap3A_251 : vector<1x16xf32> to vector<16xf32>
      %swap3A_253 = vector.shape_cast %max3A_248 : vector<16xf32> to vector<1x16xf32>
      tpu.vector_store %arg13[%swap3A_249, %swap3A_250], %swap3A_253 {strides = array<i32>} : memref<64x128xf32, #tpu.memory_space<vmem>>, vector<1x16xf32>,
      %scan3A_254 = arith.constant 0 : i32
      scf.yield %scan3A_254 : i32
    }
    %scan3A_72 = arith.constant 64 : i32
    %run_scoped3A = arith.constant 0 : i32
    "tpu.region"() ({
      %run_scoped3A_119 = tpu.sem_alloc : memref<!tpu.dma_semaphore, #tpu.memory_space<semaphore_mem>>
      %dma_start3A_120 = arith.constant 0 : i32
      %dma_start3A_121 = tpu.memref_slice %arg9[%run_scoped3A, %dma_start3A_120] : memref<1x64xi32, #tpu.memory_space<vmem>> -> memref<1x64xi32, #tpu.memory_space<vmem>>
      %dma_start3A_122 = tpu.memref_squeeze %dma_start3A_121 : memref<1x64xi32, #tpu.memory_space<vmem>> -> memref<64xi32, #tpu.memory_space<vmem>>
      %dma_start3A_123 = arith.constant 0 : i32
      %dma_start3A_124 = arith.constant 0 : i32
      %dma_start3A_125 = tpu.memref_slice %arg17[%dma_start3A_123, %dma_start3A_124] : memref<10112x128xf32, #tpu.memory_space<vmem_shared>> -> memref<10112x128xf32, #tpu.memory_space<vmem_shared>>
      tpu.enqueue_indirect_dma source(%arg13 : memref<64x128xf32, #tpu.memory_space<vmem>>) target(%dma_start3A_125 : memref<10112x128xf32, #tpu.memory_space<vmem_shared>>) offsets(%dma_start3A_122 : memref<64xi32, #tpu.memory_space<vmem>>) semaphore(%run_scoped3A_119 : memref<!tpu.dma_semaphore, #tpu.memory_space<semaphore_mem>>) {add = true}
      %dma_wait3A_126 = arith.constant 0 : i32
      %dma_wait3A_127 = tpu.memref_slice %arg9[%run_scoped3A, %dma_wait3A_126] : memref<1x64xi32, #tpu.memory_space<vmem>> -> memref<1x64xi32, #tpu.memory_space<vmem>>
      %dma_wait3A_128 = tpu.memref_squeeze %dma_wait3A_127 : memref<1x64xi32, #tpu.memory_space<vmem>> -> memref<64xi32, #tpu.memory_space<vmem>>
      %dma_wait3A_129 = arith.constant 0 : i32
      %dma_wait3A_130 = arith.constant 0 : i32
      %dma_wait3A_131 = tpu.memref_slice %arg17[%dma_wait3A_129, %dma_wait3A_130] : memref<10112x128xf32, #tpu.memory_space<vmem_shared>> -> memref<10112x128xf32, #tpu.memory_space<vmem_shared>>
      tpu.wait_indirect_dma semaphore(%run_scoped3A_119 : memref<!tpu.dma_semaphore, #tpu.memory_space<semaphore_mem>>) src(%arg13 : memref<64x128xf32, #tpu.memory_space<vmem>>) dst(%dma_wait3A_131 : memref<10112x128xf32, #tpu.memory_space<vmem_shared>>)
      tpu.yield
    }) : () -> ()
    %dma_wait3A_73 = arith.constant 0 : i32
    %dma_wait3A_74 = arith.constant 0 : i32
    %dma_wait3A_75 = tpu.memref_slice %arg6[%dma_wait3A_73, %dma_wait3A_74] : memref<632x128xf32, #tpu.memory_space<hbm>> -> memref<64x128xf32, #tpu.memory_space<hbm>>
    %dma_wait3A_76 = arith.constant 0 : i32
    %dma_wait3A_77 = arith.constant 0 : i32
    %dma_wait3A_78 = tpu.memref_slice %arg6[%dma_wait3A_76, %dma_wait3A_77] : memref<632x128xf32, #tpu.memory_space<hbm>> -> memref<64x128xf32, #tpu.memory_space<hbm>>
    tpu.wait_dma2 semaphore(%arg16 : memref<!tpu.dma_semaphore, #tpu.memory_space<semaphore_mem>>) src(%dma_wait3A_78 : memref<64x128xf32, #tpu.memory_space<hbm>>) dst(%arg12 : memref<64x128xf32, #tpu.memory_space<vmem>>)
    %dma_wait3A_79 = arith.constant 0 : i32
    %dma_wait3A_80 = arith.constant 0 : i32
    %dma_wait3A_81 = tpu.memref_slice %arg6[%dma_wait3A_79, %dma_wait3A_80] : memref<632x128xf32, #tpu.memory_space<hbm>> -> memref<64x128xf32, #tpu.memory_space<hbm>>
    %dma_wait3A_82 = arith.constant 0 : i32
    %dma_wait3A_83 = arith.constant 0 : i32
    %dma_wait3A_84 = tpu.memref_slice %arg6[%dma_wait3A_82, %dma_wait3A_83] : memref<632x128xf32, #tpu.memory_space<hbm>> -> memref<64x128xf32, #tpu.memory_space<hbm>>
    tpu.wait_dma2 semaphore(%arg16 : memref<!tpu.dma_semaphore, #tpu.memory_space<semaphore_mem>>) src(%dma_wait3A_84 : memref<64x128xf32, #tpu.memory_space<hbm>>) dst(%arg14 : memref<64x128xf32, #tpu.memory_space<vmem>>)
    %dma_wait3A_85 = arith.constant 0 : i32
    %dma_wait3A_86 = arith.constant 0 : i32
    %dma_wait3A_87 = tpu.memref_slice %arg5[%arg1, %dma_wait3A_85, %dma_wait3A_86] : memref<16x157x64xi32, #tpu.memory_space<hbm>> -> memref<1x1x64xi32, #tpu.memory_space<hbm>>
    %dma_wait3A_88 = tpu.memref_squeeze %dma_wait3A_87 : memref<1x1x64xi32, #tpu.memory_space<hbm>> -> memref<1x64xi32, #tpu.memory_space<hbm>>
    %dma_wait3A_89 = arith.constant 0 : i32
    %dma_wait3A_90 = arith.constant 0 : i32
    %dma_wait3A_91 = tpu.memref_slice %arg5[%arg1, %dma_wait3A_89, %dma_wait3A_90] : memref<16x157x64xi32, #tpu.memory_space<hbm>> -> memref<1x1x64xi32, #tpu.memory_space<hbm>>
    %dma_wait3A_92 = tpu.memref_squeeze %dma_wait3A_91 : memref<1x1x64xi32, #tpu.memory_space<hbm>> -> memref<1x64xi32, #tpu.memory_space<hbm>>
    tpu.wait_dma2 semaphore(%arg16 : memref<!tpu.dma_semaphore, #tpu.memory_space<semaphore_mem>>) src(%dma_wait3A_92 : memref<1x64xi32, #tpu.memory_space<hbm>>) dst(%arg10 : memref<1x64xi32, #tpu.memory_space<vmem>>)
    %scan3A_93 = arith.constant 0 : i32
    %scan3A_94 = arith.constant 0 : i32
    %scan3A_95 = arith.constant 64 : i32
    %scan3A_96 = arith.addi %scan3A_94, %scan3A_95 : i32
    %scan3A_97 = arith.constant 1 : i32
    %scan3A_98 = scf.for %scan3A_119 = %scan3A_94 to %scan3A_96 step %scan3A_97 iter_args(%scan3A_120 = %scan3A_93) -> (i32)  : i32 {
      %get3A = arith.index_cast %scan3A_119 : i32 to index
      %get3A_121 = arith.constant 0 : index
      %get3A_122 = tpu.vector_load %arg14[%get3A, %get3A_121] {strides = array<i32>} : memref<64x128xf32, #tpu.memory_space<vmem>>, vector<1x16xf32>,
      %get3A_123 = vector.shape_cast %get3A_122 : vector<1x16xf32> to vector<16xf32>
      %get3A_124 = arith.index_cast %scan3A_119 : i32 to index
      %get3A_125 = arith.constant 0 : index
      %get3A_126 = tpu.vector_load %arg12[%get3A_124, %get3A_125] {strides = array<i32>} : memref<64x128xf32, #tpu.memory_space<vmem>>, vector<1x16xf32>,
      %get3A_127 = vector.shape_cast %get3A_126 : vector<1x16xf32> to vector<16xf32>
      %add3A_128 = arith.addf %get3A_123, %get3A_127 : vector<16xf32>
      %max3A = arith.constant 0.000000e+00 : f32
      %max3A_129 = vector.broadcast %max3A : f32 to vector<16xf32>
      %max3A_130 = arith.maximumf %add3A_128, %max3A_129 : vector<16xf32>
      %swap3A = arith.index_cast %scan3A_119 : i32 to index
      %swap3A_131 = arith.constant 0 : index
      %swap3A_132 = tpu.vector_load %arg14[%swap3A, %swap3A_131] {strides = array<i32>} : memref<64x128xf32, #tpu.memory_space<vmem>>, vector<1x16xf32>,
      %swap3A_133 = vector.shape_cast %swap3A_132 : vector<1x16xf32> to vector<16xf32>
      %swap3A_134 = vector.shape_cast %max3A_130 : vector<16xf32> to vector<1x16xf32>
      tpu.vector_store %arg14[%swap3A, %swap3A_131], %swap3A_134 {strides = array<i32>} : memref<64x128xf32, #tpu.memory_space<vmem>>, vector<1x16xf32>,
      %get3A_135 = arith.index_cast %scan3A_119 : i32 to index
      %get3A_136 = arith.constant 16 : index
      %get3A_137 = tpu.vector_load %arg14[%get3A_135, %get3A_136] {strides = array<i32>} : memref<64x128xf32, #tpu.memory_space<vmem>>, vector<1x16xf32>,
      %get3A_138 = vector.shape_cast %get3A_137 : vector<1x16xf32> to vector<16xf32>
      %get3A_139 = arith.index_cast %scan3A_119 : i32 to index
      %get3A_140 = arith.constant 16 : index
      %get3A_141 = tpu.vector_load %arg12[%get3A_139, %get3A_140] {strides = array<i32>} : memref<64x128xf32, #tpu.memory_space<vmem>>, vector<1x16xf32>,
      %get3A_142 = vector.shape_cast %get3A_141 : vector<1x16xf32> to vector<16xf32>
      %add3A_143 = arith.addf %get3A_138, %get3A_142 : vector<16xf32>
      %max3A_144 = arith.constant 0.000000e+00 : f32
      %max3A_145 = vector.broadcast %max3A_144 : f32 to vector<16xf32>
      %max3A_146 = arith.maximumf %add3A_143, %max3A_145 : vector<16xf32>
      %swap3A_147 = arith.index_cast %scan3A_119 : i32 to index
      %swap3A_148 = arith.constant 16 : index
      %swap3A_149 = tpu.vector_load %arg14[%swap3A_147, %swap3A_148] {strides = array<i32>} : memref<64x128xf32, #tpu.memory_space<vmem>>, vector<1x16xf32>,
      %swap3A_150 = vector.shape_cast %swap3A_149 : vector<1x16xf32> to vector<16xf32>
      %swap3A_151 = vector.shape_cast %max3A_146 : vector<16xf32> to vector<1x16xf32>
      tpu.vector_store %arg14[%swap3A_147, %swap3A_148], %swap3A_151 {strides = array<i32>} : memref<64x128xf32, #tpu.memory_space<vmem>>, vector<1x16xf32>,
      %get3A_152 = arith.index_cast %scan3A_119 : i32 to index
      %get3A_153 = arith.constant 32 : index
      %get3A_154 = tpu.vector_load %arg14[%get3A_152, %get3A_153] {strides = array<i32>} : memref<64x128xf32, #tpu.memory_space<vmem>>, vector<1x16xf32>,
      %get3A_155 = vector.shape_cast %get3A_154 : vector<1x16xf32> to vector<16xf32>
      %get3A_156 = arith.index_cast %scan3A_119 : i32 to index
      %get3A_157 = arith.constant 32 : index
      %get3A_158 = tpu.vector_load %arg12[%get3A_156, %get3A_157] {strides = array<i32>} : memref<64x128xf32, #tpu.memory_space<vmem>>, vector<1x16xf32>,
      %get3A_159 = vector.shape_cast %get3A_158 : vector<1x16xf32> to vector<16xf32>
      %add3A_160 = arith.addf %get3A_155, %get3A_159 : vector<16xf32>
      %max3A_161 = arith.constant 0.000000e+00 : f32
      %max3A_162 = vector.broadcast %max3A_161 : f32 to vector<16xf32>
      %max3A_163 = arith.maximumf %add3A_160, %max3A_162 : vector<16xf32>
      %swap3A_164 = arith.index_cast %scan3A_119 : i32 to index
      %swap3A_165 = arith.constant 32 : index
      %swap3A_166 = tpu.vector_load %arg14[%swap3A_164, %swap3A_165] {strides = array<i32>} : memref<64x128xf32, #tpu.memory_space<vmem>>, vector<1x16xf32>,
      %swap3A_167 = vector.shape_cast %swap3A_166 : vector<1x16xf32> to vector<16xf32>
      %swap3A_168 = vector.shape_cast %max3A_163 : vector<16xf32> to vector<1x16xf32>
      tpu.vector_store %arg14[%swap3A_164, %swap3A_165], %swap3A_168 {strides = array<i32>} : memref<64x128xf32, #tpu.memory_space<vmem>>, vector<1x16xf32>,
      %get3A_169 = arith.index_cast %scan3A_119 : i32 to index
      %get3A_170 = arith.constant 48 : index
      %get3A_171 = tpu.vector_load %arg14[%get3A_169, %get3A_170] {strides = array<i32>} : memref<64x128xf32, #tpu.memory_space<vmem>>, vector<1x16xf32>,
      %get3A_172 = vector.shape_cast %get3A_171 : vector<1x16xf32> to vector<16xf32>
      %get3A_173 = arith.index_cast %scan3A_119 : i32 to index
      %get3A_174 = arith.constant 48 : index
      %get3A_175 = tpu.vector_load %arg12[%get3A_173, %get3A_174] {strides = array<i32>} : memref<64x128xf32, #tpu.memory_space<vmem>>, vector<1x16xf32>,
      %get3A_176 = vector.shape_cast %get3A_175 : vector<1x16xf32> to vector<16xf32>
      %add3A_177 = arith.addf %get3A_172, %get3A_176 : vector<16xf32>
      %max3A_178 = arith.constant 0.000000e+00 : f32
      %max3A_179 = vector.broadcast %max3A_178 : f32 to vector<16xf32>
      %max3A_180 = arith.maximumf %add3A_177, %max3A_179 : vector<16xf32>
      %swap3A_181 = arith.index_cast %scan3A_119 : i32 to index
      %swap3A_182 = arith.constant 48 : index
      %swap3A_183 = tpu.vector_load %arg14[%swap3A_181, %swap3A_182] {strides = array<i32>} : memref<64x128xf32, #tpu.memory_space<vmem>>, vector<1x16xf32>,
      %swap3A_184 = vector.shape_cast %swap3A_183 : vector<1x16xf32> to vector<16xf32>
      %swap3A_185 = vector.shape_cast %max3A_180 : vector<16xf32> to vector<1x16xf32>
      tpu.vector_store %arg14[%swap3A_181, %swap3A_182], %swap3A_185 {strides = array<i32>} : memref<64x128xf32, #tpu.memory_space<vmem>>, vector<1x16xf32>,
      %get3A_186 = arith.index_cast %scan3A_119 : i32 to index
      %get3A_187 = arith.constant 64 : index
      %get3A_188 = tpu.vector_load %arg14[%get3A_186, %get3A_187] {strides = array<i32>} : memref<64x128xf32, #tpu.memory_space<vmem>>, vector<1x16xf32>,
      %get3A_189 = vector.shape_cast %get3A_188 : vector<1x16xf32> to vector<16xf32>
      %get3A_190 = arith.index_cast %scan3A_119 : i32 to index
      %get3A_191 = arith.constant 64 : index
      %get3A_192 = tpu.vector_load %arg12[%get3A_190, %get3A_191] {strides = array<i32>} : memref<64x128xf32, #tpu.memory_space<vmem>>, vector<1x16xf32>,
      %get3A_193 = vector.shape_cast %get3A_192 : vector<1x16xf32> to vector<16xf32>
      %add3A_194 = arith.addf %get3A_189, %get3A_193 : vector<16xf32>
      %max3A_195 = arith.constant 0.000000e+00 : f32
      %max3A_196 = vector.broadcast %max3A_195 : f32 to vector<16xf32>
      %max3A_197 = arith.maximumf %add3A_194, %max3A_196 : vector<16xf32>
      %swap3A_198 = arith.index_cast %scan3A_119 : i32 to index
      %swap3A_199 = arith.constant 64 : index
      %swap3A_200 = tpu.vector_load %arg14[%swap3A_198, %swap3A_199] {strides = array<i32>} : memref<64x128xf32, #tpu.memory_space<vmem>>, vector<1x16xf32>,
      %swap3A_201 = vector.shape_cast %swap3A_200 : vector<1x16xf32> to vector<16xf32>
      %swap3A_202 = vector.shape_cast %max3A_197 : vector<16xf32> to vector<1x16xf32>
      tpu.vector_store %arg14[%swap3A_198, %swap3A_199], %swap3A_202 {strides = array<i32>} : memref<64x128xf32, #tpu.memory_space<vmem>>, vector<1x16xf32>,
      %get3A_203 = arith.index_cast %scan3A_119 : i32 to index
      %get3A_204 = arith.constant 80 : index
      %get3A_205 = tpu.vector_load %arg14[%get3A_203, %get3A_204] {strides = array<i32>} : memref<64x128xf32, #tpu.memory_space<vmem>>, vector<1x16xf32>,
      %get3A_206 = vector.shape_cast %get3A_205 : vector<1x16xf32> to vector<16xf32>
      %get3A_207 = arith.index_cast %scan3A_119 : i32 to index
      %get3A_208 = arith.constant 80 : index
      %get3A_209 = tpu.vector_load %arg12[%get3A_207, %get3A_208] {strides = array<i32>} : memref<64x128xf32, #tpu.memory_space<vmem>>, vector<1x16xf32>,
      %get3A_210 = vector.shape_cast %get3A_209 : vector<1x16xf32> to vector<16xf32>
      %add3A_211 = arith.addf %get3A_206, %get3A_210 : vector<16xf32>
      %max3A_212 = arith.constant 0.000000e+00 : f32
      %max3A_213 = vector.broadcast %max3A_212 : f32 to vector<16xf32>
      %max3A_214 = arith.maximumf %add3A_211, %max3A_213 : vector<16xf32>
      %swap3A_215 = arith.index_cast %scan3A_119 : i32 to index
      %swap3A_216 = arith.constant 80 : index
      %swap3A_217 = tpu.vector_load %arg14[%swap3A_215, %swap3A_216] {strides = array<i32>} : memref<64x128xf32, #tpu.memory_space<vmem>>, vector<1x16xf32>,
      %swap3A_218 = vector.shape_cast %swap3A_217 : vector<1x16xf32> to vector<16xf32>
      %swap3A_219 = vector.shape_cast %max3A_214 : vector<16xf32> to vector<1x16xf32>
      tpu.vector_store %arg14[%swap3A_215, %swap3A_216], %swap3A_219 {strides = array<i32>} : memref<64x128xf32, #tpu.memory_space<vmem>>, vector<1x16xf32>,
      %get3A_220 = arith.index_cast %scan3A_119 : i32 to index
      %get3A_221 = arith.constant 96 : index
      %get3A_222 = tpu.vector_load %arg14[%get3A_220, %get3A_221] {strides = array<i32>} : memref<64x128xf32, #tpu.memory_space<vmem>>, vector<1x16xf32>,
      %get3A_223 = vector.shape_cast %get3A_222 : vector<1x16xf32> to vector<16xf32>
      %get3A_224 = arith.index_cast %scan3A_119 : i32 to index
      %get3A_225 = arith.constant 96 : index
      %get3A_226 = tpu.vector_load %arg12[%get3A_224, %get3A_225] {strides = array<i32>} : memref<64x128xf32, #tpu.memory_space<vmem>>, vector<1x16xf32>,
      %get3A_227 = vector.shape_cast %get3A_226 : vector<1x16xf32> to vector<16xf32>
      %add3A_228 = arith.addf %get3A_223, %get3A_227 : vector<16xf32>
      %max3A_229 = arith.constant 0.000000e+00 : f32
      %max3A_230 = vector.broadcast %max3A_229 : f32 to vector<16xf32>
      %max3A_231 = arith.maximumf %add3A_228, %max3A_230 : vector<16xf32>
      %swap3A_232 = arith.index_cast %scan3A_119 : i32 to index
      %swap3A_233 = arith.constant 96 : index
      %swap3A_234 = tpu.vector_load %arg14[%swap3A_232, %swap3A_233] {strides = array<i32>} : memref<64x128xf32, #tpu.memory_space<vmem>>, vector<1x16xf32>,
      %swap3A_235 = vector.shape_cast %swap3A_234 : vector<1x16xf32> to vector<16xf32>
      %swap3A_236 = vector.shape_cast %max3A_231 : vector<16xf32> to vector<1x16xf32>
      tpu.vector_store %arg14[%swap3A_232, %swap3A_233], %swap3A_236 {strides = array<i32>} : memref<64x128xf32, #tpu.memory_space<vmem>>, vector<1x16xf32>,
      %get3A_237 = arith.index_cast %scan3A_119 : i32 to index
      %get3A_238 = arith.constant 112 : index
      %get3A_239 = tpu.vector_load %arg14[%get3A_237, %get3A_238] {strides = array<i32>} : memref<64x128xf32, #tpu.memory_space<vmem>>, vector<1x16xf32>,
      %get3A_240 = vector.shape_cast %get3A_239 : vector<1x16xf32> to vector<16xf32>
      %get3A_241 = arith.index_cast %scan3A_119 : i32 to index
      %get3A_242 = arith.constant 112 : index
      %get3A_243 = tpu.vector_load %arg12[%get3A_241, %get3A_242] {strides = array<i32>} : memref<64x128xf32, #tpu.memory_space<vmem>>, vector<1x16xf32>,
      %get3A_244 = vector.shape_cast %get3A_243 : vector<1x16xf32> to vector<16xf32>
      %add3A_245 = arith.addf %get3A_240, %get3A_244 : vector<16xf32>
      %max3A_246 = arith.constant 0.000000e+00 : f32
      %max3A_247 = vector.broadcast %max3A_246 : f32 to vector<16xf32>
      %max3A_248 = arith.maximumf %add3A_245, %max3A_247 : vector<16xf32>
      %swap3A_249 = arith.index_cast %scan3A_119 : i32 to index
      %swap3A_250 = arith.constant 112 : index
      %swap3A_251 = tpu.vector_load %arg14[%swap3A_249, %swap3A_250] {strides = array<i32>} : memref<64x128xf32, #tpu.memory_space<vmem>>, vector<1x16xf32>,
      %swap3A_252 = vector.shape_cast %swap3A_251 : vector<1x16xf32> to vector<16xf32>
      %swap3A_253 = vector.shape_cast %max3A_248 : vector<16xf32> to vector<1x16xf32>
      tpu.vector_store %arg14[%swap3A_249, %swap3A_250], %swap3A_253 {strides = array<i32>} : memref<64x128xf32, #tpu.memory_space<vmem>>, vector<1x16xf32>,
      %scan3A_254 = arith.constant 0 : i32
      scf.yield %scan3A_254 : i32
    }
    %scan3A_99 = arith.constant 64 : i32
    %run_scoped3A_100 = arith.constant 0 : i32
    "tpu.region"() ({
      %run_scoped3A_119 = tpu.sem_alloc : memref<!tpu.dma_semaphore, #tpu.memory_space<semaphore_mem>>
      %dma_start3A_120 = arith.constant 0 : i32
      %dma_start3A_121 = tpu.memref_slice %arg10[%run_scoped3A_100, %dma_start3A_120] : memref<1x64xi32, #tpu.memory_space<vmem>> -> memref<1x64xi32, #tpu.memory_space<vmem>>
      %dma_start3A_122 = tpu.memref_squeeze %dma_start3A_121 : memref<1x64xi32, #tpu.memory_space<vmem>> -> memref<64xi32, #tpu.memory_space<vmem>>
      %dma_start3A_123 = arith.constant 0 : i32
      %dma_start3A_124 = arith.constant 0 : i32
      %dma_start3A_125 = tpu.memref_slice %arg17[%dma_start3A_123, %dma_start3A_124] : memref<10112x128xf32, #tpu.memory_space<vmem_shared>> -> memref<10112x128xf32, #tpu.memory_space<vmem_shared>>
      tpu.enqueue_indirect_dma source(%arg14 : memref<64x128xf32, #tpu.memory_space<vmem>>) target(%dma_start3A_125 : memref<10112x128xf32, #tpu.memory_space<vmem_shared>>) offsets(%dma_start3A_122 : memref<64xi32, #tpu.memory_space<vmem>>) semaphore(%run_scoped3A_119 : memref<!tpu.dma_semaphore, #tpu.memory_space<semaphore_mem>>) {add = true}
      %dma_wait3A_126 = arith.constant 0 : i32
      %dma_wait3A_127 = tpu.memref_slice %arg10[%run_scoped3A_100, %dma_wait3A_126] : memref<1x64xi32, #tpu.memory_space<vmem>> -> memref<1x64xi32, #tpu.memory_space<vmem>>
      %dma_wait3A_128 = tpu.memref_squeeze %dma_wait3A_127 : memref<1x64xi32, #tpu.memory_space<vmem>> -> memref<64xi32, #tpu.memory_space<vmem>>
      %dma_wait3A_129 = arith.constant 0 : i32
      %dma_wait3A_130 = arith.constant 0 : i32
      %dma_wait3A_131 = tpu.memref_slice %arg17[%dma_wait3A_129, %dma_wait3A_130] : memref<10112x128xf32, #tpu.memory_space<vmem_shared>> -> memref<10112x128xf32, #tpu.memory_space<vmem_shared>>
      tpu.wait_indirect_dma semaphore(%run_scoped3A_119 : memref<!tpu.dma_semaphore, #tpu.memory_space<semaphore_mem>>) src(%arg14 : memref<64x128xf32, #tpu.memory_space<vmem>>) dst(%dma_wait3A_131 : memref<10112x128xf32, #tpu.memory_space<vmem_shared>>)
      tpu.yield
    }) : () -> ()
    %run_scoped3A_101 = arith.constant 78 : i32
    "tpu.region"() ({
      %run_scoped3A_119 = tpu.sem_alloc : memref<!tpu.dma_semaphore, #tpu.memory_space<semaphore_mem>>
      %dma_start3A_120 = arith.constant 0 : i32
      %dma_start3A_121 = tpu.memref_slice %arg8[%run_scoped3A_101, %dma_start3A_120] : memref<79x128xi32, #tpu.memory_space<vmem>> -> memref<1x64xi32, #tpu.memory_space<vmem>>
      %dma_start3A_122 = tpu.memref_squeeze %dma_start3A_121 : memref<1x64xi32, #tpu.memory_space<vmem>> -> memref<64xi32, #tpu.memory_space<vmem>>
      %dma_start3A_123 = arith.constant 0 : i32
      %dma_start3A_124 = tpu.memref_slice %arg2[%dma_start3A_123, %mul3A_0] : memref<10000x256xf32, #tpu.memory_space<hbm>> -> memref<10000x128xf32, #tpu.memory_space<hbm>>
      tpu.enqueue_indirect_dma source(%dma_start3A_124 : memref<10000x128xf32, #tpu.memory_space<hbm>>) target(%arg11 : memref<64x128xf32, #tpu.memory_space<vmem>>) offsets(%dma_start3A_122 : memref<64xi32, #tpu.memory_space<vmem>>) semaphore(%run_scoped3A_119 : memref<!tpu.dma_semaphore, #tpu.memory_space<semaphore_mem>>)
      %dma_wait3A_125 = arith.constant 0 : i32
      %dma_wait3A_126 = tpu.memref_slice %arg8[%run_scoped3A_101, %dma_wait3A_125] : memref<79x128xi32, #tpu.memory_space<vmem>> -> memref<1x64xi32, #tpu.memory_space<vmem>>
      %dma_wait3A_127 = tpu.memref_squeeze %dma_wait3A_126 : memref<1x64xi32, #tpu.memory_space<vmem>> -> memref<64xi32, #tpu.memory_space<vmem>>
      %dma_wait3A_128 = arith.constant 0 : i32
      %dma_wait3A_129 = tpu.memref_slice %arg2[%dma_wait3A_128, %mul3A_0] : memref<10000x256xf32, #tpu.memory_space<hbm>> -> memref<10000x128xf32, #tpu.memory_space<hbm>>
      tpu.wait_indirect_dma semaphore(%run_scoped3A_119 : memref<!tpu.dma_semaphore, #tpu.memory_space<semaphore_mem>>) src(%dma_wait3A_129 : memref<10000x128xf32, #tpu.memory_space<hbm>>) dst(%arg11 : memref<64x128xf32, #tpu.memory_space<vmem>>)
      tpu.yield
    }) : () -> ()
    "tpu.region"() ({
      %run_scoped3A_119 = tpu.sem_alloc : memref<!tpu.dma_semaphore, #tpu.memory_space<semaphore_mem>>
      %dma_start3A_120 = arith.constant 156 : i32
      %dma_start3A_121 = arith.constant 0 : i32
      %dma_start3A_122 = tpu.memref_slice %arg5[%arg1, %dma_start3A_120, %dma_start3A_121] : memref<16x157x64xi32, #tpu.memory_space<hbm>> -> memref<1x1x64xi32, #tpu.memory_space<hbm>>
      %dma_start3A_123 = tpu.memref_squeeze %dma_start3A_122 : memref<1x1x64xi32, #tpu.memory_space<hbm>> -> memref<1x64xi32, #tpu.memory_space<hbm>>
      %dma_start3A_124 = arith.constant 156 : i32
      %dma_start3A_125 = arith.constant 0 : i32
      %dma_start3A_126 = tpu.memref_slice %arg5[%arg1, %dma_start3A_124, %dma_start3A_125] : memref<16x157x64xi32, #tpu.memory_space<hbm>> -> memref<1x1x64xi32, #tpu.memory_space<hbm>>
      %dma_start3A_127 = tpu.memref_squeeze %dma_start3A_126 : memref<1x1x64xi32, #tpu.memory_space<hbm>> -> memref<1x64xi32, #tpu.memory_space<hbm>>
      tpu.enqueue_dma source(%dma_start3A_127 : memref<1x64xi32, #tpu.memory_space<hbm>>) target(%arg9 : memref<1x64xi32, #tpu.memory_space<vmem>>) target_semaphore(%run_scoped3A_119 : memref<!tpu.dma_semaphore, #tpu.memory_space<semaphore_mem>>)
      %dma_wait3A_128 = arith.constant 156 : i32
      %dma_wait3A_129 = arith.constant 0 : i32
      %dma_wait3A_130 = tpu.memref_slice %arg5[%arg1, %dma_wait3A_128, %dma_wait3A_129] : memref<16x157x64xi32, #tpu.memory_space<hbm>> -> memref<1x1x64xi32, #tpu.memory_space<hbm>>
      %dma_wait3A_131 = tpu.memref_squeeze %dma_wait3A_130 : memref<1x1x64xi32, #tpu.memory_space<hbm>> -> memref<1x64xi32, #tpu.memory_space<hbm>>
      %dma_wait3A_132 = arith.constant 156 : i32
      %dma_wait3A_133 = arith.constant 0 : i32
      %dma_wait3A_134 = tpu.memref_slice %arg5[%arg1, %dma_wait3A_132, %dma_wait3A_133] : memref<16x157x64xi32, #tpu.memory_space<hbm>> -> memref<1x1x64xi32, #tpu.memory_space<hbm>>
      %dma_wait3A_135 = tpu.memref_squeeze %dma_wait3A_134 : memref<1x1x64xi32, #tpu.memory_space<hbm>> -> memref<1x64xi32, #tpu.memory_space<hbm>>
      tpu.wait_dma2 semaphore(%run_scoped3A_119 : memref<!tpu.dma_semaphore, #tpu.memory_space<semaphore_mem>>) src(%dma_wait3A_135 : memref<1x64xi32, #tpu.memory_space<hbm>>) dst(%arg9 : memref<1x64xi32, #tpu.memory_space<vmem>>)
      tpu.yield
    }) : () -> ()
    %mul3A_102 = arith.constant 10000 : i32
    %mul3A_103 = arith.muli %arg1, %mul3A_102 : i32
    %add3A_104 = arith.constant 9984 : i32
    %add3A_105 = arith.addi %mul3A_103, %add3A_104 : i32
    "tpu.region"() ({
      %run_scoped3A_119 = tpu.sem_alloc : memref<!tpu.dma_semaphore, #tpu.memory_space<semaphore_mem>>
      %dma_start3A_120 = arith.constant 0 : i32
      %dma_start3A_121 = arith.constant 0 : i32
      %dma_start3A_122 = tpu.memref_slice %arg13[%dma_start3A_120, %dma_start3A_121] : memref<64x128xf32, #tpu.memory_space<vmem>> -> memref<16x128xf32, #tpu.memory_space<vmem>>
      %dma_start3A_123 = tpu.memref_slice %arg3[%add3A_105, %mul3A_0] : memref<160000x256xf32, #tpu.memory_space<hbm>> -> memref<16x128xf32, #tpu.memory_space<hbm>>
      %dma_start3A_124 = arith.constant 0 : i32
      %dma_start3A_125 = arith.constant 0 : i32
      %dma_start3A_126 = tpu.memref_slice %arg13[%dma_start3A_124, %dma_start3A_125] : memref<64x128xf32, #tpu.memory_space<vmem>> -> memref<16x128xf32, #tpu.memory_space<vmem>>
      %dma_start3A_127 = tpu.memref_slice %arg3[%add3A_105, %mul3A_0] : memref<160000x256xf32, #tpu.memory_space<hbm>> -> memref<16x128xf32, #tpu.memory_space<hbm>>
      tpu.enqueue_dma source(%dma_start3A_127 : memref<16x128xf32, #tpu.memory_space<hbm>>) target(%dma_start3A_126 : memref<16x128xf32, #tpu.memory_space<vmem>>) target_semaphore(%run_scoped3A_119 : memref<!tpu.dma_semaphore, #tpu.memory_space<semaphore_mem>>)
      %dma_wait3A_128 = arith.constant 0 : i32
      %dma_wait3A_129 = arith.constant 0 : i32
      %dma_wait3A_130 = tpu.memref_slice %arg13[%dma_wait3A_128, %dma_wait3A_129] : memref<64x128xf32, #tpu.memory_space<vmem>> -> memref<16x128xf32, #tpu.memory_space<vmem>>
      %dma_wait3A_131 = tpu.memref_slice %arg3[%add3A_105, %mul3A_0] : memref<160000x256xf32, #tpu.memory_space<hbm>> -> memref<16x128xf32, #tpu.memory_space<hbm>>
      %dma_wait3A_132 = arith.constant 0 : i32
      %dma_wait3A_133 = arith.constant 0 : i32
      %dma_wait3A_134 = tpu.memref_slice %arg13[%dma_wait3A_132, %dma_wait3A_133] : memref<64x128xf32, #tpu.memory_space<vmem>> -> memref<16x128xf32, #tpu.memory_space<vmem>>
      %dma_wait3A_135 = tpu.memref_slice %arg3[%add3A_105, %mul3A_0] : memref<160000x256xf32, #tpu.memory_space<hbm>> -> memref<16x128xf32, #tpu.memory_space<hbm>>
      tpu.wait_dma2 semaphore(%run_scoped3A_119 : memref<!tpu.dma_semaphore, #tpu.memory_space<semaphore_mem>>) src(%dma_wait3A_135 : memref<16x128xf32, #tpu.memory_space<hbm>>) dst(%dma_wait3A_134 : memref<16x128xf32, #tpu.memory_space<vmem>>)
      tpu.yield
    }) : () -> ()
    %scan3A_106 = arith.constant 0 : i32
    %scan3A_107 = arith.constant 0 : i32
    %scan3A_108 = arith.constant 64 : i32
    %scan3A_109 = arith.addi %scan3A_107, %scan3A_108 : i32
    %scan3A_110 = arith.constant 1 : i32
    %scan3A_111 = scf.for %scan3A_119 = %scan3A_107 to %scan3A_109 step %scan3A_110 iter_args(%scan3A_120 = %scan3A_106) -> (i32)  : i32 {
      %get3A = arith.index_cast %scan3A_119 : i32 to index
      %get3A_121 = arith.constant 0 : index
      %get3A_122 = tpu.vector_load %arg13[%get3A, %get3A_121] {strides = array<i32>} : memref<64x128xf32, #tpu.memory_space<vmem>>, vector<1x16xf32>,
      %get3A_123 = vector.shape_cast %get3A_122 : vector<1x16xf32> to vector<16xf32>
      %get3A_124 = arith.index_cast %scan3A_119 : i32 to index
      %get3A_125 = arith.constant 0 : index
      %get3A_126 = tpu.vector_load %arg11[%get3A_124, %get3A_125] {strides = array<i32>} : memref<64x128xf32, #tpu.memory_space<vmem>>, vector<1x16xf32>,
      %get3A_127 = vector.shape_cast %get3A_126 : vector<1x16xf32> to vector<16xf32>
      %add3A_128 = arith.addf %get3A_123, %get3A_127 : vector<16xf32>
      %max3A = arith.constant 0.000000e+00 : f32
      %max3A_129 = vector.broadcast %max3A : f32 to vector<16xf32>
      %max3A_130 = arith.maximumf %add3A_128, %max3A_129 : vector<16xf32>
      %swap3A = arith.index_cast %scan3A_119 : i32 to index
      %swap3A_131 = arith.constant 0 : index
      %swap3A_132 = tpu.vector_load %arg13[%swap3A, %swap3A_131] {strides = array<i32>} : memref<64x128xf32, #tpu.memory_space<vmem>>, vector<1x16xf32>,
      %swap3A_133 = vector.shape_cast %swap3A_132 : vector<1x16xf32> to vector<16xf32>
      %swap3A_134 = vector.shape_cast %max3A_130 : vector<16xf32> to vector<1x16xf32>
      tpu.vector_store %arg13[%swap3A, %swap3A_131], %swap3A_134 {strides = array<i32>} : memref<64x128xf32, #tpu.memory_space<vmem>>, vector<1x16xf32>,
      %get3A_135 = arith.index_cast %scan3A_119 : i32 to index
      %get3A_136 = arith.constant 16 : index
      %get3A_137 = tpu.vector_load %arg13[%get3A_135, %get3A_136] {strides = array<i32>} : memref<64x128xf32, #tpu.memory_space<vmem>>, vector<1x16xf32>,
      %get3A_138 = vector.shape_cast %get3A_137 : vector<1x16xf32> to vector<16xf32>
      %get3A_139 = arith.index_cast %scan3A_119 : i32 to index
      %get3A_140 = arith.constant 16 : index
      %get3A_141 = tpu.vector_load %arg11[%get3A_139, %get3A_140] {strides = array<i32>} : memref<64x128xf32, #tpu.memory_space<vmem>>, vector<1x16xf32>,
      %get3A_142 = vector.shape_cast %get3A_141 : vector<1x16xf32> to vector<16xf32>
      %add3A_143 = arith.addf %get3A_138, %get3A_142 : vector<16xf32>
      %max3A_144 = arith.constant 0.000000e+00 : f32
      %max3A_145 = vector.broadcast %max3A_144 : f32 to vector<16xf32>
      %max3A_146 = arith.maximumf %add3A_143, %max3A_145 : vector<16xf32>
      %swap3A_147 = arith.index_cast %scan3A_119 : i32 to index
      %swap3A_148 = arith.constant 16 : index
      %swap3A_149 = tpu.vector_load %arg13[%swap3A_147, %swap3A_148] {strides = array<i32>} : memref<64x128xf32, #tpu.memory_space<vmem>>, vector<1x16xf32>,
      %swap3A_150 = vector.shape_cast %swap3A_149 : vector<1x16xf32> to vector<16xf32>
      %swap3A_151 = vector.shape_cast %max3A_146 : vector<16xf32> to vector<1x16xf32>
      tpu.vector_store %arg13[%swap3A_147, %swap3A_148], %swap3A_151 {strides = array<i32>} : memref<64x128xf32, #tpu.memory_space<vmem>>, vector<1x16xf32>,
      %get3A_152 = arith.index_cast %scan3A_119 : i32 to index
      %get3A_153 = arith.constant 32 : index
      %get3A_154 = tpu.vector_load %arg13[%get3A_152, %get3A_153] {strides = array<i32>} : memref<64x128xf32, #tpu.memory_space<vmem>>, vector<1x16xf32>,
      %get3A_155 = vector.shape_cast %get3A_154 : vector<1x16xf32> to vector<16xf32>
      %get3A_156 = arith.index_cast %scan3A_119 : i32 to index
      %get3A_157 = arith.constant 32 : index
      %get3A_158 = tpu.vector_load %arg11[%get3A_156, %get3A_157] {strides = array<i32>} : memref<64x128xf32, #tpu.memory_space<vmem>>, vector<1x16xf32>,
      %get3A_159 = vector.shape_cast %get3A_158 : vector<1x16xf32> to vector<16xf32>
      %add3A_160 = arith.addf %get3A_155, %get3A_159 : vector<16xf32>
      %max3A_161 = arith.constant 0.000000e+00 : f32
      %max3A_162 = vector.broadcast %max3A_161 : f32 to vector<16xf32>
      %max3A_163 = arith.maximumf %add3A_160, %max3A_162 : vector<16xf32>
      %swap3A_164 = arith.index_cast %scan3A_119 : i32 to index
      %swap3A_165 = arith.constant 32 : index
      %swap3A_166 = tpu.vector_load %arg13[%swap3A_164, %swap3A_165] {strides = array<i32>} : memref<64x128xf32, #tpu.memory_space<vmem>>, vector<1x16xf32>,
      %swap3A_167 = vector.shape_cast %swap3A_166 : vector<1x16xf32> to vector<16xf32>
      %swap3A_168 = vector.shape_cast %max3A_163 : vector<16xf32> to vector<1x16xf32>
      tpu.vector_store %arg13[%swap3A_164, %swap3A_165], %swap3A_168 {strides = array<i32>} : memref<64x128xf32, #tpu.memory_space<vmem>>, vector<1x16xf32>,
      %get3A_169 = arith.index_cast %scan3A_119 : i32 to index
      %get3A_170 = arith.constant 48 : index
      %get3A_171 = tpu.vector_load %arg13[%get3A_169, %get3A_170] {strides = array<i32>} : memref<64x128xf32, #tpu.memory_space<vmem>>, vector<1x16xf32>,
      %get3A_172 = vector.shape_cast %get3A_171 : vector<1x16xf32> to vector<16xf32>
      %get3A_173 = arith.index_cast %scan3A_119 : i32 to index
      %get3A_174 = arith.constant 48 : index
      %get3A_175 = tpu.vector_load %arg11[%get3A_173, %get3A_174] {strides = array<i32>} : memref<64x128xf32, #tpu.memory_space<vmem>>, vector<1x16xf32>,
      %get3A_176 = vector.shape_cast %get3A_175 : vector<1x16xf32> to vector<16xf32>
      %add3A_177 = arith.addf %get3A_172, %get3A_176 : vector<16xf32>
      %max3A_178 = arith.constant 0.000000e+00 : f32
      %max3A_179 = vector.broadcast %max3A_178 : f32 to vector<16xf32>
      %max3A_180 = arith.maximumf %add3A_177, %max3A_179 : vector<16xf32>
      %swap3A_181 = arith.index_cast %scan3A_119 : i32 to index
      %swap3A_182 = arith.constant 48 : index
      %swap3A_183 = tpu.vector_load %arg13[%swap3A_181, %swap3A_182] {strides = array<i32>} : memref<64x128xf32, #tpu.memory_space<vmem>>, vector<1x16xf32>,
      %swap3A_184 = vector.shape_cast %swap3A_183 : vector<1x16xf32> to vector<16xf32>
      %swap3A_185 = vector.shape_cast %max3A_180 : vector<16xf32> to vector<1x16xf32>
      tpu.vector_store %arg13[%swap3A_181, %swap3A_182], %swap3A_185 {strides = array<i32>} : memref<64x128xf32, #tpu.memory_space<vmem>>, vector<1x16xf32>,
      %get3A_186 = arith.index_cast %scan3A_119 : i32 to index
      %get3A_187 = arith.constant 64 : index
      %get3A_188 = tpu.vector_load %arg13[%get3A_186, %get3A_187] {strides = array<i32>} : memref<64x128xf32, #tpu.memory_space<vmem>>, vector<1x16xf32>,
      %get3A_189 = vector.shape_cast %get3A_188 : vector<1x16xf32> to vector<16xf32>
      %get3A_190 = arith.index_cast %scan3A_119 : i32 to index
      %get3A_191 = arith.constant 64 : index
      %get3A_192 = tpu.vector_load %arg11[%get3A_190, %get3A_191] {strides = array<i32>} : memref<64x128xf32, #tpu.memory_space<vmem>>, vector<1x16xf32>,
      %get3A_193 = vector.shape_cast %get3A_192 : vector<1x16xf32> to vector<16xf32>
      %add3A_194 = arith.addf %get3A_189, %get3A_193 : vector<16xf32>
      %max3A_195 = arith.constant 0.000000e+00 : f32
      %max3A_196 = vector.broadcast %max3A_195 : f32 to vector<16xf32>
      %max3A_197 = arith.maximumf %add3A_194, %max3A_196 : vector<16xf32>
      %swap3A_198 = arith.index_cast %scan3A_119 : i32 to index
      %swap3A_199 = arith.constant 64 : index
      %swap3A_200 = tpu.vector_load %arg13[%swap3A_198, %swap3A_199] {strides = array<i32>} : memref<64x128xf32, #tpu.memory_space<vmem>>, vector<1x16xf32>,
      %swap3A_201 = vector.shape_cast %swap3A_200 : vector<1x16xf32> to vector<16xf32>
      %swap3A_202 = vector.shape_cast %max3A_197 : vector<16xf32> to vector<1x16xf32>
      tpu.vector_store %arg13[%swap3A_198, %swap3A_199], %swap3A_202 {strides = array<i32>} : memref<64x128xf32, #tpu.memory_space<vmem>>, vector<1x16xf32>,
      %get3A_203 = arith.index_cast %scan3A_119 : i32 to index
      %get3A_204 = arith.constant 80 : index
      %get3A_205 = tpu.vector_load %arg13[%get3A_203, %get3A_204] {strides = array<i32>} : memref<64x128xf32, #tpu.memory_space<vmem>>, vector<1x16xf32>,
      %get3A_206 = vector.shape_cast %get3A_205 : vector<1x16xf32> to vector<16xf32>
      %get3A_207 = arith.index_cast %scan3A_119 : i32 to index
      %get3A_208 = arith.constant 80 : index
      %get3A_209 = tpu.vector_load %arg11[%get3A_207, %get3A_208] {strides = array<i32>} : memref<64x128xf32, #tpu.memory_space<vmem>>, vector<1x16xf32>,
      %get3A_210 = vector.shape_cast %get3A_209 : vector<1x16xf32> to vector<16xf32>
      %add3A_211 = arith.addf %get3A_206, %get3A_210 : vector<16xf32>
      %max3A_212 = arith.constant 0.000000e+00 : f32
      %max3A_213 = vector.broadcast %max3A_212 : f32 to vector<16xf32>
      %max3A_214 = arith.maximumf %add3A_211, %max3A_213 : vector<16xf32>
      %swap3A_215 = arith.index_cast %scan3A_119 : i32 to index
      %swap3A_216 = arith.constant 80 : index
      %swap3A_217 = tpu.vector_load %arg13[%swap3A_215, %swap3A_216] {strides = array<i32>} : memref<64x128xf32, #tpu.memory_space<vmem>>, vector<1x16xf32>,
      %swap3A_218 = vector.shape_cast %swap3A_217 : vector<1x16xf32> to vector<16xf32>
      %swap3A_219 = vector.shape_cast %max3A_214 : vector<16xf32> to vector<1x16xf32>
      tpu.vector_store %arg13[%swap3A_215, %swap3A_216], %swap3A_219 {strides = array<i32>} : memref<64x128xf32, #tpu.memory_space<vmem>>, vector<1x16xf32>,
      %get3A_220 = arith.index_cast %scan3A_119 : i32 to index
      %get3A_221 = arith.constant 96 : index
      %get3A_222 = tpu.vector_load %arg13[%get3A_220, %get3A_221] {strides = array<i32>} : memref<64x128xf32, #tpu.memory_space<vmem>>, vector<1x16xf32>,
      %get3A_223 = vector.shape_cast %get3A_222 : vector<1x16xf32> to vector<16xf32>
      %get3A_224 = arith.index_cast %scan3A_119 : i32 to index
      %get3A_225 = arith.constant 96 : index
      %get3A_226 = tpu.vector_load %arg11[%get3A_224, %get3A_225] {strides = array<i32>} : memref<64x128xf32, #tpu.memory_space<vmem>>, vector<1x16xf32>,
      %get3A_227 = vector.shape_cast %get3A_226 : vector<1x16xf32> to vector<16xf32>
      %add3A_228 = arith.addf %get3A_223, %get3A_227 : vector<16xf32>
      %max3A_229 = arith.constant 0.000000e+00 : f32
      %max3A_230 = vector.broadcast %max3A_229 : f32 to vector<16xf32>
      %max3A_231 = arith.maximumf %add3A_228, %max3A_230 : vector<16xf32>
      %swap3A_232 = arith.index_cast %scan3A_119 : i32 to index
      %swap3A_233 = arith.constant 96 : index
      %swap3A_234 = tpu.vector_load %arg13[%swap3A_232, %swap3A_233] {strides = array<i32>} : memref<64x128xf32, #tpu.memory_space<vmem>>, vector<1x16xf32>,
      %swap3A_235 = vector.shape_cast %swap3A_234 : vector<1x16xf32> to vector<16xf32>
      %swap3A_236 = vector.shape_cast %max3A_231 : vector<16xf32> to vector<1x16xf32>
      tpu.vector_store %arg13[%swap3A_232, %swap3A_233], %swap3A_236 {strides = array<i32>} : memref<64x128xf32, #tpu.memory_space<vmem>>, vector<1x16xf32>,
      %get3A_237 = arith.index_cast %scan3A_119 : i32 to index
      %get3A_238 = arith.constant 112 : index
      %get3A_239 = tpu.vector_load %arg13[%get3A_237, %get3A_238] {strides = array<i32>} : memref<64x128xf32, #tpu.memory_space<vmem>>, vector<1x16xf32>,
      %get3A_240 = vector.shape_cast %get3A_239 : vector<1x16xf32> to vector<16xf32>
      %get3A_241 = arith.index_cast %scan3A_119 : i32 to index
      %get3A_242 = arith.constant 112 : index
      %get3A_243 = tpu.vector_load %arg11[%get3A_241, %get3A_242] {strides = array<i32>} : memref<64x128xf32, #tpu.memory_space<vmem>>, vector<1x16xf32>,
      %get3A_244 = vector.shape_cast %get3A_243 : vector<1x16xf32> to vector<16xf32>
      %add3A_245 = arith.addf %get3A_240, %get3A_244 : vector<16xf32>
      %max3A_246 = arith.constant 0.000000e+00 : f32
      %max3A_247 = vector.broadcast %max3A_246 : f32 to vector<16xf32>
      %max3A_248 = arith.maximumf %add3A_245, %max3A_247 : vector<16xf32>
      %swap3A_249 = arith.index_cast %scan3A_119 : i32 to index
      %swap3A_250 = arith.constant 112 : index
      %swap3A_251 = tpu.vector_load %arg13[%swap3A_249, %swap3A_250] {strides = array<i32>} : memref<64x128xf32, #tpu.memory_space<vmem>>, vector<1x16xf32>,
      %swap3A_252 = vector.shape_cast %swap3A_251 : vector<1x16xf32> to vector<16xf32>
      %swap3A_253 = vector.shape_cast %max3A_248 : vector<16xf32> to vector<1x16xf32>
      tpu.vector_store %arg13[%swap3A_249, %swap3A_250], %swap3A_253 {strides = array<i32>} : memref<64x128xf32, #tpu.memory_space<vmem>>, vector<1x16xf32>,
      %scan3A_254 = arith.constant 0 : i32
      scf.yield %scan3A_254 : i32
    }
    %scan3A_112 = arith.constant 64 : i32
    %run_scoped3A_113 = arith.constant 0 : i32
    "tpu.region"() ({
      %run_scoped3A_119 = tpu.sem_alloc : memref<!tpu.dma_semaphore, #tpu.memory_space<semaphore_mem>>
      %dma_start3A_120 = arith.constant 0 : i32
      %dma_start3A_121 = tpu.memref_slice %arg9[%run_scoped3A_113, %dma_start3A_120] : memref<1x64xi32, #tpu.memory_space<vmem>> -> memref<1x64xi32, #tpu.memory_space<vmem>>
      %dma_start3A_122 = tpu.memref_squeeze %dma_start3A_121 : memref<1x64xi32, #tpu.memory_space<vmem>> -> memref<64xi32, #tpu.memory_space<vmem>>
      %dma_start3A_123 = arith.constant 0 : i32
      %dma_start3A_124 = arith.constant 0 : i32
      %dma_start3A_125 = tpu.memref_slice %arg17[%dma_start3A_123, %dma_start3A_124] : memref<10112x128xf32, #tpu.memory_space<vmem_shared>> -> memref<10112x128xf32, #tpu.memory_space<vmem_shared>>
      tpu.enqueue_indirect_dma source(%arg13 : memref<64x128xf32, #tpu.memory_space<vmem>>) target(%dma_start3A_125 : memref<10112x128xf32, #tpu.memory_space<vmem_shared>>) offsets(%dma_start3A_122 : memref<64xi32, #tpu.memory_space<vmem>>) semaphore(%run_scoped3A_119 : memref<!tpu.dma_semaphore, #tpu.memory_space<semaphore_mem>>) {add = true}
      %dma_wait3A_126 = arith.constant 0 : i32
      %dma_wait3A_127 = tpu.memref_slice %arg9[%run_scoped3A_113, %dma_wait3A_126] : memref<1x64xi32, #tpu.memory_space<vmem>> -> memref<1x64xi32, #tpu.memory_space<vmem>>
      %dma_wait3A_128 = tpu.memref_squeeze %dma_wait3A_127 : memref<1x64xi32, #tpu.memory_space<vmem>> -> memref<64xi32, #tpu.memory_space<vmem>>
      %dma_wait3A_129 = arith.constant 0 : i32
      %dma_wait3A_130 = arith.constant 0 : i32
      %dma_wait3A_131 = tpu.memref_slice %arg17[%dma_wait3A_129, %dma_wait3A_130] : memref<10112x128xf32, #tpu.memory_space<vmem_shared>> -> memref<10112x128xf32, #tpu.memory_space<vmem_shared>>
      tpu.wait_indirect_dma semaphore(%run_scoped3A_119 : memref<!tpu.dma_semaphore, #tpu.memory_space<semaphore_mem>>) src(%arg13 : memref<64x128xf32, #tpu.memory_space<vmem>>) dst(%dma_wait3A_131 : memref<10112x128xf32, #tpu.memory_space<vmem_shared>>)
      tpu.yield
    }) : () -> ()
    %barrier3A_114 = arith.constant 0 : index
    tpu.barrier barrier_id(%barrier3A_114)
    %mul3A_115 = arith.constant 632 : i32
    %mul3A_116 = arith.muli %arg1, %mul3A_115 : i32
    %mul3A_117 = arith.constant 632 : i32
    %mul3A_118 = arith.muli %arg1, %mul3A_117 : i32
    "tpu.region"() ({
      %run_scoped3A_119 = tpu.sem_alloc : memref<!tpu.dma_semaphore, #tpu.memory_space<semaphore_mem>>
      %dma_start3A_120 = tpu.memref_slice %arg7[%mul3A_118, %mul3A_0] : memref<10112x256xf32, #tpu.memory_space<hbm>> -> memref<632x128xf32, #tpu.memory_space<hbm>>
      %dma_start3A_121 = arith.constant 0 : i32
      %dma_start3A_122 = tpu.memref_slice %arg17[%mul3A_116, %dma_start3A_121] : memref<10112x128xf32, #tpu.memory_space<vmem_shared>> -> memref<632x128xf32, #tpu.memory_space<vmem_shared>>
      tpu.enqueue_dma source(%dma_start3A_122 : memref<632x128xf32, #tpu.memory_space<vmem_shared>>) target(%dma_start3A_120 : memref<632x128xf32, #tpu.memory_space<hbm>>) target_semaphore(%run_scoped3A_119 : memref<!tpu.dma_semaphore, #tpu.memory_space<semaphore_mem>>)
      %dma_wait3A_123 = tpu.memref_slice %arg7[%mul3A_118, %mul3A_0] : memref<10112x256xf32, #tpu.memory_space<hbm>> -> memref<632x128xf32, #tpu.memory_space<hbm>>
      %dma_wait3A_124 = arith.constant 0 : i32
      %dma_wait3A_125 = tpu.memref_slice %arg17[%mul3A_116, %dma_wait3A_124] : memref<10112x128xf32, #tpu.memory_space<vmem_shared>> -> memref<632x128xf32, #tpu.memory_space<vmem_shared>>
      tpu.wait_dma2 semaphore(%run_scoped3A_119 : memref<!tpu.dma_semaphore, #tpu.memory_space<semaphore_mem>>) src(%dma_wait3A_125 : memref<632x128xf32, #tpu.memory_space<vmem_shared>>) dst(%dma_wait3A_123 : memref<632x128xf32, #tpu.memory_space<hbm>>)
      tpu.yield
    }) : () -> ()
    return
  }
}

module attributes {stable_mosaic.version = 14 : i64} {
  func.func @body(%arg0: memref<10112x256xf32, #tpu.memory_space<vmem>>, %arg1: memref<10000x256xf32, #tpu.memory_space<vmem>>, %arg2: memref<512x256xf32, #tpu.memory_space<vmem>>, %arg3: memref<1x512xf32, #tpu.memory_space<vmem>>, %arg4: memref<1x512xf32, #tpu.memory_space<vmem>>, %arg5: memref<1x512xf32, #tpu.memory_space<vmem>>, %arg6: memref<256x512xf32, #tpu.memory_space<vmem>>, %arg7: memref<1x256xf32, #tpu.memory_space<vmem>>, %arg8: memref<10000x256xf32, #tpu.memory_space<vmem>>) attributes {dimension_semantics = [], scalar_prefetch = 0 : i64, scratch_operands = 0 : i64, tpu.core_type = #tpu.core_type<tc>} {
    %get3A = arith.constant 0 : index
    %get3A_0 = arith.constant 0 : index
    %get3A_1 = vector.load %arg0[%get3A, %get3A_0] : memref<10112x256xf32, #tpu.memory_space<vmem>>, vector<10000x256xf32>
    %get3A_2 = arith.constant 0 : index
    %get3A_3 = arith.constant 0 : index
    %get3A_4 = vector.load %arg1[%get3A_2, %get3A_3] : memref<10000x256xf32, #tpu.memory_space<vmem>>, vector<10000x256xf32>
    %add3A = arith.addf %get3A_1, %get3A_4 : vector<10000x256xf32>
    %get3A_5 = arith.constant 0 : index
    %get3A_6 = arith.constant 0 : index
    %get3A_7 = vector.load %arg2[%get3A_5, %get3A_6] : memref<512x256xf32, #tpu.memory_space<vmem>>, vector<512x256xf32>
    %dot_general3A = arith.constant dense<0.000000e+00> : vector<10000x512xf32>
    %dot_general3A_8 = tpu.matmul %add3A, %get3A_7, %dot_general3A {dimension_numbers = #tpu.dot_dimension_numbers<[1], [1], [0], [0], [0, 0, 1, 0], [], []>, transpose_lhs_hint = false} : vector<10000x256xf32>, vector<512x256xf32>, vector<10000x512xf32> -> vector<10000x512xf32>
    %get3A_9 = arith.constant 0 : index
    %get3A_10 = arith.constant 0 : index
    %get3A_11 = vector.load %arg3[%get3A_9, %get3A_10] : memref<1x512xf32, #tpu.memory_space<vmem>>, vector<1x512xf32>
    %add3A_12 = vector.broadcast %get3A_11 : vector<1x512xf32> to vector<10000x512xf32>
    %add3A_13 = arith.addf %dot_general3A_8, %add3A_12 : vector<10000x512xf32>
    %reduce_sum3A = arith.constant dense<0.000000e+00> : vector<512xf32>
    %reduce_sum3A_14 = vector.multi_reduction <add>, %add3A_13, %reduce_sum3A [0] : vector<10000x512xf32> to vector<512xf32>
    %broadcast_in_dim3A = vector.shape_cast %reduce_sum3A_14 : vector<512xf32> to vector<1x512xf32>
    %div3A = arith.constant 1.000000e+04 : f32
    %div3A_15 = vector.broadcast %div3A : f32 to vector<1x512xf32>
    %div3A_16 = arith.divf %broadcast_in_dim3A, %div3A_15 : vector<1x512xf32>
    %sub3A = vector.broadcast %div3A_16 : vector<1x512xf32> to vector<10000x512xf32>
    %sub3A_17 = arith.subf %add3A_13, %sub3A : vector<10000x512xf32>
    %square3A = arith.mulf %sub3A_17, %sub3A_17 : vector<10000x512xf32>
    %reduce_sum3A_18 = arith.constant dense<0.000000e+00> : vector<512xf32>
    %reduce_sum3A_19 = vector.multi_reduction <add>, %square3A, %reduce_sum3A_18 [0] : vector<10000x512xf32> to vector<512xf32>
    %broadcast_in_dim3A_20 = vector.shape_cast %reduce_sum3A_19 : vector<512xf32> to vector<1x512xf32>
    %div3A_21 = arith.constant 1.000000e+04 : f32
    %div3A_22 = vector.broadcast %div3A_21 : f32 to vector<1x512xf32>
    %div3A_23 = arith.divf %broadcast_in_dim3A_20, %div3A_22 : vector<1x512xf32>
    %sub3A_24 = vector.broadcast %div3A_16 : vector<1x512xf32> to vector<10000x512xf32>
    %sub3A_25 = arith.subf %add3A_13, %sub3A_24 : vector<10000x512xf32>
    %add3A_26 = arith.constant 9.99999974E-6 : f32
    %add3A_27 = vector.broadcast %add3A_26 : f32 to vector<1x512xf32>
    %add3A_28 = arith.addf %div3A_23, %add3A_27 : vector<1x512xf32>
    %rsqrt3A = math.rsqrt %add3A_28 : vector<1x512xf32>
    %mul3A = vector.broadcast %rsqrt3A : vector<1x512xf32> to vector<10000x512xf32>
    %mul3A_29 = arith.mulf %sub3A_25, %mul3A : vector<10000x512xf32>
    %get3A_30 = arith.constant 0 : index
    %get3A_31 = arith.constant 0 : index
    %get3A_32 = vector.load %arg4[%get3A_30, %get3A_31] : memref<1x512xf32, #tpu.memory_space<vmem>>, vector<1x512xf32>
    %mul3A_33 = vector.broadcast %get3A_32 : vector<1x512xf32> to vector<10000x512xf32>
    %mul3A_34 = arith.mulf %mul3A_29, %mul3A_33 : vector<10000x512xf32>
    %get3A_35 = arith.constant 0 : index
    %get3A_36 = arith.constant 0 : index
    %get3A_37 = vector.load %arg5[%get3A_35, %get3A_36] : memref<1x512xf32, #tpu.memory_space<vmem>>, vector<1x512xf32>
    %add3A_38 = vector.broadcast %get3A_37 : vector<1x512xf32> to vector<10000x512xf32>
    %add3A_39 = arith.addf %mul3A_34, %add3A_38 : vector<10000x512xf32>
    %max3A = arith.constant 0.000000e+00 : f32
    %max3A_40 = vector.broadcast %max3A : f32 to vector<10000x512xf32>
    %max3A_41 = arith.maximumf %add3A_39, %max3A_40 : vector<10000x512xf32>
    %get3A_42 = arith.constant 0 : index
    %get3A_43 = arith.constant 0 : index
    %get3A_44 = vector.load %arg6[%get3A_42, %get3A_43] : memref<256x512xf32, #tpu.memory_space<vmem>>, vector<256x512xf32>
    %dot_general3A_45 = arith.constant dense<0.000000e+00> : vector<10000x256xf32>
    %dot_general3A_46 = tpu.matmul %max3A_41, %get3A_44, %dot_general3A_45 {dimension_numbers = #tpu.dot_dimension_numbers<[1], [1], [0], [0], [0, 0, 1, 0], [], []>, transpose_lhs_hint = false} : vector<10000x512xf32>, vector<256x512xf32>, vector<10000x256xf32> -> vector<10000x256xf32>
    %get3A_47 = arith.constant 0 : index
    %get3A_48 = arith.constant 0 : index
    %get3A_49 = vector.load %arg7[%get3A_47, %get3A_48] : memref<1x256xf32, #tpu.memory_space<vmem>>, vector<1x256xf32>
    %add3A_50 = vector.broadcast %get3A_49 : vector<1x256xf32> to vector<10000x256xf32>
    %add3A_51 = arith.addf %dot_general3A_46, %add3A_50 : vector<10000x256xf32>
    %swap3A = arith.constant 0 : index
    %swap3A_52 = arith.constant 0 : index
    %swap3A_53 = vector.load %arg8[%swap3A, %swap3A_52] : memref<10000x256xf32, #tpu.memory_space<vmem>>, vector<10000x256xf32>
    tpu.vector_store %arg8[%swap3A, %swap3A_52], %add3A_51 {strides = array<i32>} : memref<10000x256xf32, #tpu.memory_space<vmem>>, vector<10000x256xf32>,
    return
  }
}

</mosaic_0001>

<sc_bundles>
// kernel: kernel.4.cloned.1.call-start
scs
__scs_entry_jumppad:
0x0: {  	(pc) =	sbr.rel $0x88, $3  }
0x1: {  	(tag) =	ssettag $0x0;
	lr =	simm.s32 $0x1  }
0x2: {  	[smem:$0x3F98] =	sst lr;
	_ =	strace $0xD0000000  }
0x3: {  	_ = 	snop  }
0x4: {  	_ = 	snop  }
0x5: {  	_ = 	snop  }
0x6: {  	_ = 	snop  }
0x7: {  	_ = 	snop  }
__scs_overlays_trampoline_lowered:
0x8: {  	[smem:$0x3FA7] =	sst s0  }
0x9: {  	[smem:$0x3FA8] =	sst s1  }
0xa: {  	[smem:$0x3FA9] =	sst s2  }
0xb: {  	[smem:$0x3FAA] =	sst s3  }
0xc: {  	[smem:$0x3FAB] =	sst s4  }
0xd: {  	[smem:$0x3FAC] =	sst s5  }
0xe: {  	[smem:$0x3FAD] =	sst s6  }
0xf: {  	[smem:$0x3FAE] =	sst s7  }
0x10: {  	[smem:$0x3FAF] =	sst s8  }
0x11: {  	[smem:$0x3FB0] =	sst s9;
	s0 =	simm.s32 @!p0 $0x0  }
0x12: {  	s1 =	sld [smem:$0x3F96];
	s0 =	simm.s32 @p0 $0x1  }
0x13: {  	[smem:$0x3FB1] =	sst s0;
	s0 =	simm.s32 @!p1 $0x0  }
0x14: {  	s2 =	sld [smem:$0x3F95];
	s0 =	simm.s32 @p1 $0x1  }
0x15: {  	[smem:$0x3FB2] =	sst s0;
	s0 =	simm.s32 @!p2 $0x0  }
0x16: {  	s3 =	sld [smem:$0x3FDB];
	s0 =	simm.s32 @p2 $0x1  }
0x17: {  	s4 =	simm.s32 $0x1BF5;
	[smem:$0x3FB4] =	sst s0  }
0x18: {  	s0 =	sld [smem:$0x3F97];
	_ =	swait.ge [sflag:s4], $0x0  }
0x19: {  	s7 =	sld [smem:$0x3F98]  }
0x1a: {  	s8 =	sadd.s32 $0xFFFFE003, lr  }
0x1b: {  	s9 =	sadd.s32 $0xFFFFFEF7, lr;
	s5 =	simm.s32 $0xFFFFFFFF;
	p2 =	slt.u32 s8, $0xFFFFF086  }
0x1c: {  	p1 =	slt.u32 s9, $0xF7A;
	s5 =	simm.s32 @!p2 $0x0  }
0x1d: {  	s5 =	simm.s32 @p1 $0x1;
	p0 =	seq.s32 s7, s2  }
0x1e: {  	s7 =	smul.u32 @!p0 $0xF7A, s2;
	p2 =	seq.s32 @!p0 s5, $0x0  }
0x1f: {  	s9 =	smul.u32 $0xF7A, s1;
	s8 =	simm.s32 @!p0 $0x1BF5;
	p2 =	por !p2, p0  }
0x20: {  	[sflag:s8] =	ssyncset.s32 @!p0 $0xFFFFF086;
	s6 =	sadd.s32 @!p0 s3, s7;
	s7 =	simm.s32 @!p0 $0x108  }
0x21: {  	s3 =	sadd.s32 s3, s9;
	s6 =	sadd.s32 @!p0 $0x88, s6;
	s7 =	simm.s32 @p2 $0x1082  }
0x22: {  	[simem:s7], [sflag:s8] =	dma.local @!p0 [hbm:s6], $0xF7A  }
0x23: {  	s9 =	sor.u32 $0xD0000000, s2;
	s6 =	simm.s32 $0x108;
	_ =	swait.ge @!p0 [sflag:s8], $0x0  }
0x24: {  	s3 =	sadd.s32 $0x88, s3;
	s6 =	simm.s32 @!p1 $0x1082;
	[sflag:s4] =	ssyncset.s32 $0xFFFFF086  }
0x25: {  	[simem:s6], [sflag:s4] =	dma.local [hbm:s3], $0xF7A  }
0x26: {  	[smem:$0x3F98] =	sst s1;
	(tag) =	ssettag s2;
	_ =	strace s9  }
0x27: {  	s1 =	sld [smem:$0x3FA8]  }
0x28: {  	s2 =	sld [smem:$0x3FA9]  }
0x29: {  	s4 =	sld [smem:$0x3FAB]  }
0x2a: {  	p0 =	seq.s32 s5, $0x0;
	s5 =	sld [smem:$0x3FAC]  }
0x2b: {  	s6 =	sld [smem:$0x3FAD]  }
0x2c: {  	s7 =	sld [smem:$0x3FAE]  }
0x2d: {  	s3 =	simm.s32 $0x108;
	s8 =	sld [smem:$0x3FAF]  }
0x2e: {  	s3 =	simm.s32 @!p0 $0x1082;
	s9 =	sld [smem:$0x3FB0]  }
0x2f: {  	lr =	sadd.s32 s0, s3;
	s0 =	sld [smem:$0x3FA7]  }
0x30: {  	s3 =	sld [smem:$0x3FAA]  }
0x31: {  	[smem:$0x3FB3] =	sst s10  }
0x32: {  	s10 =	sld [smem:$0x3FB1];
	_ =	sdelay $0x3  }
0x33: {  	p0 =	seq.s32 s10, $0x1;
	s10 =	sld [smem:$0x3FB3];
	_ =	sdelay $0x3  }
0x34: {  	[smem:$0x3FB3] =	sst s10  }
0x35: {  	s10 =	sld [smem:$0x3FB2];
	_ =	sdelay $0x3  }
0x36: {  	p1 =	seq.s32 s10, $0x1;
	s10 =	sld [smem:$0x3FB3];
	_ =	sdelay $0x3  }
0x37: {  	[smem:$0x3FB3] =	sst s10  }
0x38: {  	s10 =	sld [smem:$0x3FB4]  }
0x39: {  	_ = 	snop;
	(pc) =	sbr.ind lr, $3  }
0x3a: {  	_ = 	snop  }
0x3b: {  	_ = 	snop  }
0x3c: {  	p2 =	seq.s32 s10, $0x1;
	s10 =	sld [smem:$0x3FB3]  }
0x3d: {  	_ =	shalt  }
0x3e: {  	_ =	shalt  }
0x3f: {  	_ =	shalt  }
0x40: {  	_ =	shalt  }
0x41: {  	_ =	shalt  }
0x42: {  	_ =	shalt  }
0x43: {  	_ =	shalt  }
0x44: {  	_ =	shalt  }
0x45: {  	_ =	shalt  }
0x46: {  	_ =	shalt  }
0x47: {  	_ =	shalt  }
0x48: {  	_ =	shalt  }
0x49: {  	_ =	shalt  }
0x4a: {  	_ =	shalt  }
0x4b: {  	_ =	shalt  }
0x4c: {  	_ =	shalt  }
0x4d: {  	_ =	shalt  }
0x4e: {  	_ =	shalt  }
0x4f: {  	_ =	shalt  }
0x50: {  	_ =	shalt  }
0x51: {  	_ =	shalt  }
0x52: {  	_ =	shalt  }
0x53: {  	_ =	shalt  }
0x54: {  	_ =	shalt  }
0x55: {  	_ =	shalt  }
0x56: {  	_ =	shalt  }
0x57: {  	_ =	shalt  }
0x58: {  	_ =	shalt  }
0x59: {  	_ =	shalt  }
0x5a: {  	_ =	shalt  }
0x5b: {  	_ =	shalt  }
0x5c: {  	_ =	shalt  }
0x5d: {  	_ =	shalt  }
0x5e: {  	_ =	shalt  }
0x5f: {  	_ =	shalt  }
0x60: {  	_ =	shalt  }
0x61: {  	_ =	shalt  }
0x62: {  	_ =	shalt  }
0x63: {  	_ =	shalt  }
0x64: {  	_ =	shalt  }
0x65: {  	_ =	shalt  }
0x66: {  	_ =	shalt  }
0x67: {  	_ =	shalt  }
0x68: {  	_ =	shalt  }
0x69: {  	_ =	shalt  }
0x6a: {  	_ =	shalt  }
0x6b: {  	_ =	shalt  }
0x6c: {  	_ =	shalt  }
0x6d: {  	_ =	shalt  }
0x6e: {  	_ =	shalt  }
0x6f: {  	_ =	shalt  }
0x70: {  	_ =	shalt  }
0x71: {  	_ =	shalt  }
0x72: {  	_ =	shalt  }
0x73: {  	_ =	shalt  }
0x74: {  	_ =	shalt  }
0x75: {  	_ =	shalt  }
0x76: {  	_ =	shalt  }
0x77: {  	_ =	shalt  }
0x78: {  	_ =	shalt  }
0x79: {  	_ =	shalt  }
0x7a: {  	_ =	shalt  }
0x7b: {  	_ =	shalt  }
0x7c: {  	_ =	shalt  }
0x7d: {  	_ =	shalt  }
0x7e: {  	_ =	shalt  }
0x7f: {  	_ =	shalt  }
0x80: {  	_ =	shalt  }
0x81: {  	_ =	shalt  }
0x82: {  	_ =	shalt  }
0x83: {  	_ =	shalt  }
0x84: {  	_ =	shalt  }
0x85: {  	_ =	shalt  }
0x86: {  	_ =	shalt  }
0x87: {  	_ =	shalt  }
.Lfunc_end0:
.L_simem_size_0:
called_computation_lowered:
.L_overlay_start_0:
0x88: {  	s2 =	sld [smem:$0x3FD9]  }
0x89: {  	s3 =	sld [smem:$0x3FFE];
	_ =	sdelay $0x1  }
0x8a: {  	s1 =	srdreg.scid  }
0x8b: {  	s0 =	sand.u32 $0x1, s1  }
0x8c: {  	s17 =	sshll.u32 s0, $0xA;
	s2 =	sadd.s32 s3, s2  }
0x8d: {  	s2 =	sadd.s32 s2, s17  }
0x8e: {  	[smem:$0x3FBF] =	sst s2  }
0x8f: {  	_ = 	snop  }
0x90: {  	s2 =	sld [smem:$0x3FC9]  }
0x91: {  	s18 =	sld [smem:$0x3FC7]  }
0x92: {  	s4 =	sld [smem:$0x3FD0];
	(tm) =	ssettm $0x1  }
0x93: {  	s5 =	sld [smem:$0x3FFB];
	_ =	sdelay $0x3  }
0x94: {  	_ =	strace s5  }
0x95: {  	s5 =	sld [smem:$0x3FFC];
	_ =	sdelay $0x3  }
0x96: {  	_ =	strace s5  }
0x97: {  	s5 =	sld [smem:$0x3FFD];
	_ =	sdelay $0x3  }
0x98: {  	_ =	strace s5  }
0x99: {  	_ =	strace $0x8FFFFFFF  }
0x9a: {  	s19 =	sld [smem:$0x3FDB];
	_ =	sdelay $0x1  }
0x9b: {  	s6 =	simm.s32 $_scs_section_size  }
0x9c: {  	s7 =	simm.s32 $_size__tile_overlayer_lowered;
	s8 =	simm.s32 $_tile_overlayer_lowered  }
0x9d: {  	s22 =	simm.s32 $0x1BFF;
	s21 =	sshll.u32 s8, $0x1;
	s5 =	sadd.s32 s6, s19  }
0x9e: {  	s9 =	simm.s32 $0x0;
	s20 =	sshll.u32 s7, $0x1;
	s7 =	sadd.s32 s21, s5  }
0x9f: {  	[timem:s9], [sflag:s22] =	dma.local [hbm:s7], s20  }
0xa0: {  	_ =	swait.ge [sflag:s22], s20  }
0xa1: {  	s6 =	ssub.s32 $0x0, s20;
	[sflag:s22] =	ssyncset.done $0x0  }
0xa2: {  	[sflag:s22] =	ssyncadd.s32 s6;
	_ =	sdelay $0x1  }
0xa3: {  	s23 =	simm.s32 $0x1B8B  }
0xa4: {  	_ =	swait.ge [sflag:s23], $0x1  }
0xa5: {  	[sflag:s23] =	ssyncset.done $0x0  }
0xa6: {  	s25 =	simm.s32 $0x1B8E;
	s24 =	sld [smem:$0x3FFE];
	[sflag:s23] =	ssyncadd.s32 $0xFFFFFFFF  }
0xa7: {  	s26 =	simm.s32 $execute0_lowered;
	[smem:$0x3FD2] =	sst s25  }
0xa8: {  	s7 =	sshll.u32 s26, $0x1;
	_ =	strace $0x80000046;
	[dreg:$0x1] =	wrdreg $0xFFFFFFFF  }
0xa9: {  	s28 =	simm.s32 $_size_execute0_lowered;
	s5 =	sadd.s32 s5, s7;
	[dreg:$0x0] =	wrdreg $0x0  }
0xaa: {  	s7 =	sshll.u32 s28, $0x1;
	[dreg:$0x2] =	wrdreg s5  }
0xab: {  	[dreg:$0x3] =	wrdreg s7  }
0xac: {  	[dreg:$0x4] =	wrdreg $0xC0  }
0xad: {  	_ =	task [dreg:s9], $0x5FFFF  }
0xae: {  	[dreg:$0x1] =	wrdreg $0xFFFFFFFF  }
0xaf: {  	[dreg:$0x0] =	wrdreg $0x60  }
0xb0: {  	[dreg:$0x2] =	wrdreg s2  }
0xb1: {  	[dreg:$0x3] =	wrdreg s18  }
0xb2: {  	[dreg:$0x4] =	wrdreg s24  }
0xb3: {  	[dreg:$0x5] =	wrdreg s4  }
0xb4: {  	[dreg:$0x6] =	wrdreg $0xA9000  }
0xb5: {  	[dreg:$0x7] =	wrdreg $0x9  }
0xb6: {  	_ =	task.clear_ibuf [dreg:s9], $0x8FFFF;
	_ =	strace $0x90000046  }
0xb7: {  	s29 =	simm.s32 $0x9;
	_ =	strace $0x80000048  }
0xb8: {  	_ =	swait.ge [sflag:s29], $0x1  }
0xb9: {  	[sflag:s29] =	ssyncadd.s32 $0xFFFFFFFF  }
0xba: {  	_ =	strace $0x90000048  }
0xbb: {  	_ =	sfence  }
0xbc: {  	s30 =	sld [smem:$0x0];
	_ =	sdelay $0x2  }
0xbd: {  	s31 =	sshll.u32 s1, $0xD;
	s1 =	sshrl.u32 s1, $0x2  }
0xbe: {  	s3 =	sand.u32 $0x4000, s31;
	s1 =	sadd.s32 s1, s30  }
0xbf: {  	s0 =	sor.u32 s3, s0;
	s1 =	sshll.u32 s1, $0x11  }
0xc0: {  	s0 =	sor.u32 s1, s0  }
0xc1: {  	s0 =	sadd.s32 $0x8F2B, s0  }
0xc2: {  	[sflag:s0] =	ssyncadd.remote.s32 $0x1  }
0xc3: {  	_ =	sfence.sel $0xFFFF  }
0xc4: {  	[dreg:$0x0] =	wrdreg $0xFFFFFFFF;
	(pc) =	sbr.abs _section_cstart, $3  }
0xc5: {  	[dreg:$0x1] =	wrdreg $0xFFFFFFFF  }
0xc6: {  	_ =	task.clear_ibuf [dreg:s9], $0x2FFFF;
	_ =	strace $0x9FFFFFFF  }
0xc7: {  	(tm) =	ssettm $0x7FFFFFFF  }
tec
execute0_lowered:
.L_overlay_start_1:
0x0: {  	(tag) =	ssettag $0x1  }
0x1: {  	s0 =	rddreg [dreg:$0x0]  }
0x2: {  	s1 =	rddreg [dreg:$0x1]  }
0x3: {  	s2 =	rddreg [dreg:$0x2]  }
0x4: {  	s3 =	rddreg [dreg:$0x3]  }
0x5: {  	s4 =	rddreg [dreg:$0x4];
	s13 =	stileid.u32  }
0x6: {  	s7 =	srdreg.scid;
	s5 =	simm.s32 $0x0;
	s6 =	smul.u32 $0x500, s13  }
0x7: {  	s28 =	simm.s32 $0x6780;
	s29 =	simm.s32 $0x2880;
	s8 =	smul.u32 $0x27800, s13  }
0x8: {  	s14 =	simm.s32 $0x1;
	s7 =	sand.u32 $0x1, s7;
	s11 =	smul.u32 $0x271000, s13  }
0x9: {  	[smem:$0x7FF] =	sst s5;
	s12 =	sadd.s32 $0x5C00, s2;
	s22 =	smul.u32 $0x4F000, s13  }
0xa: {  	s9 =	sshll.u32 s7, $0xA;
	_ =	strace $0x80000047;
	s10 =	ssub.s32 $0x2, s7  }
0xb: {  	[dreg:$0x6] =	wrdreg s12;
	s17 =	sshll.u32 s7, $0x7;
	s7 =	simm.s32 $0x6700  }
0xc: {  	s12 =	simm.s32 $0x6880;
	s6 =	sadd.s32 s6, s2;
	s8 =	sor.u32 s9, s8  }
0xd: {  	s15 =	sshrl.u32 s10, $0x1;
	s25 =	sshrl.u32 s22, $0x2;
	s8 =	sshrl.u32 s8, $0x3  }
0xe: {  	s16 =	ssub.s32 s10, s15;
	s6 =	sadd.s32 $0xC00, s6;
	s10 =	sadd.s32 s0, s17  }
0xf: {  	s17 =	simm.s32 $0x800;
	s15 =	simm.s32 $0x2;
	s2 =	sadd.s32 s8, s2  }
0x10: {  	[dreg:$0x7] =	wrdreg s6;
	s8 =	sor.u32 s9, s11;
	s9 =	smul.u32 $0x5000, s13  }
0x11: {  	s31 =	smax.u32 s16, $0x1;
	s16 =	simm.s32 $0x400;
	s11 =	simm.s32 $0x6800  }
0x12: {  	s13 =	simm.s32 $0x8900;
	s18 =	sshrl.u32 s8, $0x3;
	s20 =	sadd.s32 $0x4000, s8  }
0x13: {  	s24 =	sadd.s32 $0x270000, s8;
	s30 =	sadd.s32 $0x8400, s2;
	[dreg:$0x10] =	wrdreg s31  }
0x14: {  	s2 =	simm.s32 $0x6500;
	s19 =	sadd.s32 s1, s18;
	s21 =	sshrl.u32 s9, $0x3  }
0x15: {  	s0 =	sshrl.u32 s20, $0x3;
	[dreg:$0xf] =	wrdreg s30;
	s20 =	simm.s32 $0x3  }
0x16: {  	v0 =	vimm.s32 $0x7;
	s18 =	simm.s32 $0x6900;
	[dreg:$0x8] =	wrdreg s19;
	s0 =	sadd.s32 s1, s0  }
0x17: {  	v1 =	vimm.s32 $0x1;
	v2 =	vimm.s32 $0x0;
	v3 =	vlaneseq.u32;
	s23 =	sadd.s32 s3, s21;
	s19 =	simm.s32 $0x2800;
	[dreg:$0xa] =	wrdreg s0  }
0x18: {  	vm0 =	vmmov $0x1;
	v4 =	vimm.s32 $0x2;
	v5 =	vimm.s32 $0x3;
	s21 =	simm.s32 $0x0;
	s6 =	sadd.s32 $0x10, s23;
	[dreg:$0x9] =	wrdreg s23  }
0x19: {  	v6 =	vimm.s32 $0x4;
	v7 =	vimm.s32 $0x5;
	v8 =	vimm.s32 $0x6;
	s0 =	sshrl.u32 s24, $0x3;
	s26 =	sadd.s32 $0x9C0, s23;
	[dreg:$0xb] =	wrdreg s6  }
0x1a: {  	v9 =	vimm.s32 $0x8;
	v10 =	vimm.s32 $0x9;
	v11 =	vimm.s32 $0xA;
	s23 =	simm.s32 $0x6680;
	s6 =	sadd.s32 s25, s4;
	[dreg:$0xd] =	wrdreg s26  }
0x1b: {  	v12 =	vimm.s32 $0xB;
	v13 =	vimm.s32 $0xC;
	v14 =	vimm.s32 $0xD;
	s24 =	simm.s32 $0x40;
	s0 =	sadd.s32 s1, s0;
	[dreg:$0xc] =	wrdreg s6  }
0x1c: {  	v15 =	vimm.s32 $0xE;
	v16 =	vimm.s32 $0xF;
	v3 =	vmul.u32 $0x8, v3;
	s26 =	simm.s32 $0x6580;
	[dreg:$0xe] =	wrdreg s0;
	s6 =	simm.s32 $0x6600  }
.LBB2_1:
0x1d: {  	[dreg:$0x11] =	wrdreg s21  }
0x1e: {  	s0 =	rddreg [dreg:$0x7]  }
0x1f: {  	[tilespmem:s5], [sflag:$0x3] =	stream.linear.gather [hbm4b:s0+s5], $0x2780, $0x38;
	[tilespmem:$0x1E500] =	vst v63  }
0x20: {  	_ =	swait.ge [sflag:s20], $0x2780  }
0x21: {  	[sflag:s20] =	ssyncset.done $0x0  }
0x22: {  	[sflag:s20] =	ssyncadd.s32 $0xFFFFD880  }
0x23: {  	v17 =	vld [tilespmem:$0x0];
	_ =	sdelay $0x4  }
0x24: {  	v18 =	vshll.u32 v17, $0x1  }
0x25: {  	v17 =	vand.u32 $0x7, v17;
	v18 =	vand.u32 $0xFFFFFFF0, v18  }
0x26: {  	v17 =	vor.u32 v17, v18  }
0x27: {  	v18 =	vperm.xlane v17, v2;
	_ =	sdelay $0x1  }
0x28: {  	v19 =	vperm.xlane v17, v1;
	v18 =	vadd.s32 v3, v18;
	_ =	sdelay $0x1  }
0x29: {  	v20 =	vperm.xlane v17, v4;
	v19 =	vadd.s32 v3, v19;
	_ =	sdelay $0x1  }
0x2a: {  	s22 =	simm.s32 $0x2900;
	v21 =	vperm.xlane v17, v5;
	v20 =	vadd.s32 v3, v20  }
0x2b: {  	[tilespmem:s22], [sflag:$0x1] =	stream.indirect_vreg.gather [hbm4b:s10+s5], $0x80, v18, vm0, $0xb8;
	[tilespmem:$0x1E500] =	vst v63  }
0x2c: {  	s25 =	simm.s32 $0x2980;
	v50 =	vperm.xlane v17, v6;
	v18 =	vadd.s32 v3, v21  }
0x2d: {  	[tilespmem:s25], [sflag:$0x1] =	stream.indirect_vreg.gather [hbm4b:s10+s5], $0x80, v19, vm0, $0xb8;
	[tilespmem:$0x1E500] =	vst v63  }
0x2e: {  	s31 =	simm.s32 $0x2A00;
	v51 =	vperm.xlane v17, v7;
	v19 =	vadd.s32 v3, v50  }
0x2f: {  	[tilespmem:s31], [sflag:$0x1] =	stream.indirect_vreg.gather [hbm4b:s10+s5], $0x80, v20, vm0, $0xb8;
	[tilespmem:$0x1E500] =	vst v63  }
0x30: {  	s21 =	simm.s32 $0x2A80;
	v53 =	vperm.xlane v17, v8;
	v52 =	vadd.s32 v3, v51  }
0x31: {  	[tilespmem:s21], [sflag:$0x1] =	stream.indirect_vreg.gather [hbm4b:s10+s5], $0x80, v18, vm0, $0xb8;
	[tilespmem:$0x1E500] =	vst v63  }
0x32: {  	v54 =	vperm.xlane v17, v0;
	s22 =	simm.s32 $0x2B00;
	v18 =	vadd.s32 v3, v53  }
0x33: {  	[tilespmem:s22], [sflag:$0x1] =	stream.indirect_vreg.gather [hbm4b:s10+s5], $0x80, v19, vm0, $0xb8;
	[tilespmem:$0x1E500] =	vst v63  }
0x34: {  	v55 =	vperm.xlane v17, v9;
	s25 =	simm.s32 $0x2B80;
	v19 =	vadd.s32 v3, v54  }
0x35: {  	[tilespmem:s25], [sflag:$0x1] =	stream.indirect_vreg.gather [hbm4b:s10+s5], $0x80, v52, vm0, $0xb8;
	[tilespmem:$0x1E500] =	vst v63  }
0x36: {  	v57 =	vperm.xlane v17, v10;
	v56 =	vadd.s32 v3, v55;
	s31 =	simm.s32 $0x2C00  }
0x37: {  	[tilespmem:s31], [sflag:$0x1] =	stream.indirect_vreg.gather [hbm4b:s10+s5], $0x80, v18, vm0, $0xb8;
	[tilespmem:$0x1E500] =	vst v63  }
0x38: {  	v58 =	vperm.xlane v17, v11;
	s21 =	simm.s32 $0x2C80;
	v18 =	vadd.s32 v3, v57  }
0x39: {  	[tilespmem:s21], [sflag:$0x1] =	stream.indirect_vreg.gather [hbm4b:s10+s5], $0x80, v19, vm0, $0xb8;
	[tilespmem:$0x1E500] =	vst v63  }
0x3a: {  	v59 =	vperm.xlane v17, v12;
	s22 =	simm.s32 $0x2D00;
	v19 =	vadd.s32 v3, v58  }
0x3b: {  	[tilespmem:s22], [sflag:$0x1] =	stream.indirect_vreg.gather [hbm4b:s10+s5], $0x80, v56, vm0, $0xb8;
	[tilespmem:$0x1E500] =	vst v63  }
0x3c: {  	v61 =	vperm.xlane v17, v13;
	v60 =	vadd.s32 v3, v59;
	s25 =	simm.s32 $0x2D80  }
0x3d: {  	[tilespmem:s25], [sflag:$0x1] =	stream.indirect_vreg.gather [hbm4b:s10+s5], $0x80, v18, vm0, $0xb8;
	[tilespmem:$0x1E500] =	vst v63  }
0x3e: {  	v62 =	vperm.xlane v17, v14;
	s31 =	simm.s32 $0x2E00;
	v18 =	vadd.s32 v3, v61  }
0x3f: {  	[tilespmem:s31], [sflag:$0x1] =	stream.indirect_vreg.gather [hbm4b:s10+s5], $0x80, v19, vm0, $0xb8;
	[tilespmem:$0x1E500] =	vst v63  }
0x40: {  	v63 =	vperm.xlane v17, v15;
	s21 =	simm.s32 $0x2E80;
	v19 =	vadd.s32 v3, v62  }
0x41: {  	[tilespmem:s21], [sflag:$0x1] =	stream.indirect_vreg.gather [hbm4b:s10+s5], $0x80, v60, vm0, $0xb8;
	[tilespmem:$0x1E500] =	vst v63  }
0x42: {  	v17 =	vperm.xlane v17, v16;
	v24 =	vadd.s32 v3, v63;
	s22 =	simm.s32 $0x2F00  }
0x43: {  	[tilespmem:s22], [sflag:$0x1] =	stream.indirect_vreg.gather [hbm4b:s10+s5], $0x80, v18, vm0, $0xb8;
	[tilespmem:$0x1E500] =	vst v63  }
0x44: {  	v17 =	vadd.s32 v3, v17;
	s25 =	simm.s32 $0x2F80  }
0x45: {  	[tilespmem:s25], [sflag:$0x1] =	stream.indirect_vreg.gather [hbm4b:s10+s5], $0x80, v19, vm0, $0xb8;
	[tilespmem:$0x1E500] =	vst v63  }
0x46: {  	s31 =	simm.s32 $0x3000  }
0x47: {  	[tilespmem:s31], [sflag:$0x1] =	stream.indirect_vreg.gather [hbm4b:s10+s5], $0x80, v24, vm0, $0xb8;
	[tilespmem:$0x1E500] =	vst v63  }
0x48: {  	s21 =	simm.s32 $0x3080  }
0x49: {  	[tilespmem:s21], [sflag:$0x1] =	stream.indirect_vreg.gather [hbm4b:s10+s5], $0x80, v17, vm0, $0xb8;
	[tilespmem:$0x1E500] =	vst v63  }
0x4a: {  	v17 =	vld [tilespmem:$0x10];
	_ =	sdelay $0x4  }
0x4b: {  	v18 =	vshll.u32 v17, $0x1  }
0x4c: {  	v17 =	vand.u32 $0x7, v17;
	v18 =	vand.u32 $0xFFFFFFF0, v18  }
0x4d: {  	v17 =	vor.u32 v17, v18  }
0x4e: {  	v18 =	vperm.xlane v17, v2;
	_ =	sdelay $0x1  }
0x4f: {  	v19 =	vperm.xlane v17, v1;
	v18 =	vadd.s32 v3, v18;
	_ =	sdelay $0x1  }
0x50: {  	v25 =	vperm.xlane v17, v4;
	v19 =	vadd.s32 v3, v19;
	_ =	sdelay $0x1  }
0x51: {  	s22 =	simm.s32 $0x3100;
	v26 =	vperm.xlane v17, v5;
	v20 =	vadd.s32 v3, v25  }
0x52: {  	[tilespmem:s22], [sflag:$0x1] =	stream.indirect_vreg.gather [hbm4b:s10+s5], $0x80, v18, vm0, $0xb8;
	[tilespmem:$0x1E500] =	vst v63  }
0x53: {  	s25 =	simm.s32 $0x3180;
	v27 =	vperm.xlane v17, v6;
	v18 =	vadd.s32 v3, v26  }
0x54: {  	[tilespmem:s25], [sflag:$0x1] =	stream.indirect_vreg.gather [hbm4b:s10+s5], $0x80, v19, vm0, $0xb8;
	[tilespmem:$0x1E500] =	vst v63  }
0x55: {  	s31 =	simm.s32 $0x3200;
	v28 =	vperm.xlane v17, v7;
	v19 =	vadd.s32 v3, v27  }
0x56: {  	[tilespmem:s31], [sflag:$0x1] =	stream.indirect_vreg.gather [hbm4b:s10+s5], $0x80, v20, vm0, $0xb8;
	[tilespmem:$0x1E500] =	vst v63  }
0x57: {  	s21 =	simm.s32 $0x3280;
	v30 =	vperm.xlane v17, v8;
	v29 =	vadd.s32 v3, v28  }
0x58: {  	[tilespmem:s21], [sflag:$0x1] =	stream.indirect_vreg.gather [hbm4b:s10+s5], $0x80, v18, vm0, $0xb8;
	[tilespmem:$0x1E500] =	vst v63  }
0x59: {  	v31 =	vperm.xlane v17, v0;
	s22 =	simm.s32 $0x3300;
	v18 =	vadd.s32 v3, v30  }
0x5a: {  	[tilespmem:s22], [sflag:$0x1] =	stream.indirect_vreg.gather [hbm4b:s10+s5], $0x80, v19, vm0, $0xb8;
	[tilespmem:$0x1E500] =	vst v63  }
0x5b: {  	v32 =	vperm.xlane v17, v9;
	s25 =	simm.s32 $0x3380;
	v19 =	vadd.s32 v3, v31  }
0x5c: {  	[tilespmem:s25], [sflag:$0x1] =	stream.indirect_vreg.gather [hbm4b:s10+s5], $0x80, v29, vm0, $0xb8;
	[tilespmem:$0x1E500] =	vst v63  }
0x5d: {  	v34 =	vperm.xlane v17, v10;
	v33 =	vadd.s32 v3, v32;
	s31 =	simm.s32 $0x3400  }
0x5e: {  	[tilespmem:s31], [sflag:$0x1] =	stream.indirect_vreg.gather [hbm4b:s10+s5], $0x80, v18, vm0, $0xb8;
	[tilespmem:$0x1E500] =	vst v63  }
0x5f: {  	v35 =	vperm.xlane v17, v11;
	s21 =	simm.s32 $0x3480;
	v18 =	vadd.s32 v3, v34  }
0x60: {  	[tilespmem:s21], [sflag:$0x1] =	stream.indirect_vreg.gather [hbm4b:s10+s5], $0x80, v19, vm0, $0xb8;
	[tilespmem:$0x1E500] =	vst v63  }
0x61: {  	v36 =	vperm.xlane v17, v12;
	s22 =	simm.s32 $0x3500;
	v19 =	vadd.s32 v3, v35  }
0x62: {  	[tilespmem:s22], [sflag:$0x1] =	stream.indirect_vreg.gather [hbm4b:s10+s5], $0x80, v33, vm0, $0xb8;
	[tilespmem:$0x1E500] =	vst v63  }
0x63: {  	v38 =	vperm.xlane v17, v13;
	v37 =	vadd.s32 v3, v36;
	s25 =	simm.s32 $0x3580  }
0x64: {  	[tilespmem:s25], [sflag:$0x1] =	stream.indirect_vreg.gather [hbm4b:s10+s5], $0x80, v18, vm0, $0xb8;
	[tilespmem:$0x1E500] =	vst v63  }
0x65: {  	v39 =	vperm.xlane v17, v14;
	s31 =	simm.s32 $0x3600;
	v18 =	vadd.s32 v3, v38  }
0x66: {  	[tilespmem:s31], [sflag:$0x1] =	stream.indirect_vreg.gather [hbm4b:s10+s5], $0x80, v19, vm0, $0xb8;
	[tilespmem:$0x1E500] =	vst v63  }
0x67: {  	v40 =	vperm.xlane v17, v15;
	s21 =	simm.s32 $0x3680;
	v19 =	vadd.s32 v3, v39  }
0x68: {  	[tilespmem:s21], [sflag:$0x1] =	stream.indirect_vreg.gather [hbm4b:s10+s5], $0x80, v37, vm0, $0xb8;
	[tilespmem:$0x1E500] =	vst v63  }
0x69: {  	v17 =	vperm.xlane v17, v16;
	v41 =	vadd.s32 v3, v40;
	s22 =	simm.s32 $0x3700  }
0x6a: {  	[tilespmem:s22], [sflag:$0x1] =	stream.indirect_vreg.gather [hbm4b:s10+s5], $0x80, v18, vm0, $0xb8;
	[tilespmem:$0x1E500] =	vst v63  }
0x6b: {  	v17 =	vadd.s32 v3, v17;
	s25 =	simm.s32 $0x3780  }
0x6c: {  	[tilespmem:s25], [sflag:$0x1] =	stream.indirect_vreg.gather [hbm4b:s10+s5], $0x80, v19, vm0, $0xb8;
	[tilespmem:$0x1E500] =	vst v63  }
0x6d: {  	s31 =	simm.s32 $0x3800  }
0x6e: {  	[tilespmem:s31], [sflag:$0x1] =	stream.indirect_vreg.gather [hbm4b:s10+s5], $0x80, v41, vm0, $0xb8;
	[tilespmem:$0x1E500] =	vst v63  }
0x6f: {  	s21 =	simm.s32 $0x3880  }
0x70: {  	[tilespmem:s21], [sflag:$0x1] =	stream.indirect_vreg.gather [hbm4b:s10+s5], $0x80, v17, vm0, $0xb8;
	[tilespmem:$0x1E500] =	vst v63  }
0x71: {  	v17 =	vld [tilespmem:$0x20];
	_ =	sdelay $0x4  }
0x72: {  	v18 =	vshll.u32 v17, $0x1  }
0x73: {  	v17 =	vand.u32 $0x7, v17;
	v18 =	vand.u32 $0xFFFFFFF0, v18  }
0x74: {  	v17 =	vor.u32 v17, v18  }
0x75: {  	v18 =	vperm.xlane v17, v2;
	_ =	sdelay $0x1  }
0x76: {  	v19 =	vperm.xlane v17, v1;
	v18 =	vadd.s32 v3, v18;
	_ =	sdelay $0x1  }
0x77: {  	v42 =	vperm.xlane v17, v4;
	v19 =	vadd.s32 v3, v19;
	_ =	sdelay $0x1  }
0x78: {  	s22 =	simm.s32 $0x3900;
	v43 =	vperm.xlane v17, v5;
	v20 =	vadd.s32 v3, v42  }
0x79: {  	[tilespmem:s22], [sflag:$0x1] =	stream.indirect_vreg.gather [hbm4b:s10+s5], $0x80, v18, vm0, $0xb8;
	[tilespmem:$0x1E500] =	vst v63  }
0x7a: {  	s25 =	simm.s32 $0x3980;
	v44 =	vperm.xlane v17, v6;
	v18 =	vadd.s32 v3, v43  }
0x7b: {  	[tilespmem:s25], [sflag:$0x1] =	stream.indirect_vreg.gather [hbm4b:s10+s5], $0x80, v19, vm0, $0xb8;
	[tilespmem:$0x1E500] =	vst v63  }
0x7c: {  	s31 =	simm.s32 $0x3A00;
	v45 =	vperm.xlane v17, v7;
	v19 =	vadd.s32 v3, v44  }
0x7d: {  	[tilespmem:s31], [sflag:$0x1] =	stream.indirect_vreg.gather [hbm4b:s10+s5], $0x80, v20, vm0, $0xb8;
	[tilespmem:$0x1E500] =	vst v63  }
0x7e: {  	s21 =	simm.s32 $0x3A80;
	v47 =	vperm.xlane v17, v8;
	v46 =	vadd.s32 v3, v45  }
0x7f: {  	[tilespmem:s21], [sflag:$0x1] =	stream.indirect_vreg.gather [hbm4b:s10+s5], $0x80, v18, vm0, $0xb8;
	[tilespmem:$0x1E500] =	vst v63  }
0x80: {  	v48 =	vperm.xlane v17, v0;
	s22 =	simm.s32 $0x3B00;
	v18 =	vadd.s32 v3, v47  }
0x81: {  	[tilespmem:s22], [sflag:$0x1] =	stream.indirect_vreg.gather [hbm4b:s10+s5], $0x80, v19, vm0, $0xb8;
	[tilespmem:$0x1E500] =	vst v63  }
0x82: {  	v49 =	vperm.xlane v17, v9;
	s25 =	simm.s32 $0x3B80;
	v19 =	vadd.s32 v3, v48  }
0x83: {  	[tilespmem:s25], [sflag:$0x1] =	stream.indirect_vreg.gather [hbm4b:s10+s5], $0x80, v46, vm0, $0xb8;
	[tilespmem:$0x1E500] =	vst v63  }
0x84: {  	v51 =	vperm.xlane v17, v10;
	v50 =	vadd.s32 v3, v49;
	s31 =	simm.s32 $0x3C00  }
0x85: {  	[tilespmem:s31], [sflag:$0x1] =	stream.indirect_vreg.gather [hbm4b:s10+s5], $0x80, v18, vm0, $0xb8;
	[tilespmem:$0x1E500] =	vst v63  }
0x86: {  	v52 =	vperm.xlane v17, v11;
	s21 =	simm.s32 $0x3C80;
	v18 =	vadd.s32 v3, v51  }
0x87: {  	[tilespmem:s21], [sflag:$0x1] =	stream.indirect_vreg.gather [hbm4b:s10+s5], $0x80, v19, vm0, $0xb8;
	[tilespmem:$0x1E500] =	vst v63  }
0x88: {  	v53 =	vperm.xlane v17, v12;
	s22 =	simm.s32 $0x3D00;
	v19 =	vadd.s32 v3, v52  }
0x89: {  	[tilespmem:s22], [sflag:$0x1] =	stream.indirect_vreg.gather [hbm4b:s10+s5], $0x80, v50, vm0, $0xb8;
	[tilespmem:$0x1E500] =	vst v63  }
0x8a: {  	v55 =	vperm.xlane v17, v13;
	v54 =	vadd.s32 v3, v53;
	s25 =	simm.s32 $0x3D80  }
0x8b: {  	[tilespmem:s25], [sflag:$0x1] =	stream.indirect_vreg.gather [hbm4b:s10+s5], $0x80, v18, vm0, $0xb8;
	[tilespmem:$0x1E500] =	vst v63  }
0x8c: {  	v56 =	vperm.xlane v17, v14;
	s31 =	simm.s32 $0x3E00;
	v18 =	vadd.s32 v3, v55  }
0x8d: {  	[tilespmem:s31], [sflag:$0x1] =	stream.indirect_vreg.gather [hbm4b:s10+s5], $0x80, v19, vm0, $0xb8;
	[tilespmem:$0x1E500] =	vst v63  }
0x8e: {  	v57 =	vperm.xlane v17, v15;
	s21 =	simm.s32 $0x3E80;
	v19 =	vadd.s32 v3, v56  }
0x8f: {  	[tilespmem:s21], [sflag:$0x1] =	stream.indirect_vreg.gather [hbm4b:s10+s5], $0x80, v54, vm0, $0xb8;
	[tilespmem:$0x1E500] =	vst v63  }
0x90: {  	v17 =	vperm.xlane v17, v16;
	v58 =	vadd.s32 v3, v57;
	s22 =	simm.s32 $0x3F00  }
0x91: {  	[tilespmem:s22], [sflag:$0x1] =	stream.indirect_vreg.gather [hbm4b:s10+s5], $0x80, v18, vm0, $0xb8;
	[tilespmem:$0x1E500] =	vst v63  }
0x92: {  	v17 =	vadd.s32 v3, v17;
	s25 =	simm.s32 $0x3F80  }
0x93: {  	[tilespmem:s25], [sflag:$0x1] =	stream.indirect_vreg.gather [hbm4b:s10+s5], $0x80, v19, vm0, $0xb8;
	[tilespmem:$0x1E500] =	vst v63  }
0x94: {  	s31 =	simm.s32 $0x4000  }
0x95: {  	[tilespmem:s31], [sflag:$0x1] =	stream.indirect_vreg.gather [hbm4b:s10+s5], $0x80, v58, vm0, $0xb8;
	[tilespmem:$0x1E500] =	vst v63  }
0x96: {  	s21 =	simm.s32 $0x4080  }
0x97: {  	[tilespmem:s21], [sflag:$0x1] =	stream.indirect_vreg.gather [hbm4b:s10+s5], $0x80, v17, vm0, $0xb8;
	[tilespmem:$0x1E500] =	vst v63  }
0x98: {  	v17 =	vld [tilespmem:$0x30];
	_ =	sdelay $0x4  }
0x99: {  	v18 =	vshll.u32 v17, $0x1  }
0x9a: {  	v17 =	vand.u32 $0x7, v17;
	v18 =	vand.u32 $0xFFFFFFF0, v18  }
0x9b: {  	v17 =	vor.u32 v17, v18  }
0x9c: {  	v18 =	vperm.xlane v17, v2;
	_ =	sdelay $0x1  }
0x9d: {  	v19 =	vperm.xlane v17, v1;
	v18 =	vadd.s32 v3, v18;
	_ =	sdelay $0x1  }
0x9e: {  	v59 =	vperm.xlane v17, v4;
	v19 =	vadd.s32 v3, v19;
	_ =	sdelay $0x1  }
0x9f: {  	s22 =	simm.s32 $0x4100;
	v60 =	vperm.xlane v17, v5;
	v20 =	vadd.s32 v3, v59  }
0xa0: {  	[tilespmem:s22], [sflag:$0x1] =	stream.indirect_vreg.gather [hbm4b:s10+s5], $0x80, v18, vm0, $0xb8;
	[tilespmem:$0x1E500] =	vst v63  }
0xa1: {  	s25 =	simm.s32 $0x4180;
	v61 =	vperm.xlane v17, v6;
	v18 =	vadd.s32 v3, v60  }
0xa2: {  	[tilespmem:s25], [sflag:$0x1] =	stream.indirect_vreg.gather [hbm4b:s10+s5], $0x80, v19, vm0, $0xb8;
	[tilespmem:$0x1E500] =	vst v63  }
0xa3: {  	s31 =	simm.s32 $0x4200;
	v62 =	vperm.xlane v17, v7;
	v19 =	vadd.s32 v3, v61  }
0xa4: {  	[tilespmem:s31], [sflag:$0x1] =	stream.indirect_vreg.gather [hbm4b:s10+s5], $0x80, v20, vm0, $0xb8;
	[tilespmem:$0x1E500] =	vst v63  }
0xa5: {  	s21 =	simm.s32 $0x4280;
	v24 =	vperm.xlane v17, v8;
	v63 =	vadd.s32 v3, v62  }
0xa6: {  	[tilespmem:s21], [sflag:$0x1] =	stream.indirect_vreg.gather [hbm4b:s10+s5], $0x80, v18, vm0, $0xb8;
	[tilespmem:$0x1E500] =	vst v63  }
0xa7: {  	v25 =	vperm.xlane v17, v0;
	s22 =	simm.s32 $0x4300;
	v18 =	vadd.s32 v3, v24  }
0xa8: {  	[tilespmem:s22], [sflag:$0x1] =	stream.indirect_vreg.gather [hbm4b:s10+s5], $0x80, v19, vm0, $0xb8;
	[tilespmem:$0x1E500] =	vst v63  }
0xa9: {  	v26 =	vperm.xlane v17, v9;
	s25 =	simm.s32 $0x4380;
	v19 =	vadd.s32 v3, v25  }
0xaa: {  	[tilespmem:s25], [sflag:$0x1] =	stream.indirect_vreg.gather [hbm4b:s10+s5], $0x80, v63, vm0, $0xb8;
	[tilespmem:$0x1E500] =	vst v63  }
0xab: {  	v28 =	vperm.xlane v17, v10;
	v27 =	vadd.s32 v3, v26;
	s31 =	simm.s32 $0x4400  }
0xac: {  	[tilespmem:s31], [sflag:$0x1] =	stream.indirect_vreg.gather [hbm4b:s10+s5], $0x80, v18, vm0, $0xb8;
	[tilespmem:$0x1E500] =	vst v63  }
0xad: {  	v29 =	vperm.xlane v17, v11;
	s21 =	simm.s32 $0x4480;
	v18 =	vadd.s32 v3, v28  }
0xae: {  	[tilespmem:s21], [sflag:$0x1] =	stream.indirect_vreg.gather [hbm4b:s10+s5], $0x80, v19, vm0, $0xb8;
	[tilespmem:$0x1E500] =	vst v63  }
0xaf: {  	v30 =	vperm.xlane v17, v12;
	s22 =	simm.s32 $0x4500;
	v19 =	vadd.s32 v3, v29  }
0xb0: {  	[tilespmem:s22], [sflag:$0x1] =	stream.indirect_vreg.gather [hbm4b:s10+s5], $0x80, v27, vm0, $0xb8;
	[tilespmem:$0x1E500] =	vst v63  }
0xb1: {  	v32 =	vperm.xlane v17, v13;
	v31 =	vadd.s32 v3, v30;
	s25 =	simm.s32 $0x4580  }
0xb2: {  	[tilespmem:s25], [sflag:$0x1] =	stream.indirect_vreg.gather [hbm4b:s10+s5], $0x80, v18, vm0, $0xb8;
	[tilespmem:$0x1E500] =	vst v63  }
0xb3: {  	v33 =	vperm.xlane v17, v14;
	s31 =	simm.s32 $0x4600;
	v18 =	vadd.s32 v3, v32  }
0xb4: {  	[tilespmem:s31], [sflag:$0x1] =	stream.indirect_vreg.gather [hbm4b:s10+s5], $0x80, v19, vm0, $0xb8;
	[tilespmem:$0x1E500] =	vst v63  }
0xb5: {  	v34 =	vperm.xlane v17, v15;
	s21 =	simm.s32 $0x4680;
	v19 =	vadd.s32 v3, v33  }
0xb6: {  	[tilespmem:s21], [sflag:$0x1] =	stream.indirect_vreg.gather [hbm4b:s10+s5], $0x80, v31, vm0, $0xb8;
	[tilespmem:$0x1E500] =	vst v63  }
0xb7: {  	v17 =	vperm.xlane v17, v16;
	v35 =	vadd.s32 v3, v34;
	s22 =	simm.s32 $0x4700  }
0xb8: {  	[tilespmem:s22], [sflag:$0x1] =	stream.indirect_vreg.gather [hbm4b:s10+s5], $0x80, v18, vm0, $0xb8;
	[tilespmem:$0x1E500] =	vst v63  }
0xb9: {  	v17 =	vadd.s32 v3, v17;
	s25 =	simm.s32 $0x4780  }
0xba: {  	[tilespmem:s25], [sflag:$0x1] =	stream.indirect_vreg.gather [hbm4b:s10+s5], $0x80, v19, vm0, $0xb8;
	[tilespmem:$0x1E500] =	vst v63  }
0xbb: {  	s31 =	simm.s32 $0x4800  }
0xbc: {  	[tilespmem:s31], [sflag:$0x1] =	stream.indirect_vreg.gather [hbm4b:s10+s5], $0x80, v35, vm0, $0xb8;
	[tilespmem:$0x1E500] =	vst v63  }
0xbd: {  	s21 =	simm.s32 $0x4880  }
0xbe: {  	[tilespmem:s21], [sflag:$0x1] =	stream.indirect_vreg.gather [hbm4b:s10+s5], $0x80, v17, vm0, $0xb8;
	[tilespmem:$0x1E500] =	vst v63  }
0xbf: {  	s22 =	rddreg [dreg:$0x8]  }
0xc0: {  	[tilespmem:s18], [sflag:$0x1] =	stream.strided.gather [hbm4b:s22+s16], $0x2000, s17, s16, $0x38;
	[tilespmem:$0x1E500] =	vst v63  }
0xc1: {  	s25 =	rddreg [dreg:$0x9]  }
0xc2: {  	[tilespmem:s19], [sflag:$0x1] =	stream.linear.gather [hbm4b:s25+s5], $0x80, $0x38;
	[tilespmem:$0x1E500] =	vst v63  }
0xc3: {  	v17 =	vld [tilespmem:$0x40];
	_ =	sdelay $0x4  }
0xc4: {  	v18 =	vshll.u32 v17, $0x1  }
0xc5: {  	v17 =	vand.u32 $0x7, v17;
	v18 =	vand.u32 $0xFFFFFFF0, v18  }
0xc6: {  	v17 =	vor.u32 v17, v18  }
0xc7: {  	v18 =	vperm.xlane v17, v2;
	_ =	sdelay $0x1  }
0xc8: {  	v19 =	vperm.xlane v17, v1;
	v18 =	vadd.s32 v3, v18;
	_ =	sdelay $0x1  }
0xc9: {  	v36 =	vperm.xlane v17, v4;
	v19 =	vadd.s32 v3, v19;
	_ =	sdelay $0x1  }
0xca: {  	s31 =	simm.s32 $0x4900;
	v37 =	vperm.xlane v17, v5;
	v20 =	vadd.s32 v3, v36  }
0xcb: {  	[tilespmem:s31], [sflag:$0x2] =	stream.indirect_vreg.gather [hbm4b:s10+s5], $0x80, v18, vm0, $0xb8;
	[tilespmem:$0x1E500] =	vst v63  }
0xcc: {  	s21 =	simm.s32 $0x4980;
	v38 =	vperm.xlane v17, v6;
	v18 =	vadd.s32 v3, v37  }
0xcd: {  	[tilespmem:s21], [sflag:$0x2] =	stream.indirect_vreg.gather [hbm4b:s10+s5], $0x80, v19, vm0, $0xb8;
	[tilespmem:$0x1E500] =	vst v63  }
0xce: {  	s22 =	simm.s32 $0x4A00;
	v39 =	vperm.xlane v17, v7;
	v19 =	vadd.s32 v3, v38  }
0xcf: {  	[tilespmem:s22], [sflag:$0x2] =	stream.indirect_vreg.gather [hbm4b:s10+s5], $0x80, v20, vm0, $0xb8;
	[tilespmem:$0x1E500] =	vst v63  }
0xd0: {  	s25 =	simm.s32 $0x4A80;
	v41 =	vperm.xlane v17, v8;
	v40 =	vadd.s32 v3, v39  }
0xd1: {  	[tilespmem:s25], [sflag:$0x2] =	stream.indirect_vreg.gather [hbm4b:s10+s5], $0x80, v18, vm0, $0xb8;
	[tilespmem:$0x1E500] =	vst v63  }
0xd2: {  	v42 =	vperm.xlane v17, v0;
	s31 =	simm.s32 $0x4B00;
	v18 =	vadd.s32 v3, v41  }
0xd3: {  	[tilespmem:s31], [sflag:$0x2] =	stream.indirect_vreg.gather [hbm4b:s10+s5], $0x80, v19, vm0, $0xb8;
	[tilespmem:$0x1E500] =	vst v63  }
0xd4: {  	v43 =	vperm.xlane v17, v9;
	s21 =	simm.s32 $0x4B80;
	v19 =	vadd.s32 v3, v42  }
0xd5: {  	[tilespmem:s21], [sflag:$0x2] =	stream.indirect_vreg.gather [hbm4b:s10+s5], $0x80, v40, vm0, $0xb8;
	[tilespmem:$0x1E500] =	vst v63  }
0xd6: {  	v45 =	vperm.xlane v17, v10;
	v44 =	vadd.s32 v3, v43;
	s22 =	simm.s32 $0x4C00  }
0xd7: {  	[tilespmem:s22], [sflag:$0x2] =	stream.indirect_vreg.gather [hbm4b:s10+s5], $0x80, v18, vm0, $0xb8;
	[tilespmem:$0x1E500] =	vst v63  }
0xd8: {  	v46 =	vperm.xlane v17, v11;
	s25 =	simm.s32 $0x4C80;
	v18 =	vadd.s32 v3, v45  }
0xd9: {  	[tilespmem:s25], [sflag:$0x2] =	stream.indirect_vreg.gather [hbm4b:s10+s5], $0x80, v19, vm0, $0xb8;
	[tilespmem:$0x1E500] =	vst v63  }
0xda: {  	v47 =	vperm.xlane v17, v12;
	s31 =	simm.s32 $0x4D00;
	v19 =	vadd.s32 v3, v46  }
0xdb: {  	[tilespmem:s31], [sflag:$0x2] =	stream.indirect_vreg.gather [hbm4b:s10+s5], $0x80, v44, vm0, $0xb8;
	[tilespmem:$0x1E500] =	vst v63  }
0xdc: {  	v49 =	vperm.xlane v17, v13;
	v48 =	vadd.s32 v3, v47;
	s21 =	simm.s32 $0x4D80  }
0xdd: {  	[tilespmem:s21], [sflag:$0x2] =	stream.indirect_vreg.gather [hbm4b:s10+s5], $0x80, v18, vm0, $0xb8;
	[tilespmem:$0x1E500] =	vst v63  }
0xde: {  	v50 =	vperm.xlane v17, v14;
	s22 =	simm.s32 $0x4E00;
	v18 =	vadd.s32 v3, v49  }
0xdf: {  	[tilespmem:s22], [sflag:$0x2] =	stream.indirect_vreg.gather [hbm4b:s10+s5], $0x80, v19, vm0, $0xb8;
	[tilespmem:$0x1E500] =	vst v63  }
0xe0: {  	v51 =	vperm.xlane v17, v15;
	s25 =	simm.s32 $0x4E80;
	v19 =	vadd.s32 v3, v50  }
0xe1: {  	[tilespmem:s25], [sflag:$0x2] =	stream.indirect_vreg.gather [hbm4b:s10+s5], $0x80, v48, vm0, $0xb8;
	[tilespmem:$0x1E500] =	vst v63  }
0xe2: {  	v17 =	vperm.xlane v17, v16;
	v52 =	vadd.s32 v3, v51;
	s31 =	simm.s32 $0x4F00  }
0xe3: {  	[tilespmem:s31], [sflag:$0x2] =	stream.indirect_vreg.gather [hbm4b:s10+s5], $0x80, v18, vm0, $0xb8;
	[tilespmem:$0x1E500] =	vst v63  }
0xe4: {  	v17 =	vadd.s32 v3, v17;
	s21 =	simm.s32 $0x4F80  }
0xe5: {  	[tilespmem:s21], [sflag:$0x2] =	stream.indirect_vreg.gather [hbm4b:s10+s5], $0x80, v19, vm0, $0xb8;
	[tilespmem:$0x1E500] =	vst v63  }
0xe6: {  	s22 =	simm.s32 $0x5000  }
0xe7: {  	[tilespmem:s22], [sflag:$0x2] =	stream.indirect_vreg.gather [hbm4b:s10+s5], $0x80, v52, vm0, $0xb8;
	[tilespmem:$0x1E500] =	vst v63  }
0xe8: {  	s25 =	simm.s32 $0x5080  }
0xe9: {  	[tilespmem:s25], [sflag:$0x2] =	stream.indirect_vreg.gather [hbm4b:s10+s5], $0x80, v17, vm0, $0xb8;
	[tilespmem:$0x1E500] =	vst v63  }
0xea: {  	v17 =	vld [tilespmem:$0x50];
	_ =	sdelay $0x4  }
0xeb: {  	v18 =	vshll.u32 v17, $0x1  }
0xec: {  	v17 =	vand.u32 $0x7, v17;
	v18 =	vand.u32 $0xFFFFFFF0, v18  }
0xed: {  	v17 =	vor.u32 v17, v18  }
0xee: {  	v18 =	vperm.xlane v17, v2;
	_ =	sdelay $0x1  }
0xef: {  	v19 =	vperm.xlane v17, v1;
	v18 =	vadd.s32 v3, v18;
	_ =	sdelay $0x1  }
0xf0: {  	v53 =	vperm.xlane v17, v4;
	v19 =	vadd.s32 v3, v19;
	_ =	sdelay $0x1  }
0xf1: {  	s31 =	simm.s32 $0x5100;
	v54 =	vperm.xlane v17, v5;
	v20 =	vadd.s32 v3, v53  }
0xf2: {  	[tilespmem:s31], [sflag:$0x2] =	stream.indirect_vreg.gather [hbm4b:s10+s5], $0x80, v18, vm0, $0xb8;
	[tilespmem:$0x1E500] =	vst v63  }
0xf3: {  	s21 =	simm.s32 $0x5180;
	v55 =	vperm.xlane v17, v6;
	v18 =	vadd.s32 v3, v54  }
0xf4: {  	[tilespmem:s21], [sflag:$0x2] =	stream.indirect_vreg.gather [hbm4b:s10+s5], $0x80, v19, vm0, $0xb8;
	[tilespmem:$0x1E500] =	vst v63  }
0xf5: {  	s22 =	simm.s32 $0x5200;
	v56 =	vperm.xlane v17, v7;
	v19 =	vadd.s32 v3, v55  }
0xf6: {  	[tilespmem:s22], [sflag:$0x2] =	stream.indirect_vreg.gather [hbm4b:s10+s5], $0x80, v20, vm0, $0xb8;
	[tilespmem:$0x1E500] =	vst v63  }
0xf7: {  	s25 =	simm.s32 $0x5280;
	v58 =	vperm.xlane v17, v8;
	v57 =	vadd.s32 v3, v56  }
0xf8: {  	[tilespmem:s25], [sflag:$0x2] =	stream.indirect_vreg.gather [hbm4b:s10+s5], $0x80, v18, vm0, $0xb8;
	[tilespmem:$0x1E500] =	vst v63  }
0xf9: {  	v59 =	vperm.xlane v17, v0;
	s31 =	simm.s32 $0x5300;
	v18 =	vadd.s32 v3, v58  }
0xfa: {  	[tilespmem:s31], [sflag:$0x2] =	stream.indirect_vreg.gather [hbm4b:s10+s5], $0x80, v19, vm0, $0xb8;
	[tilespmem:$0x1E500] =	vst v63  }
0xfb: {  	v60 =	vperm.xlane v17, v9;
	s21 =	simm.s32 $0x5380;
	v19 =	vadd.s32 v3, v59  }
0xfc: {  	[tilespmem:s21], [sflag:$0x2] =	stream.indirect_vreg.gather [hbm4b:s10+s5], $0x80, v57, vm0, $0xb8;
	[tilespmem:$0x1E500] =	vst v63  }
0xfd: {  	v62 =	vperm.xlane v17, v10;
	v61 =	vadd.s32 v3, v60;
	s22 =	simm.s32 $0x5400  }
0xfe: {  	[tilespmem:s22], [sflag:$0x2] =	stream.indirect_vreg.gather [hbm4b:s10+s5], $0x80, v18, vm0, $0xb8;
	[tilespmem:$0x1E500] =	vst v63  }
0xff: {  	v63 =	vperm.xlane v17, v11;
	s25 =	simm.s32 $0x5480;
	v18 =	vadd.s32 v3, v62  }
0x100: {  	[tilespmem:s25], [sflag:$0x2] =	stream.indirect_vreg.gather [hbm4b:s10+s5], $0x80, v19, vm0, $0xb8;
	[tilespmem:$0x1E500] =	vst v63  }
0x101: {  	v24 =	vperm.xlane v17, v12;
	s31 =	simm.s32 $0x5500;
	v19 =	vadd.s32 v3, v63  }
0x102: {  	[tilespmem:s31], [sflag:$0x2] =	stream.indirect_vreg.gather [hbm4b:s10+s5], $0x80, v61, vm0, $0xb8;
	[tilespmem:$0x1E500] =	vst v63  }
0x103: {  	v26 =	vperm.xlane v17, v13;
	v25 =	vadd.s32 v3, v24;
	s21 =	simm.s32 $0x5580  }
0x104: {  	[tilespmem:s21], [sflag:$0x2] =	stream.indirect_vreg.gather [hbm4b:s10+s5], $0x80, v18, vm0, $0xb8;
	[tilespmem:$0x1E500] =	vst v63  }
0x105: {  	v27 =	vperm.xlane v17, v14;
	s22 =	simm.s32 $0x5600;
	v18 =	vadd.s32 v3, v26  }
0x106: {  	[tilespmem:s22], [sflag:$0x2] =	stream.indirect_vreg.gather [hbm4b:s10+s5], $0x80, v19, vm0, $0xb8;
	[tilespmem:$0x1E500] =	vst v63  }
0x107: {  	v28 =	vperm.xlane v17, v15;
	s25 =	simm.s32 $0x5680;
	v19 =	vadd.s32 v3, v27  }
0x108: {  	[tilespmem:s25], [sflag:$0x2] =	stream.indirect_vreg.gather [hbm4b:s10+s5], $0x80, v25, vm0, $0xb8;
	[tilespmem:$0x1E500] =	vst v63  }
0x109: {  	v17 =	vperm.xlane v17, v16;
	v29 =	vadd.s32 v3, v28;
	s31 =	simm.s32 $0x5700  }
0x10a: {  	[tilespmem:s31], [sflag:$0x2] =	stream.indirect_vreg.gather [hbm4b:s10+s5], $0x80, v18, vm0, $0xb8;
	[tilespmem:$0x1E500] =	vst v63  }
0x10b: {  	v17 =	vadd.s32 v3, v17;
	s21 =	simm.s32 $0x5780  }
0x10c: {  	[tilespmem:s21], [sflag:$0x2] =	stream.indirect_vreg.gather [hbm4b:s10+s5], $0x80, v19, vm0, $0xb8;
	[tilespmem:$0x1E500] =	vst v63  }
0x10d: {  	s22 =	simm.s32 $0x5800  }
0x10e: {  	[tilespmem:s22], [sflag:$0x2] =	stream.indirect_vreg.gather [hbm4b:s10+s5], $0x80, v29, vm0, $0xb8;
	[tilespmem:$0x1E500] =	vst v63  }
0x10f: {  	s25 =	simm.s32 $0x5880  }
0x110: {  	[tilespmem:s25], [sflag:$0x2] =	stream.indirect_vreg.gather [hbm4b:s10+s5], $0x80, v17, vm0, $0xb8;
	[tilespmem:$0x1E500] =	vst v63  }
0x111: {  	v17 =	vld [tilespmem:$0x60];
	_ =	sdelay $0x4  }
0x112: {  	v18 =	vshll.u32 v17, $0x1  }
0x113: {  	v17 =	vand.u32 $0x7, v17;
	v18 =	vand.u32 $0xFFFFFFF0, v18  }
0x114: {  	v17 =	vor.u32 v17, v18  }
0x115: {  	v18 =	vperm.xlane v17, v2;
	_ =	sdelay $0x1  }
0x116: {  	v19 =	vperm.xlane v17, v1;
	v18 =	vadd.s32 v3, v18;
	_ =	sdelay $0x1  }
0x117: {  	v30 =	vperm.xlane v17, v4;
	v19 =	vadd.s32 v3, v19;
	_ =	sdelay $0x1  }
0x118: {  	s31 =	simm.s32 $0x5900;
	v31 =	vperm.xlane v17, v5;
	v20 =	vadd.s32 v3, v30  }
0x119: {  	[tilespmem:s31], [sflag:$0x2] =	stream.indirect_vreg.gather [hbm4b:s10+s5], $0x80, v18, vm0, $0xb8;
	[tilespmem:$0x1E500] =	vst v63  }
0x11a: {  	s21 =	simm.s32 $0x5980;
	v32 =	vperm.xlane v17, v6;
	v18 =	vadd.s32 v3, v31  }
0x11b: {  	[tilespmem:s21], [sflag:$0x2] =	stream.indirect_vreg.gather [hbm4b:s10+s5], $0x80, v19, vm0, $0xb8;
	[tilespmem:$0x1E500] =	vst v63  }
0x11c: {  	s22 =	simm.s32 $0x5A00;
	v33 =	vperm.xlane v17, v7;
	v19 =	vadd.s32 v3, v32  }
0x11d: {  	[tilespmem:s22], [sflag:$0x2] =	stream.indirect_vreg.gather [hbm4b:s10+s5], $0x80, v20, vm0, $0xb8;
	[tilespmem:$0x1E500] =	vst v63  }
0x11e: {  	s25 =	simm.s32 $0x5A80;
	v35 =	vperm.xlane v17, v8;
	v34 =	vadd.s32 v3, v33  }
0x11f: {  	[tilespmem:s25], [sflag:$0x2] =	stream.indirect_vreg.gather [hbm4b:s10+s5], $0x80, v18, vm0, $0xb8;
	[tilespmem:$0x1E500] =	vst v63  }
0x120: {  	v36 =	vperm.xlane v17, v0;
	s31 =	simm.s32 $0x5B00;
	v18 =	vadd.s32 v3, v35  }
0x121: {  	[tilespmem:s31], [sflag:$0x2] =	stream.indirect_vreg.gather [hbm4b:s10+s5], $0x80, v19, vm0, $0xb8;
	[tilespmem:$0x1E500] =	vst v63  }
0x122: {  	v37 =	vperm.xlane v17, v9;
	s21 =	simm.s32 $0x5B80;
	v19 =	vadd.s32 v3, v36  }
0x123: {  	[tilespmem:s21], [sflag:$0x2] =	stream.indirect_vreg.gather [hbm4b:s10+s5], $0x80, v34, vm0, $0xb8;
	[tilespmem:$0x1E500] =	vst v63  }
0x124: {  	v39 =	vperm.xlane v17, v10;
	v38 =	vadd.s32 v3, v37;
	s22 =	simm.s32 $0x5C00  }
0x125: {  	[tilespmem:s22], [sflag:$0x2] =	stream.indirect_vreg.gather [hbm4b:s10+s5], $0x80, v18, vm0, $0xb8;
	[tilespmem:$0x1E500] =	vst v63  }
0x126: {  	v40 =	vperm.xlane v17, v11;
	s25 =	simm.s32 $0x5C80;
	v18 =	vadd.s32 v3, v39  }
0x127: {  	[tilespmem:s25], [sflag:$0x2] =	stream.indirect_vreg.gather [hbm4b:s10+s5], $0x80, v19, vm0, $0xb8;
	[tilespmem:$0x1E500] =	vst v63  }
0x128: {  	v41 =	vperm.xlane v17, v12;
	s31 =	simm.s32 $0x5D00;
	v19 =	vadd.s32 v3, v40  }
0x129: {  	[tilespmem:s31], [sflag:$0x2] =	stream.indirect_vreg.gather [hbm4b:s10+s5], $0x80, v38, vm0, $0xb8;
	[tilespmem:$0x1E500] =	vst v63  }
0x12a: {  	v43 =	vperm.xlane v17, v13;
	v42 =	vadd.s32 v3, v41;
	s21 =	simm.s32 $0x5D80  }
0x12b: {  	[tilespmem:s21], [sflag:$0x2] =	stream.indirect_vreg.gather [hbm4b:s10+s5], $0x80, v18, vm0, $0xb8;
	[tilespmem:$0x1E500] =	vst v63  }
0x12c: {  	v44 =	vperm.xlane v17, v14;
	s22 =	simm.s32 $0x5E00;
	v18 =	vadd.s32 v3, v43  }
0x12d: {  	[tilespmem:s22], [sflag:$0x2] =	stream.indirect_vreg.gather [hbm4b:s10+s5], $0x80, v19, vm0, $0xb8;
	[tilespmem:$0x1E500] =	vst v63  }
0x12e: {  	v45 =	vperm.xlane v17, v15;
	s25 =	simm.s32 $0x5E80;
	v19 =	vadd.s32 v3, v44  }
0x12f: {  	[tilespmem:s25], [sflag:$0x2] =	stream.indirect_vreg.gather [hbm4b:s10+s5], $0x80, v42, vm0, $0xb8;
	[tilespmem:$0x1E500] =	vst v63  }
0x130: {  	v17 =	vperm.xlane v17, v16;
	v46 =	vadd.s32 v3, v45;
	s31 =	simm.s32 $0x5F00  }
0x131: {  	[tilespmem:s31], [sflag:$0x2] =	stream.indirect_vreg.gather [hbm4b:s10+s5], $0x80, v18, vm0, $0xb8;
	[tilespmem:$0x1E500] =	vst v63  }
0x132: {  	v17 =	vadd.s32 v3, v17;
	s21 =	simm.s32 $0x5F80  }
0x133: {  	[tilespmem:s21], [sflag:$0x2] =	stream.indirect_vreg.gather [hbm4b:s10+s5], $0x80, v19, vm0, $0xb8;
	[tilespmem:$0x1E500] =	vst v63  }
0x134: {  	s22 =	simm.s32 $0x6000  }
0x135: {  	[tilespmem:s22], [sflag:$0x2] =	stream.indirect_vreg.gather [hbm4b:s10+s5], $0x80, v46, vm0, $0xb8;
	[tilespmem:$0x1E500] =	vst v63  }
0x136: {  	s25 =	simm.s32 $0x6080  }
0x137: {  	[tilespmem:s25], [sflag:$0x2] =	stream.indirect_vreg.gather [hbm4b:s10+s5], $0x80, v17, vm0, $0xb8;
	[tilespmem:$0x1E500] =	vst v63  }
0x138: {  	v17 =	vld [tilespmem:$0x70];
	_ =	sdelay $0x4  }
0x139: {  	v18 =	vshll.u32 v17, $0x1  }
0x13a: {  	v17 =	vand.u32 $0x7, v17;
	v18 =	vand.u32 $0xFFFFFFF0, v18  }
0x13b: {  	v17 =	vor.u32 v17, v18  }
0x13c: {  	v18 =	vperm.xlane v17, v2;
	_ =	sdelay $0x1  }
0x13d: {  	v19 =	vperm.xlane v17, v1;
	v18 =	vadd.s32 v3, v18;
	_ =	sdelay $0x1  }
0x13e: {  	v47 =	vperm.xlane v17, v4;
	v19 =	vadd.s32 v3, v19;
	_ =	sdelay $0x1  }
0x13f: {  	s31 =	simm.s32 $0x6100;
	v48 =	vperm.xlane v17, v5;
	v20 =	vadd.s32 v3, v47  }
0x140: {  	[tilespmem:s31], [sflag:$0x2] =	stream.indirect_vreg.gather [hbm4b:s10+s5], $0x80, v18, vm0, $0xb8;
	[tilespmem:$0x1E500] =	vst v63  }
0x141: {  	s21 =	simm.s32 $0x6180;
	v49 =	vperm.xlane v17, v6;
	v18 =	vadd.s32 v3, v48  }
0x142: {  	[tilespmem:s21], [sflag:$0x2] =	stream.indirect_vreg.gather [hbm4b:s10+s5], $0x80, v19, vm0, $0xb8;
	[tilespmem:$0x1E500] =	vst v63  }
0x143: {  	s22 =	simm.s32 $0x6200;
	v50 =	vperm.xlane v17, v7;
	v19 =	vadd.s32 v3, v49  }
0x144: {  	[tilespmem:s22], [sflag:$0x2] =	stream.indirect_vreg.gather [hbm4b:s10+s5], $0x80, v20, vm0, $0xb8;
	[tilespmem:$0x1E500] =	vst v63  }
0x145: {  	s25 =	simm.s32 $0x6280;
	v52 =	vperm.xlane v17, v8;
	v51 =	vadd.s32 v3, v50  }
0x146: {  	[tilespmem:s25], [sflag:$0x2] =	stream.indirect_vreg.gather [hbm4b:s10+s5], $0x80, v18, vm0, $0xb8;
	[tilespmem:$0x1E500] =	vst v63  }
0x147: {  	v53 =	vperm.xlane v17, v0;
	s31 =	simm.s32 $0x6300;
	v18 =	vadd.s32 v3, v52  }
0x148: {  	[tilespmem:s31], [sflag:$0x2] =	stream.indirect_vreg.gather [hbm4b:s10+s5], $0x80, v19, vm0, $0xb8;
	[tilespmem:$0x1E500] =	vst v63  }
0x149: {  	v54 =	vperm.xlane v17, v9;
	s21 =	simm.s32 $0x6380;
	v19 =	vadd.s32 v3, v53  }
0x14a: {  	[tilespmem:s21], [sflag:$0x2] =	stream.indirect_vreg.gather [hbm4b:s10+s5], $0x80, v51, vm0, $0xb8;
	[tilespmem:$0x1E500] =	vst v63  }
0x14b: {  	v56 =	vperm.xlane v17, v10;
	v55 =	vadd.s32 v3, v54;
	s22 =	simm.s32 $0x6400  }
0x14c: {  	[tilespmem:s22], [sflag:$0x2] =	stream.indirect_vreg.gather [hbm4b:s10+s5], $0x80, v18, vm0, $0xb8;
	[tilespmem:$0x1E500] =	vst v63  }
0x14d: {  	v57 =	vperm.xlane v17, v11;
	s25 =	simm.s32 $0x6480;
	v18 =	vadd.s32 v3, v56  }
0x14e: {  	[tilespmem:s25], [sflag:$0x2] =	stream.indirect_vreg.gather [hbm4b:s10+s5], $0x80, v19, vm0, $0xb8;
	[tilespmem:$0x1E500] =	vst v63  }
0x14f: {  	v58 =	vperm.xlane v17, v12;
	v19 =	vadd.s32 v3, v57  }
0x150: {  	[tilespmem:s2], [sflag:$0x2] =	stream.indirect_vreg.gather [hbm4b:s10+s5], $0x80, v55, vm0, $0xb8;
	[tilespmem:$0x1E500] =	vst v63  }
0x151: {  	v60 =	vperm.xlane v17, v13;
	v59 =	vadd.s32 v3, v58  }
0x152: {  	[tilespmem:s26], [sflag:$0x2] =	stream.indirect_vreg.gather [hbm4b:s10+s5], $0x80, v18, vm0, $0xb8;
	[tilespmem:$0x1E500] =	vst v63  }
0x153: {  	v61 =	vperm.xlane v17, v14;
	v18 =	vadd.s32 v3, v60  }
0x154: {  	[tilespmem:s6], [sflag:$0x2] =	stream.indirect_vreg.gather [hbm4b:s10+s5], $0x80, v19, vm0, $0xb8;
	[tilespmem:$0x1E500] =	vst v63  }
0x155: {  	v62 =	vperm.xlane v17, v15;
	v19 =	vadd.s32 v3, v61  }
0x156: {  	[tilespmem:s23], [sflag:$0x2] =	stream.indirect_vreg.gather [hbm4b:s10+s5], $0x80, v59, vm0, $0xb8;
	[tilespmem:$0x1E500] =	vst v63  }
0x157: {  	v17 =	vperm.xlane v17, v16;
	v63 =	vadd.s32 v3, v62  }
0x158: {  	[tilespmem:s7], [sflag:$0x2] =	stream.indirect_vreg.gather [hbm4b:s10+s5], $0x80, v18, vm0, $0xb8;
	[tilespmem:$0x1E500] =	vst v63  }
0x159: {  	v17 =	vadd.s32 v3, v17  }
0x15a: {  	[tilespmem:s28], [sflag:$0x2] =	stream.indirect_vreg.gather [hbm4b:s10+s5], $0x80, v19, vm0, $0xb8;
	[tilespmem:$0x1E500] =	vst v63  }
0x15b: {  	s31 =	rddreg [dreg:$0xa]  }
0x15c: {  	[tilespmem:s11], [sflag:$0x2] =	stream.indirect_vreg.gather [hbm4b:s10+s5], $0x80, v63, vm0, $0xb8;
	[tilespmem:$0x1E500] =	vst v63  }
0x15d: {  	s22 =	stileid.u32;
	s25 =	rddreg [dreg:$0xc]  }
0x15e: {  	[tilespmem:s12], [sflag:$0x2] =	stream.indirect_vreg.gather [hbm4b:s10+s5], $0x80, v17, vm0, $0xb8;
	[tilespmem:$0x1E500] =	vst v63  }
0x15f: {  	s21 =	rddreg [dreg:$0xb];
	s0 =	sshll.u32 s22, $0x6;
	s22 =	sshrl.u32 s25, $0x3  }
0x160: {  	[tilespmem:s13], [sflag:$0x2] =	stream.strided.gather [hbm4b:s31+s16], $0x2000, s17, s16, $0x38;
	[tilespmem:$0x1E500] =	vst v63  }
0x161: {  	[dreg:$0x13] =	wrdreg s22  }
0x162: {  	[tilespmem:s29], [sflag:$0x2] =	stream.linear.gather [hbm4b:s21+s5], $0x80, $0x38;
	[tilespmem:$0x1E500] =	vst v63  }
0x163: {  	s31 =	rddreg [dreg:$0x6];
	s21 =	sor.u32 $0x1C03, s0  }
0x164: {  	[dreg:$0x12] =	wrdreg s21  }
0x165: {  	[spmem:s22], [sflag:s21] =	dma.local [hbm:s31], $0x2780  }
0x166: {  	_ =	swait.ge [sflag:s20], $0x2780  }
0x167: {  	[sflag:s20] =	ssyncset.done $0x0  }
0x168: {  	[sflag:s20] =	ssyncadd.s32 $0xFFFFD880  }
0x169: {  	s30 =	simm.s32 $0x0;
	[bflag:$0x0] =	sbarrier.arrive $0xFFFF  }
.LBB2_2:
0x16a: {  	_ =	swait.ge [sflag:s14], $0x2000  }
0x16b: {  	[sflag:s14] =	ssyncset.done $0x0  }
0x16c: {  	[sflag:s14] =	ssyncadd.s32 $0xFFFFE000  }
0x16d: {  	_ =	swait.ge [sflag:s14], $0x2000  }
0x16e: {  	[sflag:s14] =	ssyncset.done $0x0  }
0x16f: {  	[sflag:s14] =	ssyncadd.s32 $0xFFFFE000  }
0x170: {  	_ =	swait.ge [sflag:s14], $0x80  }
0x171: {  	[sflag:s14] =	ssyncset.done $0x0  }
0x172: {  	s0 =	simm.s32 $0x0;
	[sflag:s14] =	ssyncadd.s32 $0xFFFFFF80  }
0x173: {  	v23 =	vld [tilespmem:s0+$0x2900]  }
0x174: {  	v28 =	vld [tilespmem:s0+$0x2910]  }
0x175: {  	v22 =	vld [tilespmem:s0+$0x2920]  }
0x176: {  	v21 =	vld [tilespmem:s0+$0x2930]  }
0x177: {  	v20 =	vld [tilespmem:s0+$0x2940]  }
0x178: {  	v19 =	vld [tilespmem:s0+$0x2950]  }
0x179: {  	v18 =	vld [tilespmem:s0+$0x2960]  }
0x17a: {  	v17 =	vld [tilespmem:s0+$0x2970]  }
0x17b: {  	v29 =	vld [tilespmem:s0+$0x6900]  }
0x17c: {  	v30 =	vld [tilespmem:s0+$0x6910]  }
0x17d: {  	v27 =	vld [tilespmem:s0+$0x6920]  }
0x17e: {  	v26 =	vld [tilespmem:s0+$0x6930]  }
0x17f: {  	v25 =	vld [tilespmem:s0+$0x6940]  }
0x180: {  	v24 =	vld [tilespmem:s0+$0x6950];
	v29 =	vadd.f32 v23, v29  }
0x181: {  	s22 =	simm.s32 $0x200;
	v28 =	vadd.f32 v28, v30;
	v23 =	vld [tilespmem:s0+$0x6960]  }
.LBB2_3:
0x182: {  	s25 =	sshra.s32 s22, $0x2;
	p0 =	sne.s32 s22, $0x7E00;
	v29 =	vmax.f32 v29, $0.0e+00;
	v22 =	vadd.f32 v22, v27;
	v27 =	vld [tilespmem:s0+$0x6970]  }
0x183: {  	v30 =	vld [tilespmem:s25+$0x2900];
	[tilespmem:s0+$0x6900] =	vst v29;
	v28 =	vmax.f32 v28, $0.0e+00;
	v21 =	vadd.f32 v21, v26  }
0x184: {  	v31 =	vld [tilespmem:s25+$0x2910];
	[tilespmem:s0+$0x6910] =	vst v28;
	v26 =	vmax.f32 v22, $0.0e+00;
	v20 =	vadd.f32 v20, v25  }
0x185: {  	v22 =	vld [tilespmem:s25+$0x2920];
	[tilespmem:s0+$0x6920] =	vst v26;
	v25 =	vmax.f32 v21, $0.0e+00;
	v19 =	vadd.f32 v19, v24  }
0x186: {  	v21 =	vld [tilespmem:s25+$0x2930];
	[tilespmem:s0+$0x6930] =	vst v25;
	v24 =	vmax.f32 v20, $0.0e+00;
	v18 =	vadd.f32 v18, v23  }
0x187: {  	v20 =	vld [tilespmem:s25+$0x2940];
	[tilespmem:s0+$0x6940] =	vst v24;
	v23 =	vmax.f32 v19, $0.0e+00;
	v17 =	vadd.f32 v17, v27  }
0x188: {  	v19 =	vld [tilespmem:s25+$0x2950];
	[tilespmem:s0+$0x6950] =	vst v23;
	v23 =	vmax.f32 v18, $0.0e+00  }
0x189: {  	v18 =	vld [tilespmem:s25+$0x2960];
	[tilespmem:s0+$0x6960] =	vst v23;
	v23 =	vmax.f32 v17, $0.0e+00  }
0x18a: {  	v17 =	vld [tilespmem:s25+$0x2970];
	[tilespmem:s0+$0x6970] =	vst v23;
	s0 =	smov.u32 s25  }
0x18b: {  	v23 =	vld [tilespmem:s0+$0x6900]  }
0x18c: {  	v28 =	vld [tilespmem:s0+$0x6910]  }
.Ltmp0:
0x18d: {  	v27 =	vld [tilespmem:s0+$0x6920];
	(pc) =	sbr.rel @p0 .LBB2_3-.Ltmp0, $4  }
0x18e: {  	v26 =	vld [tilespmem:s0+$0x6930]  }
0x18f: {  	v25 =	vld [tilespmem:s0+$0x6940]  }
0x190: {  	v29 =	vadd.f32 v30, v23;
	v24 =	vld [tilespmem:s0+$0x6950]  }
0x191: {  	s22 =	sadd.s32 $0x200, s22;
	v28 =	vadd.f32 v31, v28;
	v23 =	vld [tilespmem:s0+$0x6960]  }
0x192: {  	v29 =	vmax.f32 v29, $0.0e+00;
	v22 =	vadd.f32 v22, v27;
	v27 =	vld [tilespmem:s0+$0x6970]  }
0x193: {  	[tilespmem:s0+$0x6900] =	vst v29;
	v28 =	vmax.f32 v28, $0.0e+00;
	v21 =	vadd.f32 v21, v26  }
0x194: {  	[tilespmem:s0+$0x6910] =	vst v28;
	v22 =	vmax.f32 v22, $0.0e+00;
	v20 =	vadd.f32 v20, v25  }
0x195: {  	[tilespmem:s0+$0x6920] =	vst v22;
	v21 =	vmax.f32 v21, $0.0e+00;
	v19 =	vadd.f32 v19, v24  }
0x196: {  	[tilespmem:s0+$0x6930] =	vst v21;
	v20 =	vmax.f32 v20, $0.0e+00;
	v18 =	vadd.f32 v18, v23  }
0x197: {  	[tilespmem:s0+$0x6940] =	vst v20;
	v19 =	vmax.f32 v19, $0.0e+00;
	v17 =	vadd.f32 v17, v27  }
0x198: {  	[tilespmem:s0+$0x6950] =	vst v19;
	v18 =	vmax.f32 v18, $0.0e+00  }
0x199: {  	[tilespmem:s0+$0x6960] =	vst v18;
	v17 =	vmax.f32 v17, $0.0e+00  }
0x19a: {  	s22 =	sshll.u32 s30, $0x1;
	[tilespmem:s0+$0x6970] =	vst v17  }
0x19b: {  	[spmem:s4] =	stream.indirect.scatter.add.f32 [tilespmem:s18], [sflag:$0x3], $0x80, s19, s24, $0xb8;
	[tilespmem:$0x1E500] =	vst v63  }
0x19c: {  	s25 =	sadd.s32 $0x2, s22;
	_ =	swait.ge [sflag:s20], $0x2000  }
0x19d: {  	s21 =	sshll.u32 s25, $0x6;
	[sflag:s20] =	ssyncset.done $0x0  }
0x19e: {  	s31 =	sand.u32 $0x3FFFFF80, s21;
	[sflag:s20] =	ssyncadd.s32 $0xFFFFE000  }
0x19f: {  	v17 =	vld [tilespmem:s31+$0x0];
	_ =	sdelay $0x4  }
0x1a0: {  	v18 =	vshll.u32 v17, $0x1  }
0x1a1: {  	v17 =	vand.u32 $0x7, v17;
	v18 =	vand.u32 $0xFFFFFFF0, v18  }
0x1a2: {  	v17 =	vor.u32 v17, v18  }
0x1a3: {  	v18 =	vperm.xlane v17, v2;
	_ =	sdelay $0x1  }
0x1a4: {  	v19 =	vperm.xlane v17, v1;
	v18 =	vadd.s32 v3, v18;
	_ =	sdelay $0x1  }
0x1a5: {  	v20 =	vperm.xlane v17, v4;
	v19 =	vadd.s32 v3, v19;
	_ =	sdelay $0x1  }
0x1a6: {  	s21 =	simm.s32 $0x2900;
	s0 =	simm.s32 $0x0;
	v21 =	vperm.xlane v17, v5;
	v20 =	vadd.s32 v3, v20  }
0x1a7: {  	[tilespmem:s21], [sflag:$0x1] =	stream.indirect_vreg.gather [hbm4b:s10+s0], $0x80, v18, vm0, $0xb8;
	[tilespmem:$0x1E500] =	vst v63  }
0x1a8: {  	v18 =	vadd.s32 v3, v21;
	v21 =	vperm.xlane v17, v6;
	s21 =	simm.s32 $0x2980  }
0x1a9: {  	[tilespmem:s21], [sflag:$0x1] =	stream.indirect_vreg.gather [hbm4b:s10+s0], $0x80, v19, vm0, $0xb8;
	[tilespmem:$0x1E500] =	vst v63  }
0x1aa: {  	v19 =	vadd.s32 v3, v21;
	v21 =	vperm.xlane v17, v7;
	s21 =	simm.s32 $0x2A00  }
0x1ab: {  	[tilespmem:s21], [sflag:$0x1] =	stream.indirect_vreg.gather [hbm4b:s10+s0], $0x80, v20, vm0, $0xb8;
	[tilespmem:$0x1E500] =	vst v63  }
0x1ac: {  	v20 =	vadd.s32 v3, v21;
	v21 =	vperm.xlane v17, v8;
	s21 =	simm.s32 $0x2A80  }
0x1ad: {  	[tilespmem:s21], [sflag:$0x1] =	stream.indirect_vreg.gather [hbm4b:s10+s0], $0x80, v18, vm0, $0xb8;
	[tilespmem:$0x1E500] =	vst v63  }
0x1ae: {  	v18 =	vadd.s32 v3, v21;
	v21 =	vperm.xlane v17, v0;
	s21 =	simm.s32 $0x2B00  }
0x1af: {  	[tilespmem:s21], [sflag:$0x1] =	stream.indirect_vreg.gather [hbm4b:s10+s0], $0x80, v19, vm0, $0xb8;
	[tilespmem:$0x1E500] =	vst v63  }
0x1b0: {  	v19 =	vadd.s32 v3, v21;
	v21 =	vperm.xlane v17, v9;
	s21 =	simm.s32 $0x2B80  }
0x1b1: {  	[tilespmem:s21], [sflag:$0x1] =	stream.indirect_vreg.gather [hbm4b:s10+s0], $0x80, v20, vm0, $0xb8;
	[tilespmem:$0x1E500] =	vst v63  }
0x1b2: {  	v20 =	vadd.s32 v3, v21;
	v21 =	vperm.xlane v17, v10;
	s21 =	simm.s32 $0x2C00  }
0x1b3: {  	[tilespmem:s21], [sflag:$0x1] =	stream.indirect_vreg.gather [hbm4b:s10+s0], $0x80, v18, vm0, $0xb8;
	[tilespmem:$0x1E500] =	vst v63  }
0x1b4: {  	v18 =	vadd.s32 v3, v21;
	v21 =	vperm.xlane v17, v11;
	s21 =	simm.s32 $0x2C80  }
0x1b5: {  	[tilespmem:s21], [sflag:$0x1] =	stream.indirect_vreg.gather [hbm4b:s10+s0], $0x80, v19, vm0, $0xb8;
	[tilespmem:$0x1E500] =	vst v63  }
0x1b6: {  	v19 =	vadd.s32 v3, v21;
	v21 =	vperm.xlane v17, v12;
	s21 =	simm.s32 $0x2D00  }
0x1b7: {  	[tilespmem:s21], [sflag:$0x1] =	stream.indirect_vreg.gather [hbm4b:s10+s0], $0x80, v20, vm0, $0xb8;
	[tilespmem:$0x1E500] =	vst v63  }
0x1b8: {  	v20 =	vadd.s32 v3, v21;
	v21 =	vperm.xlane v17, v13;
	s21 =	simm.s32 $0x2D80  }
0x1b9: {  	[tilespmem:s21], [sflag:$0x1] =	stream.indirect_vreg.gather [hbm4b:s10+s0], $0x80, v18, vm0, $0xb8;
	[tilespmem:$0x1E500] =	vst v63  }
0x1ba: {  	v18 =	vadd.s32 v3, v21;
	v21 =	vperm.xlane v17, v14;
	s21 =	simm.s32 $0x2E00  }
0x1bb: {  	[tilespmem:s21], [sflag:$0x1] =	stream.indirect_vreg.gather [hbm4b:s10+s0], $0x80, v19, vm0, $0xb8;
	[tilespmem:$0x1E500] =	vst v63  }
0x1bc: {  	v19 =	vadd.s32 v3, v21;
	v21 =	vperm.xlane v17, v15;
	s21 =	simm.s32 $0x2E80  }
0x1bd: {  	[tilespmem:s21], [sflag:$0x1] =	stream.indirect_vreg.gather [hbm4b:s10+s0], $0x80, v20, vm0, $0xb8;
	[tilespmem:$0x1E500] =	vst v63  }
0x1be: {  	v17 =	vperm.xlane v17, v16;
	v20 =	vadd.s32 v3, v21;
	s21 =	simm.s32 $0x2F00  }
0x1bf: {  	[tilespmem:s21], [sflag:$0x1] =	stream.indirect_vreg.gather [hbm4b:s10+s0], $0x80, v18, vm0, $0xb8;
	[tilespmem:$0x1E500] =	vst v63  }
0x1c0: {  	v17 =	vadd.s32 v3, v17;
	s21 =	simm.s32 $0x2F80  }
0x1c1: {  	[tilespmem:s21], [sflag:$0x1] =	stream.indirect_vreg.gather [hbm4b:s10+s0], $0x80, v19, vm0, $0xb8;
	[tilespmem:$0x1E500] =	vst v63  }
0x1c2: {  	s21 =	simm.s32 $0x3000  }
0x1c3: {  	[tilespmem:s21], [sflag:$0x1] =	stream.indirect_vreg.gather [hbm4b:s10+s0], $0x80, v20, vm0, $0xb8;
	[tilespmem:$0x1E500] =	vst v63  }
0x1c4: {  	s21 =	simm.s32 $0x3080  }
0x1c5: {  	[tilespmem:s21], [sflag:$0x1] =	stream.indirect_vreg.gather [hbm4b:s10+s0], $0x80, v17, vm0, $0xb8;
	[tilespmem:$0x1E500] =	vst v63  }
0x1c6: {  	v17 =	vld [tilespmem:s31+$0x10];
	_ =	sdelay $0x4  }
0x1c7: {  	v18 =	vshll.u32 v17, $0x1  }
0x1c8: {  	v17 =	vand.u32 $0x7, v17;
	v18 =	vand.u32 $0xFFFFFFF0, v18  }
0x1c9: {  	v17 =	vor.u32 v17, v18  }
0x1ca: {  	v18 =	vperm.xlane v17, v2;
	_ =	sdelay $0x1  }
0x1cb: {  	v19 =	vperm.xlane v17, v1;
	v18 =	vadd.s32 v3, v18;
	_ =	sdelay $0x1  }
0x1cc: {  	v20 =	vperm.xlane v17, v4;
	v19 =	vadd.s32 v3, v19;
	_ =	sdelay $0x1  }
0x1cd: {  	s21 =	simm.s32 $0x3100;
	v21 =	vperm.xlane v17, v5;
	v20 =	vadd.s32 v3, v20  }
0x1ce: {  	[tilespmem:s21], [sflag:$0x1] =	stream.indirect_vreg.gather [hbm4b:s10+s0], $0x80, v18, vm0, $0xb8;
	[tilespmem:$0x1E500] =	vst v63  }
0x1cf: {  	v18 =	vadd.s32 v3, v21;
	v21 =	vperm.xlane v17, v6;
	s21 =	simm.s32 $0x3180  }
0x1d0: {  	[tilespmem:s21], [sflag:$0x1] =	stream.indirect_vreg.gather [hbm4b:s10+s0], $0x80, v19, vm0, $0xb8;
	[tilespmem:$0x1E500] =	vst v63  }
0x1d1: {  	v19 =	vadd.s32 v3, v21;
	v21 =	vperm.xlane v17, v7;
	s21 =	simm.s32 $0x3200  }
0x1d2: {  	[tilespmem:s21], [sflag:$0x1] =	stream.indirect_vreg.gather [hbm4b:s10+s0], $0x80, v20, vm0, $0xb8;
	[tilespmem:$0x1E500] =	vst v63  }
0x1d3: {  	v20 =	vadd.s32 v3, v21;
	v21 =	vperm.xlane v17, v8;
	s21 =	simm.s32 $0x3280  }
0x1d4: {  	[tilespmem:s21], [sflag:$0x1] =	stream.indirect_vreg.gather [hbm4b:s10+s0], $0x80, v18, vm0, $0xb8;
	[tilespmem:$0x1E500] =	vst v63  }
0x1d5: {  	v18 =	vadd.s32 v3, v21;
	v21 =	vperm.xlane v17, v0;
	s21 =	simm.s32 $0x3300  }
0x1d6: {  	[tilespmem:s21], [sflag:$0x1] =	stream.indirect_vreg.gather [hbm4b:s10+s0], $0x80, v19, vm0, $0xb8;
	[tilespmem:$0x1E500] =	vst v63  }
0x1d7: {  	v19 =	vadd.s32 v3, v21;
	v21 =	vperm.xlane v17, v9;
	s21 =	simm.s32 $0x3380  }
0x1d8: {  	[tilespmem:s21], [sflag:$0x1] =	stream.indirect_vreg.gather [hbm4b:s10+s0], $0x80, v20, vm0, $0xb8;
	[tilespmem:$0x1E500] =	vst v63  }
0x1d9: {  	v20 =	vadd.s32 v3, v21;
	v21 =	vperm.xlane v17, v10;
	s21 =	simm.s32 $0x3400  }
0x1da: {  	[tilespmem:s21], [sflag:$0x1] =	stream.indirect_vreg.gather [hbm4b:s10+s0], $0x80, v18, vm0, $0xb8;
	[tilespmem:$0x1E500] =	vst v63  }
0x1db: {  	v18 =	vadd.s32 v3, v21;
	v21 =	vperm.xlane v17, v11;
	s21 =	simm.s32 $0x3480  }
0x1dc: {  	[tilespmem:s21], [sflag:$0x1] =	stream.indirect_vreg.gather [hbm4b:s10+s0], $0x80, v19, vm0, $0xb8;
	[tilespmem:$0x1E500] =	vst v63  }
0x1dd: {  	v19 =	vadd.s32 v3, v21;
	v21 =	vperm.xlane v17, v12;
	s21 =	simm.s32 $0x3500  }
0x1de: {  	[tilespmem:s21], [sflag:$0x1] =	stream.indirect_vreg.gather [hbm4b:s10+s0], $0x80, v20, vm0, $0xb8;
	[tilespmem:$0x1E500] =	vst v63  }
0x1df: {  	v20 =	vadd.s32 v3, v21;
	v21 =	vperm.xlane v17, v13;
	s21 =	simm.s32 $0x3580  }
0x1e0: {  	[tilespmem:s21], [sflag:$0x1] =	stream.indirect_vreg.gather [hbm4b:s10+s0], $0x80, v18, vm0, $0xb8;
	[tilespmem:$0x1E500] =	vst v63  }
0x1e1: {  	v18 =	vadd.s32 v3, v21;
	v21 =	vperm.xlane v17, v14;
	s21 =	simm.s32 $0x3600  }
0x1e2: {  	[tilespmem:s21], [sflag:$0x1] =	stream.indirect_vreg.gather [hbm4b:s10+s0], $0x80, v19, vm0, $0xb8;
	[tilespmem:$0x1E500] =	vst v63  }
0x1e3: {  	v19 =	vadd.s32 v3, v21;
	v21 =	vperm.xlane v17, v15;
	s21 =	simm.s32 $0x3680  }
0x1e4: {  	[tilespmem:s21], [sflag:$0x1] =	stream.indirect_vreg.gather [hbm4b:s10+s0], $0x80, v20, vm0, $0xb8;
	[tilespmem:$0x1E500] =	vst v63  }
0x1e5: {  	v17 =	vperm.xlane v17, v16;
	v20 =	vadd.s32 v3, v21;
	s21 =	simm.s32 $0x3700  }
0x1e6: {  	[tilespmem:s21], [sflag:$0x1] =	stream.indirect_vreg.gather [hbm4b:s10+s0], $0x80, v18, vm0, $0xb8;
	[tilespmem:$0x1E500] =	vst v63  }
0x1e7: {  	v17 =	vadd.s32 v3, v17;
	s21 =	simm.s32 $0x3780  }
0x1e8: {  	[tilespmem:s21], [sflag:$0x1] =	stream.indirect_vreg.gather [hbm4b:s10+s0], $0x80, v19, vm0, $0xb8;
	[tilespmem:$0x1E500] =	vst v63  }
0x1e9: {  	s21 =	simm.s32 $0x3800  }
0x1ea: {  	[tilespmem:s21], [sflag:$0x1] =	stream.indirect_vreg.gather [hbm4b:s10+s0], $0x80, v20, vm0, $0xb8;
	[tilespmem:$0x1E500] =	vst v63  }
0x1eb: {  	s21 =	simm.s32 $0x3880  }
0x1ec: {  	[tilespmem:s21], [sflag:$0x1] =	stream.indirect_vreg.gather [hbm4b:s10+s0], $0x80, v17, vm0, $0xb8;
	[tilespmem:$0x1E500] =	vst v63  }
0x1ed: {  	v17 =	vld [tilespmem:s31+$0x20];
	_ =	sdelay $0x4  }
0x1ee: {  	v18 =	vshll.u32 v17, $0x1  }
0x1ef: {  	v17 =	vand.u32 $0x7, v17;
	v18 =	vand.u32 $0xFFFFFFF0, v18  }
0x1f0: {  	v17 =	vor.u32 v17, v18  }
0x1f1: {  	v18 =	vperm.xlane v17, v2;
	_ =	sdelay $0x1  }
0x1f2: {  	v19 =	vperm.xlane v17, v1;
	v18 =	vadd.s32 v3, v18;
	_ =	sdelay $0x1  }
0x1f3: {  	v20 =	vperm.xlane v17, v4;
	v19 =	vadd.s32 v3, v19;
	_ =	sdelay $0x1  }
0x1f4: {  	s21 =	simm.s32 $0x3900;
	v21 =	vperm.xlane v17, v5;
	v20 =	vadd.s32 v3, v20  }
0x1f5: {  	[tilespmem:s21], [sflag:$0x1] =	stream.indirect_vreg.gather [hbm4b:s10+s0], $0x80, v18, vm0, $0xb8;
	[tilespmem:$0x1E500] =	vst v63  }
0x1f6: {  	v18 =	vadd.s32 v3, v21;
	v21 =	vperm.xlane v17, v6;
	s21 =	simm.s32 $0x3980  }
0x1f7: {  	[tilespmem:s21], [sflag:$0x1] =	stream.indirect_vreg.gather [hbm4b:s10+s0], $0x80, v19, vm0, $0xb8;
	[tilespmem:$0x1E500] =	vst v63  }
0x1f8: {  	v19 =	vadd.s32 v3, v21;
	v21 =	vperm.xlane v17, v7;
	s21 =	simm.s32 $0x3A00  }
0x1f9: {  	[tilespmem:s21], [sflag:$0x1] =	stream.indirect_vreg.gather [hbm4b:s10+s0], $0x80, v20, vm0, $0xb8;
	[tilespmem:$0x1E500] =	vst v63  }
0x1fa: {  	v20 =	vadd.s32 v3, v21;
	v21 =	vperm.xlane v17, v8;
	s21 =	simm.s32 $0x3A80  }
0x1fb: {  	[tilespmem:s21], [sflag:$0x1] =	stream.indirect_vreg.gather [hbm4b:s10+s0], $0x80, v18, vm0, $0xb8;
	[tilespmem:$0x1E500] =	vst v63  }
0x1fc: {  	v18 =	vadd.s32 v3, v21;
	v21 =	vperm.xlane v17, v0;
	s21 =	simm.s32 $0x3B00  }
0x1fd: {  	[tilespmem:s21], [sflag:$0x1] =	stream.indirect_vreg.gather [hbm4b:s10+s0], $0x80, v19, vm0, $0xb8;
	[tilespmem:$0x1E500] =	vst v63  }
0x1fe: {  	v19 =	vadd.s32 v3, v21;
	v21 =	vperm.xlane v17, v9;
	s21 =	simm.s32 $0x3B80  }
0x1ff: {  	[tilespmem:s21], [sflag:$0x1] =	stream.indirect_vreg.gather [hbm4b:s10+s0], $0x80, v20, vm0, $0xb8;
	[tilespmem:$0x1E500] =	vst v63  }
0x200: {  	v20 =	vadd.s32 v3, v21;
	v21 =	vperm.xlane v17, v10;
	s21 =	simm.s32 $0x3C00  }
0x201: {  	[tilespmem:s21], [sflag:$0x1] =	stream.indirect_vreg.gather [hbm4b:s10+s0], $0x80, v18, vm0, $0xb8;
	[tilespmem:$0x1E500] =	vst v63  }
0x202: {  	v18 =	vadd.s32 v3, v21;
	v21 =	vperm.xlane v17, v11;
	s21 =	simm.s32 $0x3C80  }
0x203: {  	[tilespmem:s21], [sflag:$0x1] =	stream.indirect_vreg.gather [hbm4b:s10+s0], $0x80, v19, vm0, $0xb8;
	[tilespmem:$0x1E500] =	vst v63  }
0x204: {  	v19 =	vadd.s32 v3, v21;
	v21 =	vperm.xlane v17, v12;
	s21 =	simm.s32 $0x3D00  }
0x205: {  	[tilespmem:s21], [sflag:$0x1] =	stream.indirect_vreg.gather [hbm4b:s10+s0], $0x80, v20, vm0, $0xb8;
	[tilespmem:$0x1E500] =	vst v63  }
0x206: {  	v20 =	vadd.s32 v3, v21;
	v21 =	vperm.xlane v17, v13;
	s21 =	simm.s32 $0x3D80  }
0x207: {  	[tilespmem:s21], [sflag:$0x1] =	stream.indirect_vreg.gather [hbm4b:s10+s0], $0x80, v18, vm0, $0xb8;
	[tilespmem:$0x1E500] =	vst v63  }
0x208: {  	v18 =	vadd.s32 v3, v21;
	v21 =	vperm.xlane v17, v14;
	s21 =	simm.s32 $0x3E00  }
0x209: {  	[tilespmem:s21], [sflag:$0x1] =	stream.indirect_vreg.gather [hbm4b:s10+s0], $0x80, v19, vm0, $0xb8;
	[tilespmem:$0x1E500] =	vst v63  }
0x20a: {  	v19 =	vadd.s32 v3, v21;
	v21 =	vperm.xlane v17, v15;
	s21 =	simm.s32 $0x3E80  }
0x20b: {  	[tilespmem:s21], [sflag:$0x1] =	stream.indirect_vreg.gather [hbm4b:s10+s0], $0x80, v20, vm0, $0xb8;
	[tilespmem:$0x1E500] =	vst v63  }
0x20c: {  	v17 =	vperm.xlane v17, v16;
	v20 =	vadd.s32 v3, v21;
	s21 =	simm.s32 $0x3F00  }
0x20d: {  	[tilespmem:s21], [sflag:$0x1] =	stream.indirect_vreg.gather [hbm4b:s10+s0], $0x80, v18, vm0, $0xb8;
	[tilespmem:$0x1E500] =	vst v63  }
0x20e: {  	v17 =	vadd.s32 v3, v17;
	s21 =	simm.s32 $0x3F80  }
0x20f: {  	[tilespmem:s21], [sflag:$0x1] =	stream.indirect_vreg.gather [hbm4b:s10+s0], $0x80, v19, vm0, $0xb8;
	[tilespmem:$0x1E500] =	vst v63  }
0x210: {  	s21 =	simm.s32 $0x4000  }
0x211: {  	[tilespmem:s21], [sflag:$0x1] =	stream.indirect_vreg.gather [hbm4b:s10+s0], $0x80, v20, vm0, $0xb8;
	[tilespmem:$0x1E500] =	vst v63  }
0x212: {  	s21 =	simm.s32 $0x4080  }
0x213: {  	[tilespmem:s21], [sflag:$0x1] =	stream.indirect_vreg.gather [hbm4b:s10+s0], $0x80, v17, vm0, $0xb8;
	[tilespmem:$0x1E500] =	vst v63  }
0x214: {  	v17 =	vld [tilespmem:s31+$0x30];
	_ =	sdelay $0x4  }
0x215: {  	v18 =	vshll.u32 v17, $0x1  }
0x216: {  	v17 =	vand.u32 $0x7, v17;
	v18 =	vand.u32 $0xFFFFFFF0, v18  }
0x217: {  	v17 =	vor.u32 v17, v18  }
0x218: {  	v18 =	vperm.xlane v17, v2;
	_ =	sdelay $0x1  }
0x219: {  	v19 =	vperm.xlane v17, v1;
	v18 =	vadd.s32 v3, v18;
	_ =	sdelay $0x1  }
0x21a: {  	v20 =	vperm.xlane v17, v4;
	v19 =	vadd.s32 v3, v19;
	_ =	sdelay $0x1  }
0x21b: {  	s21 =	simm.s32 $0x4100;
	v21 =	vperm.xlane v17, v5;
	v20 =	vadd.s32 v3, v20  }
0x21c: {  	[tilespmem:s21], [sflag:$0x1] =	stream.indirect_vreg.gather [hbm4b:s10+s0], $0x80, v18, vm0, $0xb8;
	[tilespmem:$0x1E500] =	vst v63  }
0x21d: {  	v18 =	vadd.s32 v3, v21;
	v21 =	vperm.xlane v17, v6;
	s21 =	simm.s32 $0x4180  }
0x21e: {  	[tilespmem:s21], [sflag:$0x1] =	stream.indirect_vreg.gather [hbm4b:s10+s0], $0x80, v19, vm0, $0xb8;
	[tilespmem:$0x1E500] =	vst v63  }
0x21f: {  	v19 =	vadd.s32 v3, v21;
	v21 =	vperm.xlane v17, v7;
	s21 =	simm.s32 $0x4200  }
0x220: {  	[tilespmem:s21], [sflag:$0x1] =	stream.indirect_vreg.gather [hbm4b:s10+s0], $0x80, v20, vm0, $0xb8;
	[tilespmem:$0x1E500] =	vst v63  }
0x221: {  	v20 =	vadd.s32 v3, v21;
	v21 =	vperm.xlane v17, v8;
	s21 =	simm.s32 $0x4280  }
0x222: {  	[tilespmem:s21], [sflag:$0x1] =	stream.indirect_vreg.gather [hbm4b:s10+s0], $0x80, v18, vm0, $0xb8;
	[tilespmem:$0x1E500] =	vst v63  }
0x223: {  	v18 =	vadd.s32 v3, v21;
	v21 =	vperm.xlane v17, v0;
	s21 =	simm.s32 $0x4300  }
0x224: {  	[tilespmem:s21], [sflag:$0x1] =	stream.indirect_vreg.gather [hbm4b:s10+s0], $0x80, v19, vm0, $0xb8;
	[tilespmem:$0x1E500] =	vst v63  }
0x225: {  	v19 =	vadd.s32 v3, v21;
	v21 =	vperm.xlane v17, v9;
	s21 =	simm.s32 $0x4380  }
0x226: {  	[tilespmem:s21], [sflag:$0x1] =	stream.indirect_vreg.gather [hbm4b:s10+s0], $0x80, v20, vm0, $0xb8;
	[tilespmem:$0x1E500] =	vst v63  }
0x227: {  	v20 =	vadd.s32 v3, v21;
	v21 =	vperm.xlane v17, v10;
	s21 =	simm.s32 $0x4400  }
0x228: {  	[tilespmem:s21], [sflag:$0x1] =	stream.indirect_vreg.gather [hbm4b:s10+s0], $0x80, v18, vm0, $0xb8;
	[tilespmem:$0x1E500] =	vst v63  }
0x229: {  	v18 =	vadd.s32 v3, v21;
	v21 =	vperm.xlane v17, v11;
	s21 =	simm.s32 $0x4480  }
0x22a: {  	[tilespmem:s21], [sflag:$0x1] =	stream.indirect_vreg.gather [hbm4b:s10+s0], $0x80, v19, vm0, $0xb8;
	[tilespmem:$0x1E500] =	vst v63  }
0x22b: {  	v19 =	vadd.s32 v3, v21;
	v21 =	vperm.xlane v17, v12;
	s21 =	simm.s32 $0x4500  }
0x22c: {  	[tilespmem:s21], [sflag:$0x1] =	stream.indirect_vreg.gather [hbm4b:s10+s0], $0x80, v20, vm0, $0xb8;
	[tilespmem:$0x1E500] =	vst v63  }
0x22d: {  	v20 =	vadd.s32 v3, v21;
	v21 =	vperm.xlane v17, v13;
	s21 =	simm.s32 $0x4580  }
0x22e: {  	[tilespmem:s21], [sflag:$0x1] =	stream.indirect_vreg.gather [hbm4b:s10+s0], $0x80, v18, vm0, $0xb8;
	[tilespmem:$0x1E500] =	vst v63  }
0x22f: {  	v18 =	vadd.s32 v3, v21;
	v21 =	vperm.xlane v17, v14;
	s21 =	simm.s32 $0x4600  }
0x230: {  	[tilespmem:s21], [sflag:$0x1] =	stream.indirect_vreg.gather [hbm4b:s10+s0], $0x80, v19, vm0, $0xb8;
	[tilespmem:$0x1E500] =	vst v63  }
0x231: {  	v19 =	vadd.s32 v3, v21;
	v21 =	vperm.xlane v17, v15;
	s21 =	simm.s32 $0x4680  }
0x232: {  	[tilespmem:s21], [sflag:$0x1] =	stream.indirect_vreg.gather [hbm4b:s10+s0], $0x80, v20, vm0, $0xb8;
	[tilespmem:$0x1E500] =	vst v63  }
0x233: {  	v17 =	vperm.xlane v17, v16;
	v20 =	vadd.s32 v3, v21;
	s21 =	simm.s32 $0x4700  }
0x234: {  	[tilespmem:s21], [sflag:$0x1] =	stream.indirect_vreg.gather [hbm4b:s10+s0], $0x80, v18, vm0, $0xb8;
	[tilespmem:$0x1E500] =	vst v63  }
0x235: {  	v17 =	vadd.s32 v3, v17;
	s21 =	simm.s32 $0x4780  }
0x236: {  	[tilespmem:s21], [sflag:$0x1] =	stream.indirect_vreg.gather [hbm4b:s10+s0], $0x80, v19, vm0, $0xb8;
	[tilespmem:$0x1E500] =	vst v63  }
0x237: {  	s21 =	simm.s32 $0x4800  }
0x238: {  	[tilespmem:s21], [sflag:$0x1] =	stream.indirect_vreg.gather [hbm4b:s10+s0], $0x80, v20, vm0, $0xb8;
	[tilespmem:$0x1E500] =	vst v63  }
0x239: {  	s21 =	simm.s32 $0x4880  }
0x23a: {  	[tilespmem:s21], [sflag:$0x1] =	stream.indirect_vreg.gather [hbm4b:s10+s0], $0x80, v17, vm0, $0xb8;
	[tilespmem:$0x1E500] =	vst v63  }
0x23b: {  	s21 =	sshll.u32 s25, $0xE  }
0x23c: {  	s21 =	sadd.s32 s8, s21  }
0x23d: {  	s21 =	sshrl.u32 s21, $0x3  }
0x23e: {  	s21 =	sadd.s32 s1, s21  }
0x23f: {  	[tilespmem:s18], [sflag:$0x1] =	stream.strided.gather [hbm4b:s21+s16], $0x2000, s17, s16, $0x38;
	[tilespmem:$0x1E500] =	vst v63  }
0x240: {  	s21 =	sshll.u32 s25, $0x7  }
0x241: {  	s25 =	sand.u32 $0xFC00, s21  }
0x242: {  	s21 =	sand.u32 $0x300, s21;
	s25 =	sadd.s32 s9, s25  }
0x243: {  	s21 =	sor.u32 s21, s25  }
0x244: {  	s21 =	sshrl.u32 s21, $0x3  }
0x245: {  	s21 =	sadd.s32 s3, s21  }
0x246: {  	[tilespmem:s19], [sflag:$0x1] =	stream.linear.gather [hbm4b:s21+s0], $0x80, $0x38;
	[tilespmem:$0x1E500] =	vst v63  }
0x247: {  	_ =	swait.ge [sflag:s15], $0x2000  }
0x248: {  	[sflag:s15] =	ssyncset.done $0x0  }
0x249: {  	[sflag:s15] =	ssyncadd.s32 $0xFFFFE000  }
0x24a: {  	_ =	swait.ge [sflag:s15], $0x2000  }
0x24b: {  	[sflag:s15] =	ssyncset.done $0x0  }
0x24c: {  	[sflag:s15] =	ssyncadd.s32 $0xFFFFE000  }
0x24d: {  	_ =	swait.ge [sflag:s15], $0x80  }
0x24e: {  	[sflag:s15] =	ssyncset.done $0x0  }
0x24f: {  	s0 =	simm.s32 $0x0;
	[sflag:s15] =	ssyncadd.s32 $0xFFFFFF80  }
0x250: {  	v23 =	vld [tilespmem:s0+$0x4900]  }
0x251: {  	v28 =	vld [tilespmem:s0+$0x4910]  }
0x252: {  	v22 =	vld [tilespmem:s0+$0x4920]  }
0x253: {  	v21 =	vld [tilespmem:s0+$0x4930]  }
0x254: {  	v20 =	vld [tilespmem:s0+$0x4940]  }
0x255: {  	v19 =	vld [tilespmem:s0+$0x4950]  }
0x256: {  	v18 =	vld [tilespmem:s0+$0x4960]  }
0x257: {  	v17 =	vld [tilespmem:s0+$0x4970]  }
0x258: {  	v29 =	vld [tilespmem:s0+$0x8900]  }
0x259: {  	v30 =	vld [tilespmem:s0+$0x8910]  }
0x25a: {  	v27 =	vld [tilespmem:s0+$0x8920]  }
0x25b: {  	v26 =	vld [tilespmem:s0+$0x8930]  }
0x25c: {  	v25 =	vld [tilespmem:s0+$0x8940]  }
0x25d: {  	v24 =	vld [tilespmem:s0+$0x8950];
	v29 =	vadd.f32 v23, v29  }
0x25e: {  	s25 =	simm.s32 $0x200;
	v28 =	vadd.f32 v28, v30;
	v23 =	vld [tilespmem:s0+$0x8960]  }
.LBB2_5:
0x25f: {  	s21 =	sshra.s32 s25, $0x2;
	p0 =	sne.s32 s25, $0x7E00;
	v29 =	vmax.f32 v29, $0.0e+00;
	v22 =	vadd.f32 v22, v27;
	v27 =	vld [tilespmem:s0+$0x8970]  }
0x260: {  	v30 =	vld [tilespmem:s21+$0x4900];
	[tilespmem:s0+$0x8900] =	vst v29;
	v28 =	vmax.f32 v28, $0.0e+00;
	v21 =	vadd.f32 v21, v26  }
0x261: {  	v31 =	vld [tilespmem:s21+$0x4910];
	[tilespmem:s0+$0x8910] =	vst v28;
	v26 =	vmax.f32 v22, $0.0e+00;
	v20 =	vadd.f32 v20, v25  }
0x262: {  	v22 =	vld [tilespmem:s21+$0x4920];
	[tilespmem:s0+$0x8920] =	vst v26;
	v25 =	vmax.f32 v21, $0.0e+00;
	v19 =	vadd.f32 v19, v24  }
0x263: {  	v21 =	vld [tilespmem:s21+$0x4930];
	[tilespmem:s0+$0x8930] =	vst v25;
	v24 =	vmax.f32 v20, $0.0e+00;
	v18 =	vadd.f32 v18, v23  }
0x264: {  	v20 =	vld [tilespmem:s21+$0x4940];
	[tilespmem:s0+$0x8940] =	vst v24;
	v23 =	vmax.f32 v19, $0.0e+00;
	v17 =	vadd.f32 v17, v27  }
0x265: {  	v19 =	vld [tilespmem:s21+$0x4950];
	[tilespmem:s0+$0x8950] =	vst v23;
	v23 =	vmax.f32 v18, $0.0e+00  }
0x266: {  	v18 =	vld [tilespmem:s21+$0x4960];
	[tilespmem:s0+$0x8960] =	vst v23;
	v23 =	vmax.f32 v17, $0.0e+00  }
0x267: {  	v17 =	vld [tilespmem:s21+$0x4970];
	[tilespmem:s0+$0x8970] =	vst v23;
	s0 =	smov.u32 s21  }
0x268: {  	v23 =	vld [tilespmem:s0+$0x8900]  }
0x269: {  	v28 =	vld [tilespmem:s0+$0x8910]  }
.Ltmp1:
0x26a: {  	v27 =	vld [tilespmem:s0+$0x8920];
	(pc) =	sbr.rel @p0 .LBB2_5-.Ltmp1, $4  }
0x26b: {  	v26 =	vld [tilespmem:s0+$0x8930]  }
0x26c: {  	v25 =	vld [tilespmem:s0+$0x8940]  }
0x26d: {  	v29 =	vadd.f32 v30, v23;
	v24 =	vld [tilespmem:s0+$0x8950]  }
0x26e: {  	s25 =	sadd.s32 $0x200, s25;
	v28 =	vadd.f32 v31, v28;
	v23 =	vld [tilespmem:s0+$0x8960]  }
0x26f: {  	v29 =	vmax.f32 v29, $0.0e+00;
	v22 =	vadd.f32 v22, v27;
	v35 =	vld [tilespmem:s0+$0x8970]  }
0x270: {  	[tilespmem:s0+$0x8900] =	vst v29;
	v28 =	vmax.f32 v28, $0.0e+00;
	v21 =	vadd.f32 v21, v26  }
0x271: {  	[tilespmem:s0+$0x8910] =	vst v28;
	v22 =	vmax.f32 v22, $0.0e+00;
	v20 =	vadd.f32 v20, v25  }
0x272: {  	[tilespmem:s0+$0x8920] =	vst v22;
	v21 =	vmax.f32 v21, $0.0e+00;
	v19 =	vadd.f32 v19, v24  }
0x273: {  	[tilespmem:s0+$0x8930] =	vst v21;
	v20 =	vmax.f32 v20, $0.0e+00;
	v18 =	vadd.f32 v18, v23  }
0x274: {  	[tilespmem:s0+$0x8940] =	vst v20;
	v19 =	vmax.f32 v19, $0.0e+00;
	v17 =	vadd.f32 v17, v35  }
0x275: {  	[tilespmem:s0+$0x8950] =	vst v19;
	v18 =	vmax.f32 v18, $0.0e+00  }
0x276: {  	[tilespmem:s0+$0x8960] =	vst v18;
	v17 =	vmax.f32 v17, $0.0e+00  }
0x277: {  	[tilespmem:s0+$0x8970] =	vst v17  }
0x278: {  	[spmem:s4] =	stream.indirect.scatter.add.f32 [tilespmem:s13], [sflag:$0x3], $0x80, s29, s24, $0xb8;
	[tilespmem:$0x1E500] =	vst v63  }
0x279: {  	_ =	swait.ge [sflag:s20], $0x2000  }
0x27a: {  	[sflag:s20] =	ssyncset.done $0x0  }
0x27b: {  	[sflag:s20] =	ssyncadd.s32 $0xFFFFE000  }
0x27c: {  	v17 =	vld [tilespmem:s31+$0x40];
	_ =	sdelay $0x4  }
0x27d: {  	v18 =	vshll.u32 v17, $0x1  }
0x27e: {  	v17 =	vand.u32 $0x7, v17;
	v18 =	vand.u32 $0xFFFFFFF0, v18  }
0x27f: {  	v17 =	vor.u32 v17, v18  }
0x280: {  	v18 =	vperm.xlane v17, v2;
	_ =	sdelay $0x1  }
0x281: {  	v19 =	vperm.xlane v17, v1;
	v18 =	vadd.s32 v3, v18;
	_ =	sdelay $0x1  }
0x282: {  	v36 =	vperm.xlane v17, v4;
	v19 =	vadd.s32 v3, v19;
	_ =	sdelay $0x1  }
0x283: {  	s21 =	simm.s32 $0x4900;
	v37 =	vperm.xlane v17, v5;
	v20 =	vadd.s32 v3, v36  }
0x284: {  	[tilespmem:s21], [sflag:$0x2] =	stream.indirect_vreg.gather [hbm4b:s10+s5], $0x80, v18, vm0, $0xb8;
	[tilespmem:$0x1E500] =	vst v63  }
0x285: {  	s25 =	simm.s32 $0x4980;
	v38 =	vperm.xlane v17, v6;
	v18 =	vadd.s32 v3, v37  }
0x286: {  	[tilespmem:s25], [sflag:$0x2] =	stream.indirect_vreg.gather [hbm4b:s10+s5], $0x80, v19, vm0, $0xb8;
	[tilespmem:$0x1E500] =	vst v63  }
0x287: {  	v39 =	vperm.xlane v17, v7;
	s21 =	simm.s32 $0x4A00;
	v19 =	vadd.s32 v3, v38  }
0x288: {  	[tilespmem:s21], [sflag:$0x2] =	stream.indirect_vreg.gather [hbm4b:s10+s5], $0x80, v20, vm0, $0xb8;
	[tilespmem:$0x1E500] =	vst v63  }
0x289: {  	v41 =	vperm.xlane v17, v8;
	v40 =	vadd.s32 v3, v39;
	s25 =	simm.s32 $0x4A80  }
0x28a: {  	[tilespmem:s25], [sflag:$0x2] =	stream.indirect_vreg.gather [hbm4b:s10+s5], $0x80, v18, vm0, $0xb8;
	[tilespmem:$0x1E500] =	vst v63  }
0x28b: {  	v42 =	vperm.xlane v17, v0;
	s21 =	simm.s32 $0x4B00;
	v18 =	vadd.s32 v3, v41  }
0x28c: {  	[tilespmem:s21], [sflag:$0x2] =	stream.indirect_vreg.gather [hbm4b:s10+s5], $0x80, v19, vm0, $0xb8;
	[tilespmem:$0x1E500] =	vst v63  }
0x28d: {  	v43 =	vperm.xlane v17, v9;
	s25 =	simm.s32 $0x4B80;
	v19 =	vadd.s32 v3, v42  }
0x28e: {  	[tilespmem:s25], [sflag:$0x2] =	stream.indirect_vreg.gather [hbm4b:s10+s5], $0x80, v40, vm0, $0xb8;
	[tilespmem:$0x1E500] =	vst v63  }
0x28f: {  	v45 =	vperm.xlane v17, v10;
	v44 =	vadd.s32 v3, v43;
	s21 =	simm.s32 $0x4C00  }
0x290: {  	[tilespmem:s21], [sflag:$0x2] =	stream.indirect_vreg.gather [hbm4b:s10+s5], $0x80, v18, vm0, $0xb8;
	[tilespmem:$0x1E500] =	vst v63  }
0x291: {  	v46 =	vperm.xlane v17, v11;
	s25 =	simm.s32 $0x4C80;
	v18 =	vadd.s32 v3, v45  }
0x292: {  	[tilespmem:s25], [sflag:$0x2] =	stream.indirect_vreg.gather [hbm4b:s10+s5], $0x80, v19, vm0, $0xb8;
	[tilespmem:$0x1E500] =	vst v63  }
0x293: {  	v47 =	vperm.xlane v17, v12;
	s21 =	simm.s32 $0x4D00;
	v19 =	vadd.s32 v3, v46  }
0x294: {  	[tilespmem:s21], [sflag:$0x2] =	stream.indirect_vreg.gather [hbm4b:s10+s5], $0x80, v44, vm0, $0xb8;
	[tilespmem:$0x1E500] =	vst v63  }
0x295: {  	v49 =	vperm.xlane v17, v13;
	v48 =	vadd.s32 v3, v47;
	s25 =	simm.s32 $0x4D80  }
0x296: {  	[tilespmem:s25], [sflag:$0x2] =	stream.indirect_vreg.gather [hbm4b:s10+s5], $0x80, v18, vm0, $0xb8;
	[tilespmem:$0x1E500] =	vst v63  }
0x297: {  	v50 =	vperm.xlane v17, v14;
	s21 =	simm.s32 $0x4E00;
	v18 =	vadd.s32 v3, v49  }
0x298: {  	[tilespmem:s21], [sflag:$0x2] =	stream.indirect_vreg.gather [hbm4b:s10+s5], $0x80, v19, vm0, $0xb8;
	[tilespmem:$0x1E500] =	vst v63  }
0x299: {  	v51 =	vperm.xlane v17, v15;
	s25 =	simm.s32 $0x4E80;
	v19 =	vadd.s32 v3, v50  }
0x29a: {  	[tilespmem:s25], [sflag:$0x2] =	stream.indirect_vreg.gather [hbm4b:s10+s5], $0x80, v48, vm0, $0xb8;
	[tilespmem:$0x1E500] =	vst v63  }
0x29b: {  	v17 =	vperm.xlane v17, v16;
	v52 =	vadd.s32 v3, v51;
	s21 =	simm.s32 $0x4F00  }
0x29c: {  	[tilespmem:s21], [sflag:$0x2] =	stream.indirect_vreg.gather [hbm4b:s10+s5], $0x80, v18, vm0, $0xb8;
	[tilespmem:$0x1E500] =	vst v63  }
0x29d: {  	v17 =	vadd.s32 v3, v17;
	s25 =	simm.s32 $0x4F80  }
0x29e: {  	[tilespmem:s25], [sflag:$0x2] =	stream.indirect_vreg.gather [hbm4b:s10+s5], $0x80, v19, vm0, $0xb8;
	[tilespmem:$0x1E500] =	vst v63  }
0x29f: {  	s21 =	simm.s32 $0x5000  }
0x2a0: {  	[tilespmem:s21], [sflag:$0x2] =	stream.indirect_vreg.gather [hbm4b:s10+s5], $0x80, v52, vm0, $0xb8;
	[tilespmem:$0x1E500] =	vst v63  }
0x2a1: {  	s25 =	simm.s32 $0x5080  }
0x2a2: {  	[tilespmem:s25], [sflag:$0x2] =	stream.indirect_vreg.gather [hbm4b:s10+s5], $0x80, v17, vm0, $0xb8;
	[tilespmem:$0x1E500] =	vst v63  }
0x2a3: {  	v17 =	vld [tilespmem:s31+$0x50];
	_ =	sdelay $0x4  }
0x2a4: {  	v18 =	vshll.u32 v17, $0x1  }
0x2a5: {  	v17 =	vand.u32 $0x7, v17;
	v18 =	vand.u32 $0xFFFFFFF0, v18  }
0x2a6: {  	v17 =	vor.u32 v17, v18  }
0x2a7: {  	v18 =	vperm.xlane v17, v2;
	_ =	sdelay $0x1  }
0x2a8: {  	v19 =	vperm.xlane v17, v1;
	v18 =	vadd.s32 v3, v18;
	_ =	sdelay $0x1  }
0x2a9: {  	v53 =	vperm.xlane v17, v4;
	v19 =	vadd.s32 v3, v19;
	_ =	sdelay $0x1  }
0x2aa: {  	s21 =	simm.s32 $0x5100;
	v54 =	vperm.xlane v17, v5;
	v20 =	vadd.s32 v3, v53  }
0x2ab: {  	[tilespmem:s21], [sflag:$0x2] =	stream.indirect_vreg.gather [hbm4b:s10+s5], $0x80, v18, vm0, $0xb8;
	[tilespmem:$0x1E500] =	vst v63  }
0x2ac: {  	s25 =	simm.s32 $0x5180;
	v55 =	vperm.xlane v17, v6;
	v18 =	vadd.s32 v3, v54  }
0x2ad: {  	[tilespmem:s25], [sflag:$0x2] =	stream.indirect_vreg.gather [hbm4b:s10+s5], $0x80, v19, vm0, $0xb8;
	[tilespmem:$0x1E500] =	vst v63  }
0x2ae: {  	v56 =	vperm.xlane v17, v7;
	s21 =	simm.s32 $0x5200;
	v19 =	vadd.s32 v3, v55  }
0x2af: {  	[tilespmem:s21], [sflag:$0x2] =	stream.indirect_vreg.gather [hbm4b:s10+s5], $0x80, v20, vm0, $0xb8;
	[tilespmem:$0x1E500] =	vst v63  }
0x2b0: {  	v58 =	vperm.xlane v17, v8;
	v57 =	vadd.s32 v3, v56;
	s25 =	simm.s32 $0x5280  }
0x2b1: {  	[tilespmem:s25], [sflag:$0x2] =	stream.indirect_vreg.gather [hbm4b:s10+s5], $0x80, v18, vm0, $0xb8;
	[tilespmem:$0x1E500] =	vst v63  }
0x2b2: {  	v59 =	vperm.xlane v17, v0;
	s21 =	simm.s32 $0x5300;
	v18 =	vadd.s32 v3, v58  }
0x2b3: {  	[tilespmem:s21], [sflag:$0x2] =	stream.indirect_vreg.gather [hbm4b:s10+s5], $0x80, v19, vm0, $0xb8;
	[tilespmem:$0x1E500] =	vst v63  }
0x2b4: {  	v60 =	vperm.xlane v17, v9;
	s25 =	simm.s32 $0x5380;
	v19 =	vadd.s32 v3, v59  }
0x2b5: {  	[tilespmem:s25], [sflag:$0x2] =	stream.indirect_vreg.gather [hbm4b:s10+s5], $0x80, v57, vm0, $0xb8;
	[tilespmem:$0x1E500] =	vst v63  }
0x2b6: {  	v62 =	vperm.xlane v17, v10;
	v61 =	vadd.s32 v3, v60;
	s21 =	simm.s32 $0x5400  }
0x2b7: {  	[tilespmem:s21], [sflag:$0x2] =	stream.indirect_vreg.gather [hbm4b:s10+s5], $0x80, v18, vm0, $0xb8;
	[tilespmem:$0x1E500] =	vst v63  }
0x2b8: {  	v63 =	vperm.xlane v17, v11;
	s25 =	simm.s32 $0x5480;
	v18 =	vadd.s32 v3, v62  }
0x2b9: {  	[tilespmem:s25], [sflag:$0x2] =	stream.indirect_vreg.gather [hbm4b:s10+s5], $0x80, v19, vm0, $0xb8;
	[tilespmem:$0x1E500] =	vst v63  }
0x2ba: {  	v24 =	vperm.xlane v17, v12;
	s21 =	simm.s32 $0x5500;
	v19 =	vadd.s32 v3, v63  }
0x2bb: {  	[tilespmem:s21], [sflag:$0x2] =	stream.indirect_vreg.gather [hbm4b:s10+s5], $0x80, v61, vm0, $0xb8;
	[tilespmem:$0x1E500] =	vst v63  }
0x2bc: {  	v26 =	vperm.xlane v17, v13;
	v25 =	vadd.s32 v3, v24;
	s25 =	simm.s32 $0x5580  }
0x2bd: {  	[tilespmem:s25], [sflag:$0x2] =	stream.indirect_vreg.gather [hbm4b:s10+s5], $0x80, v18, vm0, $0xb8;
	[tilespmem:$0x1E500] =	vst v63  }
0x2be: {  	v27 =	vperm.xlane v17, v14;
	s21 =	simm.s32 $0x5600;
	v18 =	vadd.s32 v3, v26  }
0x2bf: {  	[tilespmem:s21], [sflag:$0x2] =	stream.indirect_vreg.gather [hbm4b:s10+s5], $0x80, v19, vm0, $0xb8;
	[tilespmem:$0x1E500] =	vst v63  }
0x2c0: {  	v28 =	vperm.xlane v17, v15;
	s25 =	simm.s32 $0x5680;
	v19 =	vadd.s32 v3, v27  }
0x2c1: {  	[tilespmem:s25], [sflag:$0x2] =	stream.indirect_vreg.gather [hbm4b:s10+s5], $0x80, v25, vm0, $0xb8;
	[tilespmem:$0x1E500] =	vst v63  }
0x2c2: {  	v17 =	vperm.xlane v17, v16;
	v29 =	vadd.s32 v3, v28;
	s21 =	simm.s32 $0x5700  }
0x2c3: {  	[tilespmem:s21], [sflag:$0x2] =	stream.indirect_vreg.gather [hbm4b:s10+s5], $0x80, v18, vm0, $0xb8;
	[tilespmem:$0x1E500] =	vst v63  }
0x2c4: {  	v17 =	vadd.s32 v3, v17;
	s25 =	simm.s32 $0x5780  }
0x2c5: {  	[tilespmem:s25], [sflag:$0x2] =	stream.indirect_vreg.gather [hbm4b:s10+s5], $0x80, v19, vm0, $0xb8;
	[tilespmem:$0x1E500] =	vst v63  }
0x2c6: {  	s21 =	simm.s32 $0x5800  }
0x2c7: {  	[tilespmem:s21], [sflag:$0x2] =	stream.indirect_vreg.gather [hbm4b:s10+s5], $0x80, v29, vm0, $0xb8;
	[tilespmem:$0x1E500] =	vst v63  }
0x2c8: {  	s25 =	simm.s32 $0x5880  }
0x2c9: {  	[tilespmem:s25], [sflag:$0x2] =	stream.indirect_vreg.gather [hbm4b:s10+s5], $0x80, v17, vm0, $0xb8;
	[tilespmem:$0x1E500] =	vst v63  }
0x2ca: {  	v17 =	vld [tilespmem:s31+$0x60];
	_ =	sdelay $0x4  }
0x2cb: {  	v18 =	vshll.u32 v17, $0x1  }
0x2cc: {  	v17 =	vand.u32 $0x7, v17;
	v18 =	vand.u32 $0xFFFFFFF0, v18  }
0x2cd: {  	v17 =	vor.u32 v17, v18  }
0x2ce: {  	v18 =	vperm.xlane v17, v2;
	_ =	sdelay $0x1  }
0x2cf: {  	v19 =	vperm.xlane v17, v1;
	v18 =	vadd.s32 v3, v18;
	_ =	sdelay $0x1  }
0x2d0: {  	v30 =	vperm.xlane v17, v4;
	v19 =	vadd.s32 v3, v19;
	_ =	sdelay $0x1  }
0x2d1: {  	s21 =	simm.s32 $0x5900;
	v31 =	vperm.xlane v17, v5;
	v20 =	vadd.s32 v3, v30  }
0x2d2: {  	[tilespmem:s21], [sflag:$0x2] =	stream.indirect_vreg.gather [hbm4b:s10+s5], $0x80, v18, vm0, $0xb8;
	[tilespmem:$0x1E500] =	vst v63  }
0x2d3: {  	s25 =	simm.s32 $0x5980;
	v32 =	vperm.xlane v17, v6;
	v18 =	vadd.s32 v3, v31  }
0x2d4: {  	[tilespmem:s25], [sflag:$0x2] =	stream.indirect_vreg.gather [hbm4b:s10+s5], $0x80, v19, vm0, $0xb8;
	[tilespmem:$0x1E500] =	vst v63  }
0x2d5: {  	v33 =	vperm.xlane v17, v7;
	s21 =	simm.s32 $0x5A00;
	v19 =	vadd.s32 v3, v32  }
0x2d6: {  	[tilespmem:s21], [sflag:$0x2] =	stream.indirect_vreg.gather [hbm4b:s10+s5], $0x80, v20, vm0, $0xb8;
	[tilespmem:$0x1E500] =	vst v63  }
0x2d7: {  	v35 =	vperm.xlane v17, v8;
	v34 =	vadd.s32 v3, v33;
	s25 =	simm.s32 $0x5A80  }
0x2d8: {  	[tilespmem:s25], [sflag:$0x2] =	stream.indirect_vreg.gather [hbm4b:s10+s5], $0x80, v18, vm0, $0xb8;
	[tilespmem:$0x1E500] =	vst v63  }
0x2d9: {  	v36 =	vperm.xlane v17, v0;
	s21 =	simm.s32 $0x5B00;
	v18 =	vadd.s32 v3, v35  }
0x2da: {  	[tilespmem:s21], [sflag:$0x2] =	stream.indirect_vreg.gather [hbm4b:s10+s5], $0x80, v19, vm0, $0xb8;
	[tilespmem:$0x1E500] =	vst v63  }
0x2db: {  	v37 =	vperm.xlane v17, v9;
	s25 =	simm.s32 $0x5B80;
	v19 =	vadd.s32 v3, v36  }
0x2dc: {  	[tilespmem:s25], [sflag:$0x2] =	stream.indirect_vreg.gather [hbm4b:s10+s5], $0x80, v34, vm0, $0xb8;
	[tilespmem:$0x1E500] =	vst v63  }
0x2dd: {  	v39 =	vperm.xlane v17, v10;
	v38 =	vadd.s32 v3, v37;
	s21 =	simm.s32 $0x5C00  }
0x2de: {  	[tilespmem:s21], [sflag:$0x2] =	stream.indirect_vreg.gather [hbm4b:s10+s5], $0x80, v18, vm0, $0xb8;
	[tilespmem:$0x1E500] =	vst v63  }
0x2df: {  	v40 =	vperm.xlane v17, v11;
	s25 =	simm.s32 $0x5C80;
	v18 =	vadd.s32 v3, v39  }
0x2e0: {  	[tilespmem:s25], [sflag:$0x2] =	stream.indirect_vreg.gather [hbm4b:s10+s5], $0x80, v19, vm0, $0xb8;
	[tilespmem:$0x1E500] =	vst v63  }
0x2e1: {  	v41 =	vperm.xlane v17, v12;
	s21 =	simm.s32 $0x5D00;
	v19 =	vadd.s32 v3, v40  }
0x2e2: {  	[tilespmem:s21], [sflag:$0x2] =	stream.indirect_vreg.gather [hbm4b:s10+s5], $0x80, v38, vm0, $0xb8;
	[tilespmem:$0x1E500] =	vst v63  }
0x2e3: {  	v43 =	vperm.xlane v17, v13;
	v42 =	vadd.s32 v3, v41;
	s25 =	simm.s32 $0x5D80  }
0x2e4: {  	[tilespmem:s25], [sflag:$0x2] =	stream.indirect_vreg.gather [hbm4b:s10+s5], $0x80, v18, vm0, $0xb8;
	[tilespmem:$0x1E500] =	vst v63  }
0x2e5: {  	v44 =	vperm.xlane v17, v14;
	s21 =	simm.s32 $0x5E00;
	v18 =	vadd.s32 v3, v43  }
0x2e6: {  	[tilespmem:s21], [sflag:$0x2] =	stream.indirect_vreg.gather [hbm4b:s10+s5], $0x80, v19, vm0, $0xb8;
	[tilespmem:$0x1E500] =	vst v63  }
0x2e7: {  	v45 =	vperm.xlane v17, v15;
	s25 =	simm.s32 $0x5E80;
	v19 =	vadd.s32 v3, v44  }
0x2e8: {  	[tilespmem:s25], [sflag:$0x2] =	stream.indirect_vreg.gather [hbm4b:s10+s5], $0x80, v42, vm0, $0xb8;
	[tilespmem:$0x1E500] =	vst v63  }
0x2e9: {  	v17 =	vperm.xlane v17, v16;
	v46 =	vadd.s32 v3, v45;
	s21 =	simm.s32 $0x5F00  }
0x2ea: {  	[tilespmem:s21], [sflag:$0x2] =	stream.indirect_vreg.gather [hbm4b:s10+s5], $0x80, v18, vm0, $0xb8;
	[tilespmem:$0x1E500] =	vst v63  }
0x2eb: {  	v17 =	vadd.s32 v3, v17;
	s25 =	simm.s32 $0x5F80  }
0x2ec: {  	[tilespmem:s25], [sflag:$0x2] =	stream.indirect_vreg.gather [hbm4b:s10+s5], $0x80, v19, vm0, $0xb8;
	[tilespmem:$0x1E500] =	vst v63  }
0x2ed: {  	s21 =	simm.s32 $0x6000  }
0x2ee: {  	[tilespmem:s21], [sflag:$0x2] =	stream.indirect_vreg.gather [hbm4b:s10+s5], $0x80, v46, vm0, $0xb8;
	[tilespmem:$0x1E500] =	vst v63  }
0x2ef: {  	s25 =	simm.s32 $0x6080  }
0x2f0: {  	[tilespmem:s25], [sflag:$0x2] =	stream.indirect_vreg.gather [hbm4b:s10+s5], $0x80, v17, vm0, $0xb8;
	[tilespmem:$0x1E500] =	vst v63  }
0x2f1: {  	v17 =	vld [tilespmem:s31+$0x70];
	_ =	sdelay $0x4  }
0x2f2: {  	v18 =	vshll.u32 v17, $0x1  }
0x2f3: {  	v17 =	vand.u32 $0x7, v17;
	v18 =	vand.u32 $0xFFFFFFF0, v18  }
0x2f4: {  	v17 =	vor.u32 v17, v18  }
0x2f5: {  	v18 =	vperm.xlane v17, v2;
	_ =	sdelay $0x1  }
0x2f6: {  	v19 =	vperm.xlane v17, v1;
	v18 =	vadd.s32 v3, v18;
	_ =	sdelay $0x1  }
0x2f7: {  	v47 =	vperm.xlane v17, v4;
	v19 =	vadd.s32 v3, v19;
	_ =	sdelay $0x1  }
0x2f8: {  	s31 =	simm.s32 $0x6100;
	v48 =	vperm.xlane v17, v5;
	v20 =	vadd.s32 v3, v47  }
0x2f9: {  	[tilespmem:s31], [sflag:$0x2] =	stream.indirect_vreg.gather [hbm4b:s10+s5], $0x80, v18, vm0, $0xb8;
	[tilespmem:$0x1E500] =	vst v63  }
0x2fa: {  	s21 =	simm.s32 $0x6180;
	v49 =	vperm.xlane v17, v6;
	v18 =	vadd.s32 v3, v48  }
0x2fb: {  	[tilespmem:s21], [sflag:$0x2] =	stream.indirect_vreg.gather [hbm4b:s10+s5], $0x80, v19, vm0, $0xb8;
	[tilespmem:$0x1E500] =	vst v63  }
0x2fc: {  	s25 =	simm.s32 $0x6200;
	v50 =	vperm.xlane v17, v7;
	v19 =	vadd.s32 v3, v49  }
0x2fd: {  	[tilespmem:s25], [sflag:$0x2] =	stream.indirect_vreg.gather [hbm4b:s10+s5], $0x80, v20, vm0, $0xb8;
	[tilespmem:$0x1E500] =	vst v63  }
0x2fe: {  	v52 =	vperm.xlane v17, v8;
	v51 =	vadd.s32 v3, v50;
	s31 =	simm.s32 $0x6280  }
0x2ff: {  	[tilespmem:s31], [sflag:$0x2] =	stream.indirect_vreg.gather [hbm4b:s10+s5], $0x80, v18, vm0, $0xb8;
	[tilespmem:$0x1E500] =	vst v63  }
0x300: {  	v53 =	vperm.xlane v17, v0;
	s21 =	simm.s32 $0x6300;
	v18 =	vadd.s32 v3, v52  }
0x301: {  	[tilespmem:s21], [sflag:$0x2] =	stream.indirect_vreg.gather [hbm4b:s10+s5], $0x80, v19, vm0, $0xb8;
	[tilespmem:$0x1E500] =	vst v63  }
0x302: {  	v54 =	vperm.xlane v17, v9;
	s25 =	simm.s32 $0x6380;
	v19 =	vadd.s32 v3, v53  }
0x303: {  	[tilespmem:s25], [sflag:$0x2] =	stream.indirect_vreg.gather [hbm4b:s10+s5], $0x80, v51, vm0, $0xb8;
	[tilespmem:$0x1E500] =	vst v63  }
0x304: {  	v56 =	vperm.xlane v17, v10;
	v55 =	vadd.s32 v3, v54;
	s31 =	simm.s32 $0x6400  }
0x305: {  	[tilespmem:s31], [sflag:$0x2] =	stream.indirect_vreg.gather [hbm4b:s10+s5], $0x80, v18, vm0, $0xb8;
	[tilespmem:$0x1E500] =	vst v63  }
0x306: {  	v57 =	vperm.xlane v17, v11;
	s21 =	simm.s32 $0x6480;
	v18 =	vadd.s32 v3, v56  }
0x307: {  	[tilespmem:s21], [sflag:$0x2] =	stream.indirect_vreg.gather [hbm4b:s10+s5], $0x80, v19, vm0, $0xb8;
	[tilespmem:$0x1E500] =	vst v63  }
0x308: {  	v58 =	vperm.xlane v17, v12;
	v19 =	vadd.s32 v3, v57  }
0x309: {  	[tilespmem:s2], [sflag:$0x2] =	stream.indirect_vreg.gather [hbm4b:s10+s5], $0x80, v55, vm0, $0xb8;
	[tilespmem:$0x1E500] =	vst v63  }
0x30a: {  	v60 =	vperm.xlane v17, v13;
	v59 =	vadd.s32 v3, v58  }
0x30b: {  	[tilespmem:s26], [sflag:$0x2] =	stream.indirect_vreg.gather [hbm4b:s10+s5], $0x80, v18, vm0, $0xb8;
	[tilespmem:$0x1E500] =	vst v63  }
0x30c: {  	v61 =	vperm.xlane v17, v14;
	v18 =	vadd.s32 v3, v60  }
0x30d: {  	[tilespmem:s6], [sflag:$0x2] =	stream.indirect_vreg.gather [hbm4b:s10+s5], $0x80, v19, vm0, $0xb8;
	[tilespmem:$0x1E500] =	vst v63  }
0x30e: {  	v62 =	vperm.xlane v17, v15;
	v19 =	vadd.s32 v3, v61  }
0x30f: {  	[tilespmem:s23], [sflag:$0x2] =	stream.indirect_vreg.gather [hbm4b:s10+s5], $0x80, v59, vm0, $0xb8;
	[tilespmem:$0x1E500] =	vst v63  }
0x310: {  	v17 =	vperm.xlane v17, v16;
	v63 =	vadd.s32 v3, v62;
	s25 =	sadd.s32 $0x3, s22  }
0x311: {  	[tilespmem:s7], [sflag:$0x2] =	stream.indirect_vreg.gather [hbm4b:s10+s5], $0x80, v18, vm0, $0xb8;
	[tilespmem:$0x1E500] =	vst v63  }
0x312: {  	v17 =	vadd.s32 v3, v17;
	s21 =	sshll.u32 s25, $0xE  }
0x313: {  	[tilespmem:s28], [sflag:$0x2] =	stream.indirect_vreg.gather [hbm4b:s10+s5], $0x80, v19, vm0, $0xb8;
	[tilespmem:$0x1E500] =	vst v63  }
0x314: {  	s21 =	sadd.s32 s8, s21  }
0x315: {  	[tilespmem:s11], [sflag:$0x2] =	stream.indirect_vreg.gather [hbm4b:s10+s5], $0x80, v63, vm0, $0xb8;
	[tilespmem:$0x1E500] =	vst v63  }
0x316: {  	s30 =	sadd.s32 $0x1, s30;
	s0 =	sshll.u32 s25, $0x7;
	s21 =	sshrl.u32 s21, $0x3  }
0x317: {  	[tilespmem:s12], [sflag:$0x2] =	stream.indirect_vreg.gather [hbm4b:s10+s5], $0x80, v17, vm0, $0xb8;
	[tilespmem:$0x1E500] =	vst v63  }
0x318: {  	p0 =	sne.s32 s30, $0x4D;
	s31 =	sand.u32 $0xFC00, s0;
	s21 =	sadd.s32 s1, s21  }
0x319: {  	[tilespmem:s13], [sflag:$0x2] =	stream.strided.gather [hbm4b:s21+s16], $0x2000, s17, s16, $0x38;
	[tilespmem:$0x1E500] =	vst v63  }
.Ltmp2:
0x31a: {  	s0 =	sand.u32 $0x380, s0;
	s21 =	sadd.s32 s9, s31;
	(pc) =	sbr.rel @p0 .LBB2_2-.Ltmp2, $4  }
0x31b: {  	s0 =	sor.u32 s0, s21  }
0x31c: {  	s0 =	sshrl.u32 s0, $0x3  }
0x31d: {  	s0 =	sadd.s32 s3, s0  }
0x31e: {  	[tilespmem:s29], [sflag:$0x2] =	stream.linear.gather [hbm4b:s0+s5], $0x80, $0x38;
	[tilespmem:$0x1E500] =	vst v63  }
0x31f: {  	_ =	swait.ge [sflag:s14], $0x2000  }
0x320: {  	[sflag:s14] =	ssyncset.done $0x0  }
0x321: {  	[sflag:s14] =	ssyncadd.s32 $0xFFFFE000  }
0x322: {  	_ =	swait.ge [sflag:s14], $0x2000  }
0x323: {  	[sflag:s14] =	ssyncset.done $0x0  }
0x324: {  	[sflag:s14] =	ssyncadd.s32 $0xFFFFE000  }
0x325: {  	_ =	swait.ge [sflag:s14], $0x80  }
0x326: {  	[sflag:s14] =	ssyncset.done $0x0  }
0x327: {  	s0 =	simm.s32 $0x0;
	[sflag:s14] =	ssyncadd.s32 $0xFFFFFF80  }
0x328: {  	v23 =	vld [tilespmem:s0+$0x2900]  }
0x329: {  	v28 =	vld [tilespmem:s0+$0x2910]  }
0x32a: {  	v22 =	vld [tilespmem:s0+$0x2920]  }
0x32b: {  	v21 =	vld [tilespmem:s0+$0x2930]  }
0x32c: {  	v20 =	vld [tilespmem:s0+$0x2940]  }
0x32d: {  	v19 =	vld [tilespmem:s0+$0x2950]  }
0x32e: {  	v18 =	vld [tilespmem:s0+$0x2960]  }
0x32f: {  	v17 =	vld [tilespmem:s0+$0x2970]  }
0x330: {  	v29 =	vld [tilespmem:s0+$0x6900]  }
0x331: {  	v30 =	vld [tilespmem:s0+$0x6910]  }
0x332: {  	v27 =	vld [tilespmem:s0+$0x6920]  }
0x333: {  	v26 =	vld [tilespmem:s0+$0x6930]  }
0x334: {  	v25 =	vld [tilespmem:s0+$0x6940]  }
0x335: {  	v24 =	vld [tilespmem:s0+$0x6950];
	v29 =	vadd.f32 v23, v29  }
0x336: {  	s22 =	simm.s32 $0x200;
	v28 =	vadd.f32 v28, v30;
	v23 =	vld [tilespmem:s0+$0x6960]  }
.LBB2_8:
0x337: {  	s21 =	sshra.s32 s22, $0x2;
	p0 =	sne.s32 s22, $0x7E00;
	v29 =	vmax.f32 v29, $0.0e+00;
	v22 =	vadd.f32 v22, v27;
	v27 =	vld [tilespmem:s0+$0x6970]  }
0x338: {  	v30 =	vld [tilespmem:s21+$0x2900];
	[tilespmem:s0+$0x6900] =	vst v29;
	v28 =	vmax.f32 v28, $0.0e+00;
	v21 =	vadd.f32 v21, v26  }
0x339: {  	v31 =	vld [tilespmem:s21+$0x2910];
	[tilespmem:s0+$0x6910] =	vst v28;
	v26 =	vmax.f32 v22, $0.0e+00;
	v20 =	vadd.f32 v20, v25  }
0x33a: {  	v22 =	vld [tilespmem:s21+$0x2920];
	[tilespmem:s0+$0x6920] =	vst v26;
	v25 =	vmax.f32 v21, $0.0e+00;
	v19 =	vadd.f32 v19, v24  }
0x33b: {  	v21 =	vld [tilespmem:s21+$0x2930];
	[tilespmem:s0+$0x6930] =	vst v25;
	v24 =	vmax.f32 v20, $0.0e+00;
	v18 =	vadd.f32 v18, v23  }
0x33c: {  	v20 =	vld [tilespmem:s21+$0x2940];
	[tilespmem:s0+$0x6940] =	vst v24;
	v23 =	vmax.f32 v19, $0.0e+00;
	v17 =	vadd.f32 v17, v27  }
0x33d: {  	v19 =	vld [tilespmem:s21+$0x2950];
	[tilespmem:s0+$0x6950] =	vst v23;
	v23 =	vmax.f32 v18, $0.0e+00  }
0x33e: {  	v18 =	vld [tilespmem:s21+$0x2960];
	[tilespmem:s0+$0x6960] =	vst v23;
	v23 =	vmax.f32 v17, $0.0e+00  }
0x33f: {  	v17 =	vld [tilespmem:s21+$0x2970];
	[tilespmem:s0+$0x6970] =	vst v23;
	s0 =	smov.u32 s21  }
0x340: {  	v23 =	vld [tilespmem:s0+$0x6900]  }
0x341: {  	v28 =	vld [tilespmem:s0+$0x6910]  }
.Ltmp3:
0x342: {  	v27 =	vld [tilespmem:s0+$0x6920];
	(pc) =	sbr.rel @p0 .LBB2_8-.Ltmp3, $4  }
0x343: {  	v26 =	vld [tilespmem:s0+$0x6930]  }
0x344: {  	v25 =	vld [tilespmem:s0+$0x6940]  }
0x345: {  	v29 =	vadd.f32 v30, v23;
	v24 =	vld [tilespmem:s0+$0x6950]  }
0x346: {  	s22 =	sadd.s32 $0x200, s22;
	v28 =	vadd.f32 v31, v28;
	v23 =	vld [tilespmem:s0+$0x6960]  }
0x347: {  	v29 =	vmax.f32 v29, $0.0e+00;
	v22 =	vadd.f32 v22, v27;
	v27 =	vld [tilespmem:s0+$0x6970]  }
0x348: {  	[tilespmem:s0+$0x6900] =	vst v29;
	v28 =	vmax.f32 v28, $0.0e+00;
	v21 =	vadd.f32 v21, v26  }
0x349: {  	[tilespmem:s0+$0x6910] =	vst v28;
	v22 =	vmax.f32 v22, $0.0e+00;
	v20 =	vadd.f32 v20, v25  }
0x34a: {  	[tilespmem:s0+$0x6920] =	vst v22;
	v21 =	vmax.f32 v21, $0.0e+00;
	v19 =	vadd.f32 v19, v24  }
0x34b: {  	[tilespmem:s0+$0x6930] =	vst v21;
	v20 =	vmax.f32 v20, $0.0e+00;
	v18 =	vadd.f32 v18, v23  }
0x34c: {  	[tilespmem:s0+$0x6940] =	vst v20;
	v19 =	vmax.f32 v19, $0.0e+00;
	v17 =	vadd.f32 v17, v27  }
0x34d: {  	[tilespmem:s0+$0x6950] =	vst v19;
	v18 =	vmax.f32 v18, $0.0e+00  }
0x34e: {  	[tilespmem:s0+$0x6960] =	vst v18;
	v17 =	vmax.f32 v17, $0.0e+00  }
0x34f: {  	[tilespmem:s0+$0x6970] =	vst v17  }
0x350: {  	[spmem:s4] =	stream.indirect.scatter.add.f32 [tilespmem:s18], [sflag:$0x3], $0x80, s19, s24, $0xb8;
	[tilespmem:$0x1E500] =	vst v63  }
0x351: {  	_ =	swait.ge [sflag:s20], $0x2000  }
0x352: {  	[sflag:s20] =	ssyncset.done $0x0  }
0x353: {  	[sflag:s20] =	ssyncadd.s32 $0xFFFFE000  }
0x354: {  	_ =	swait.ge [sflag:s15], $0x2000  }
0x355: {  	[sflag:s15] =	ssyncset.done $0x0  }
0x356: {  	[sflag:s15] =	ssyncadd.s32 $0xFFFFE000  }
0x357: {  	_ =	swait.ge [sflag:s15], $0x2000  }
0x358: {  	[sflag:s15] =	ssyncset.done $0x0  }
0x359: {  	[sflag:s15] =	ssyncadd.s32 $0xFFFFE000  }
0x35a: {  	_ =	swait.ge [sflag:s15], $0x80  }
0x35b: {  	[sflag:s15] =	ssyncset.done $0x0  }
0x35c: {  	s0 =	simm.s32 $0x0;
	[sflag:s15] =	ssyncadd.s32 $0xFFFFFF80  }
0x35d: {  	v23 =	vld [tilespmem:s0+$0x4900]  }
0x35e: {  	v28 =	vld [tilespmem:s0+$0x4910]  }
0x35f: {  	v22 =	vld [tilespmem:s0+$0x4920]  }
0x360: {  	v21 =	vld [tilespmem:s0+$0x4930]  }
0x361: {  	v20 =	vld [tilespmem:s0+$0x4940]  }
0x362: {  	v19 =	vld [tilespmem:s0+$0x4950]  }
0x363: {  	v18 =	vld [tilespmem:s0+$0x4960]  }
0x364: {  	v17 =	vld [tilespmem:s0+$0x4970]  }
0x365: {  	v29 =	vld [tilespmem:s0+$0x8900]  }
0x366: {  	v30 =	vld [tilespmem:s0+$0x8910]  }
0x367: {  	v27 =	vld [tilespmem:s0+$0x8920]  }
0x368: {  	v26 =	vld [tilespmem:s0+$0x8930]  }
0x369: {  	v25 =	vld [tilespmem:s0+$0x8940]  }
0x36a: {  	v24 =	vld [tilespmem:s0+$0x8950];
	v29 =	vadd.f32 v23, v29  }
0x36b: {  	s22 =	simm.s32 $0x200;
	v28 =	vadd.f32 v28, v30;
	v23 =	vld [tilespmem:s0+$0x8960]  }
.LBB2_10:
0x36c: {  	s21 =	sshra.s32 s22, $0x2;
	p0 =	sne.s32 s22, $0x7E00;
	v29 =	vmax.f32 v29, $0.0e+00;
	v22 =	vadd.f32 v22, v27;
	v27 =	vld [tilespmem:s0+$0x8970]  }
0x36d: {  	v30 =	vld [tilespmem:s21+$0x4900];
	[tilespmem:s0+$0x8900] =	vst v29;
	v28 =	vmax.f32 v28, $0.0e+00;
	v21 =	vadd.f32 v21, v26  }
0x36e: {  	v31 =	vld [tilespmem:s21+$0x4910];
	[tilespmem:s0+$0x8910] =	vst v28;
	v26 =	vmax.f32 v22, $0.0e+00;
	v20 =	vadd.f32 v20, v25  }
0x36f: {  	v22 =	vld [tilespmem:s21+$0x4920];
	[tilespmem:s0+$0x8920] =	vst v26;
	v25 =	vmax.f32 v21, $0.0e+00;
	v19 =	vadd.f32 v19, v24  }
0x370: {  	v21 =	vld [tilespmem:s21+$0x4930];
	[tilespmem:s0+$0x8930] =	vst v25;
	v24 =	vmax.f32 v20, $0.0e+00;
	v18 =	vadd.f32 v18, v23  }
0x371: {  	v20 =	vld [tilespmem:s21+$0x4940];
	[tilespmem:s0+$0x8940] =	vst v24;
	v23 =	vmax.f32 v19, $0.0e+00;
	v17 =	vadd.f32 v17, v27  }
0x372: {  	v19 =	vld [tilespmem:s21+$0x4950];
	[tilespmem:s0+$0x8950] =	vst v23;
	v23 =	vmax.f32 v18, $0.0e+00  }
0x373: {  	v18 =	vld [tilespmem:s21+$0x4960];
	[tilespmem:s0+$0x8960] =	vst v23;
	v23 =	vmax.f32 v17, $0.0e+00  }
0x374: {  	v17 =	vld [tilespmem:s21+$0x4970];
	[tilespmem:s0+$0x8970] =	vst v23;
	s0 =	smov.u32 s21  }
0x375: {  	v23 =	vld [tilespmem:s0+$0x8900]  }
0x376: {  	v28 =	vld [tilespmem:s0+$0x8910]  }
.Ltmp4:
0x377: {  	v27 =	vld [tilespmem:s0+$0x8920];
	(pc) =	sbr.rel @p0 .LBB2_10-.Ltmp4, $4  }
0x378: {  	v26 =	vld [tilespmem:s0+$0x8930]  }
0x379: {  	v25 =	vld [tilespmem:s0+$0x8940]  }
0x37a: {  	v29 =	vadd.f32 v30, v23;
	v24 =	vld [tilespmem:s0+$0x8950]  }
0x37b: {  	s22 =	sadd.s32 $0x200, s22;
	v28 =	vadd.f32 v31, v28;
	v23 =	vld [tilespmem:s0+$0x8960]  }
0x37c: {  	v29 =	vmax.f32 v29, $0.0e+00;
	v22 =	vadd.f32 v22, v27;
	v27 =	vld [tilespmem:s0+$0x8970]  }
0x37d: {  	[tilespmem:s0+$0x8900] =	vst v29;
	v28 =	vmax.f32 v28, $0.0e+00;
	v21 =	vadd.f32 v21, v26  }
0x37e: {  	[tilespmem:s0+$0x8910] =	vst v28;
	v22 =	vmax.f32 v22, $0.0e+00;
	v20 =	vadd.f32 v20, v25  }
0x37f: {  	[tilespmem:s0+$0x8920] =	vst v22;
	v21 =	vmax.f32 v21, $0.0e+00;
	v19 =	vadd.f32 v19, v24  }
0x380: {  	[tilespmem:s0+$0x8930] =	vst v21;
	v20 =	vmax.f32 v20, $0.0e+00;
	v18 =	vadd.f32 v18, v23  }
0x381: {  	[tilespmem:s0+$0x8940] =	vst v20;
	v19 =	vmax.f32 v19, $0.0e+00;
	v17 =	vadd.f32 v17, v27  }
0x382: {  	[tilespmem:s0+$0x8950] =	vst v19;
	v18 =	vmax.f32 v18, $0.0e+00  }
0x383: {  	[tilespmem:s0+$0x8960] =	vst v18;
	v17 =	vmax.f32 v17, $0.0e+00  }
0x384: {  	[tilespmem:s0+$0x8970] =	vst v17  }
0x385: {  	[spmem:s4] =	stream.indirect.scatter.add.f32 [tilespmem:s13], [sflag:$0x3], $0x80, s29, s24, $0xb8;
	[tilespmem:$0x1E500] =	vst v63  }
0x386: {  	_ =	swait.ge [sflag:s20], $0x2000  }
0x387: {  	[sflag:s20] =	ssyncset.done $0x0  }
0x388: {  	[sflag:s20] =	ssyncadd.s32 $0xFFFFE000  }
0x389: {  	v17 =	vld [tilespmem:$0x2700];
	_ =	sdelay $0x4  }
0x38a: {  	v18 =	vshll.u32 v17, $0x1  }
0x38b: {  	v17 =	vand.u32 $0x7, v17;
	v18 =	vand.u32 $0xFFFFFFF0, v18  }
0x38c: {  	v17 =	vor.u32 v17, v18  }
0x38d: {  	v18 =	vperm.xlane v17, v2;
	_ =	sdelay $0x1  }
0x38e: {  	v19 =	vperm.xlane v17, v1;
	v18 =	vadd.s32 v3, v18;
	_ =	sdelay $0x1  }
0x38f: {  	v20 =	vperm.xlane v17, v4;
	v19 =	vadd.s32 v3, v19;
	_ =	sdelay $0x1  }
0x390: {  	s21 =	simm.s32 $0x2900;
	s0 =	simm.s32 $0x0;
	v21 =	vperm.xlane v17, v5;
	v20 =	vadd.s32 v3, v20  }
0x391: {  	[tilespmem:s21], [sflag:$0x3] =	stream.indirect_vreg.gather [hbm4b:s10+s0], $0x80, v18, vm0, $0xb8;
	[tilespmem:$0x1E500] =	vst v63  }
0x392: {  	s31 =	simm.s32 $0x2980;
	v18 =	vadd.s32 v3, v21;
	v21 =	vperm.xlane v17, v6  }
0x393: {  	[tilespmem:s31], [sflag:$0x3] =	stream.indirect_vreg.gather [hbm4b:s10+s0], $0x80, v19, vm0, $0xb8;
	[tilespmem:$0x1E500] =	vst v63  }
0x394: {  	s22 =	simm.s32 $0x2A00;
	v19 =	vadd.s32 v3, v21;
	v21 =	vperm.xlane v17, v7  }
0x395: {  	[tilespmem:s22], [sflag:$0x3] =	stream.indirect_vreg.gather [hbm4b:s10+s0], $0x80, v20, vm0, $0xb8;
	[tilespmem:$0x1E500] =	vst v63  }
0x396: {  	s25 =	simm.s32 $0x2A80;
	v20 =	vadd.s32 v3, v21;
	v21 =	vperm.xlane v17, v8  }
0x397: {  	[tilespmem:s25], [sflag:$0x3] =	stream.indirect_vreg.gather [hbm4b:s10+s0], $0x80, v18, vm0, $0xb8;
	[tilespmem:$0x1E500] =	vst v63  }
0x398: {  	s30 =	simm.s32 $0x2B00;
	v18 =	vadd.s32 v3, v21;
	v21 =	vperm.xlane v17, v0  }
0x399: {  	[tilespmem:s30], [sflag:$0x3] =	stream.indirect_vreg.gather [hbm4b:s10+s0], $0x80, v19, vm0, $0xb8;
	[tilespmem:$0x1E500] =	vst v63  }
0x39a: {  	s31 =	simm.s32 $0x2B80;
	v19 =	vadd.s32 v3, v21;
	v21 =	vperm.xlane v17, v9  }
0x39b: {  	[tilespmem:s31], [sflag:$0x3] =	stream.indirect_vreg.gather [hbm4b:s10+s0], $0x80, v20, vm0, $0xb8;
	[tilespmem:$0x1E500] =	vst v63  }
0x39c: {  	s22 =	simm.s32 $0x2C00;
	v20 =	vadd.s32 v3, v21;
	v21 =	vperm.xlane v17, v10  }
0x39d: {  	[tilespmem:s22], [sflag:$0x3] =	stream.indirect_vreg.gather [hbm4b:s10+s0], $0x80, v18, vm0, $0xb8;
	[tilespmem:$0x1E500] =	vst v63  }
0x39e: {  	s25 =	simm.s32 $0x2C80;
	v18 =	vadd.s32 v3, v21;
	v21 =	vperm.xlane v17, v11  }
0x39f: {  	[tilespmem:s25], [sflag:$0x3] =	stream.indirect_vreg.gather [hbm4b:s10+s0], $0x80, v19, vm0, $0xb8;
	[tilespmem:$0x1E500] =	vst v63  }
0x3a0: {  	s30 =	simm.s32 $0x2D00;
	v19 =	vadd.s32 v3, v21;
	v21 =	vperm.xlane v17, v12  }
0x3a1: {  	[tilespmem:s30], [sflag:$0x3] =	stream.indirect_vreg.gather [hbm4b:s10+s0], $0x80, v20, vm0, $0xb8;
	[tilespmem:$0x1E500] =	vst v63  }
0x3a2: {  	s31 =	simm.s32 $0x2D80;
	v20 =	vadd.s32 v3, v21;
	v21 =	vperm.xlane v17, v13  }
0x3a3: {  	[tilespmem:s31], [sflag:$0x3] =	stream.indirect_vreg.gather [hbm4b:s10+s0], $0x80, v18, vm0, $0xb8;
	[tilespmem:$0x1E500] =	vst v63  }
0x3a4: {  	s22 =	simm.s32 $0x2E00;
	v18 =	vadd.s32 v3, v21;
	v21 =	vperm.xlane v17, v14  }
0x3a5: {  	[tilespmem:s22], [sflag:$0x3] =	stream.indirect_vreg.gather [hbm4b:s10+s0], $0x80, v19, vm0, $0xb8;
	[tilespmem:$0x1E500] =	vst v63  }
0x3a6: {  	s25 =	simm.s32 $0x2E80;
	v19 =	vadd.s32 v3, v21;
	v21 =	vperm.xlane v17, v15  }
0x3a7: {  	[tilespmem:s25], [sflag:$0x3] =	stream.indirect_vreg.gather [hbm4b:s10+s0], $0x80, v20, vm0, $0xb8;
	[tilespmem:$0x1E500] =	vst v63  }
0x3a8: {  	s30 =	simm.s32 $0x2F00;
	v17 =	vperm.xlane v17, v16;
	v20 =	vadd.s32 v3, v21  }
0x3a9: {  	[tilespmem:s30], [sflag:$0x3] =	stream.indirect_vreg.gather [hbm4b:s10+s0], $0x80, v18, vm0, $0xb8;
	[tilespmem:$0x1E500] =	vst v63  }
0x3aa: {  	s31 =	simm.s32 $0x2F80;
	v17 =	vadd.s32 v3, v17  }
0x3ab: {  	[tilespmem:s31], [sflag:$0x3] =	stream.indirect_vreg.gather [hbm4b:s10+s0], $0x80, v19, vm0, $0xb8;
	[tilespmem:$0x1E500] =	vst v63  }
0x3ac: {  	s22 =	simm.s32 $0x3000  }
0x3ad: {  	[tilespmem:s22], [sflag:$0x3] =	stream.indirect_vreg.gather [hbm4b:s10+s0], $0x80, v20, vm0, $0xb8;
	[tilespmem:$0x1E500] =	vst v63  }
0x3ae: {  	s25 =	simm.s32 $0x3080  }
0x3af: {  	[tilespmem:s25], [sflag:$0x3] =	stream.indirect_vreg.gather [hbm4b:s10+s0], $0x80, v17, vm0, $0xb8;
	[tilespmem:$0x1E500] =	vst v63  }
0x3b0: {  	v17 =	vld [tilespmem:$0x2710];
	_ =	sdelay $0x4  }
0x3b1: {  	v18 =	vshll.u32 v17, $0x1  }
0x3b2: {  	v17 =	vand.u32 $0x7, v17;
	v18 =	vand.u32 $0xFFFFFFF0, v18  }
0x3b3: {  	v17 =	vor.u32 v17, v18  }
0x3b4: {  	v18 =	vperm.xlane v17, v2;
	_ =	sdelay $0x1  }
0x3b5: {  	v19 =	vperm.xlane v17, v1;
	v18 =	vadd.s32 v3, v18;
	_ =	sdelay $0x1  }
0x3b6: {  	v20 =	vperm.xlane v17, v4;
	v19 =	vadd.s32 v3, v19;
	_ =	sdelay $0x1  }
0x3b7: {  	s30 =	simm.s32 $0x3100;
	v21 =	vperm.xlane v17, v5;
	v20 =	vadd.s32 v3, v20  }
0x3b8: {  	[tilespmem:s30], [sflag:$0x3] =	stream.indirect_vreg.gather [hbm4b:s10+s0], $0x80, v18, vm0, $0xb8;
	[tilespmem:$0x1E500] =	vst v63  }
0x3b9: {  	s31 =	simm.s32 $0x3180;
	v18 =	vadd.s32 v3, v21;
	v21 =	vperm.xlane v17, v6  }
0x3ba: {  	[tilespmem:s31], [sflag:$0x3] =	stream.indirect_vreg.gather [hbm4b:s10+s0], $0x80, v19, vm0, $0xb8;
	[tilespmem:$0x1E500] =	vst v63  }
0x3bb: {  	s22 =	simm.s32 $0x3200;
	v19 =	vadd.s32 v3, v21;
	v21 =	vperm.xlane v17, v7  }
0x3bc: {  	[tilespmem:s22], [sflag:$0x3] =	stream.indirect_vreg.gather [hbm4b:s10+s0], $0x80, v20, vm0, $0xb8;
	[tilespmem:$0x1E500] =	vst v63  }
0x3bd: {  	s25 =	simm.s32 $0x3280;
	v20 =	vadd.s32 v3, v21;
	v21 =	vperm.xlane v17, v8  }
0x3be: {  	[tilespmem:s25], [sflag:$0x3] =	stream.indirect_vreg.gather [hbm4b:s10+s0], $0x80, v18, vm0, $0xb8;
	[tilespmem:$0x1E500] =	vst v63  }
0x3bf: {  	s30 =	simm.s32 $0x3300;
	v18 =	vadd.s32 v3, v21;
	v21 =	vperm.xlane v17, v0  }
0x3c0: {  	[tilespmem:s30], [sflag:$0x3] =	stream.indirect_vreg.gather [hbm4b:s10+s0], $0x80, v19, vm0, $0xb8;
	[tilespmem:$0x1E500] =	vst v63  }
0x3c1: {  	s31 =	simm.s32 $0x3380;
	v19 =	vadd.s32 v3, v21;
	v21 =	vperm.xlane v17, v9  }
0x3c2: {  	[tilespmem:s31], [sflag:$0x3] =	stream.indirect_vreg.gather [hbm4b:s10+s0], $0x80, v20, vm0, $0xb8;
	[tilespmem:$0x1E500] =	vst v63  }
0x3c3: {  	s22 =	simm.s32 $0x3400;
	v20 =	vadd.s32 v3, v21;
	v21 =	vperm.xlane v17, v10  }
0x3c4: {  	[tilespmem:s22], [sflag:$0x3] =	stream.indirect_vreg.gather [hbm4b:s10+s0], $0x80, v18, vm0, $0xb8;
	[tilespmem:$0x1E500] =	vst v63  }
0x3c5: {  	s25 =	simm.s32 $0x3480;
	v18 =	vadd.s32 v3, v21;
	v21 =	vperm.xlane v17, v11  }
0x3c6: {  	[tilespmem:s25], [sflag:$0x3] =	stream.indirect_vreg.gather [hbm4b:s10+s0], $0x80, v19, vm0, $0xb8;
	[tilespmem:$0x1E500] =	vst v63  }
0x3c7: {  	s30 =	simm.s32 $0x3500;
	v19 =	vadd.s32 v3, v21;
	v21 =	vperm.xlane v17, v12  }
0x3c8: {  	[tilespmem:s30], [sflag:$0x3] =	stream.indirect_vreg.gather [hbm4b:s10+s0], $0x80, v20, vm0, $0xb8;
	[tilespmem:$0x1E500] =	vst v63  }
0x3c9: {  	s31 =	simm.s32 $0x3580;
	v20 =	vadd.s32 v3, v21;
	v21 =	vperm.xlane v17, v13  }
0x3ca: {  	[tilespmem:s31], [sflag:$0x3] =	stream.indirect_vreg.gather [hbm4b:s10+s0], $0x80, v18, vm0, $0xb8;
	[tilespmem:$0x1E500] =	vst v63  }
0x3cb: {  	s22 =	simm.s32 $0x3600;
	v18 =	vadd.s32 v3, v21;
	v21 =	vperm.xlane v17, v14  }
0x3cc: {  	[tilespmem:s22], [sflag:$0x3] =	stream.indirect_vreg.gather [hbm4b:s10+s0], $0x80, v19, vm0, $0xb8;
	[tilespmem:$0x1E500] =	vst v63  }
0x3cd: {  	s25 =	simm.s32 $0x3680;
	v19 =	vadd.s32 v3, v21;
	v21 =	vperm.xlane v17, v15  }
0x3ce: {  	[tilespmem:s25], [sflag:$0x3] =	stream.indirect_vreg.gather [hbm4b:s10+s0], $0x80, v20, vm0, $0xb8;
	[tilespmem:$0x1E500] =	vst v63  }
0x3cf: {  	s30 =	simm.s32 $0x3700;
	v17 =	vperm.xlane v17, v16;
	v20 =	vadd.s32 v3, v21  }
0x3d0: {  	[tilespmem:s30], [sflag:$0x3] =	stream.indirect_vreg.gather [hbm4b:s10+s0], $0x80, v18, vm0, $0xb8;
	[tilespmem:$0x1E500] =	vst v63  }
0x3d1: {  	s31 =	simm.s32 $0x3780;
	v17 =	vadd.s32 v3, v17  }
0x3d2: {  	[tilespmem:s31], [sflag:$0x3] =	stream.indirect_vreg.gather [hbm4b:s10+s0], $0x80, v19, vm0, $0xb8;
	[tilespmem:$0x1E500] =	vst v63  }
0x3d3: {  	s22 =	simm.s32 $0x3800  }
0x3d4: {  	[tilespmem:s22], [sflag:$0x3] =	stream.indirect_vreg.gather [hbm4b:s10+s0], $0x80, v20, vm0, $0xb8;
	[tilespmem:$0x1E500] =	vst v63  }
0x3d5: {  	s25 =	simm.s32 $0x3880  }
0x3d6: {  	[tilespmem:s25], [sflag:$0x3] =	stream.indirect_vreg.gather [hbm4b:s10+s0], $0x80, v17, vm0, $0xb8;
	[tilespmem:$0x1E500] =	vst v63  }
0x3d7: {  	v17 =	vld [tilespmem:$0x2720];
	_ =	sdelay $0x4  }
0x3d8: {  	v18 =	vshll.u32 v17, $0x1  }
0x3d9: {  	v17 =	vand.u32 $0x7, v17;
	v18 =	vand.u32 $0xFFFFFFF0, v18  }
0x3da: {  	v17 =	vor.u32 v17, v18  }
0x3db: {  	v18 =	vperm.xlane v17, v2;
	_ =	sdelay $0x1  }
0x3dc: {  	v19 =	vperm.xlane v17, v1;
	v18 =	vadd.s32 v3, v18;
	_ =	sdelay $0x1  }
0x3dd: {  	v20 =	vperm.xlane v17, v4;
	v19 =	vadd.s32 v3, v19;
	_ =	sdelay $0x1  }
0x3de: {  	s30 =	simm.s32 $0x3900;
	v21 =	vperm.xlane v17, v5;
	v20 =	vadd.s32 v3, v20  }
0x3df: {  	[tilespmem:s30], [sflag:$0x3] =	stream.indirect_vreg.gather [hbm4b:s10+s0], $0x80, v18, vm0, $0xb8;
	[tilespmem:$0x1E500] =	vst v63  }
0x3e0: {  	s31 =	simm.s32 $0x3980;
	v18 =	vadd.s32 v3, v21;
	v21 =	vperm.xlane v17, v6  }
0x3e1: {  	[tilespmem:s31], [sflag:$0x3] =	stream.indirect_vreg.gather [hbm4b:s10+s0], $0x80, v19, vm0, $0xb8;
	[tilespmem:$0x1E500] =	vst v63  }
0x3e2: {  	s22 =	simm.s32 $0x3A00;
	v19 =	vadd.s32 v3, v21;
	v21 =	vperm.xlane v17, v7  }
0x3e3: {  	[tilespmem:s22], [sflag:$0x3] =	stream.indirect_vreg.gather [hbm4b:s10+s0], $0x80, v20, vm0, $0xb8;
	[tilespmem:$0x1E500] =	vst v63  }
0x3e4: {  	s25 =	simm.s32 $0x3A80;
	v20 =	vadd.s32 v3, v21;
	v21 =	vperm.xlane v17, v8  }
0x3e5: {  	[tilespmem:s25], [sflag:$0x3] =	stream.indirect_vreg.gather [hbm4b:s10+s0], $0x80, v18, vm0, $0xb8;
	[tilespmem:$0x1E500] =	vst v63  }
0x3e6: {  	s30 =	simm.s32 $0x3B00;
	v18 =	vadd.s32 v3, v21;
	v21 =	vperm.xlane v17, v0  }
0x3e7: {  	[tilespmem:s30], [sflag:$0x3] =	stream.indirect_vreg.gather [hbm4b:s10+s0], $0x80, v19, vm0, $0xb8;
	[tilespmem:$0x1E500] =	vst v63  }
0x3e8: {  	s31 =	simm.s32 $0x3B80;
	v19 =	vadd.s32 v3, v21;
	v21 =	vperm.xlane v17, v9  }
0x3e9: {  	[tilespmem:s31], [sflag:$0x3] =	stream.indirect_vreg.gather [hbm4b:s10+s0], $0x80, v20, vm0, $0xb8;
	[tilespmem:$0x1E500] =	vst v63  }
0x3ea: {  	s22 =	simm.s32 $0x3C00;
	v20 =	vadd.s32 v3, v21;
	v21 =	vperm.xlane v17, v10  }
0x3eb: {  	[tilespmem:s22], [sflag:$0x3] =	stream.indirect_vreg.gather [hbm4b:s10+s0], $0x80, v18, vm0, $0xb8;
	[tilespmem:$0x1E500] =	vst v63  }
0x3ec: {  	s25 =	simm.s32 $0x3C80;
	v18 =	vadd.s32 v3, v21;
	v21 =	vperm.xlane v17, v11  }
0x3ed: {  	[tilespmem:s25], [sflag:$0x3] =	stream.indirect_vreg.gather [hbm4b:s10+s0], $0x80, v19, vm0, $0xb8;
	[tilespmem:$0x1E500] =	vst v63  }
0x3ee: {  	s30 =	simm.s32 $0x3D00;
	v19 =	vadd.s32 v3, v21;
	v21 =	vperm.xlane v17, v12  }
0x3ef: {  	[tilespmem:s30], [sflag:$0x3] =	stream.indirect_vreg.gather [hbm4b:s10+s0], $0x80, v20, vm0, $0xb8;
	[tilespmem:$0x1E500] =	vst v63  }
0x3f0: {  	s31 =	simm.s32 $0x3D80;
	v20 =	vadd.s32 v3, v21;
	v21 =	vperm.xlane v17, v13  }
0x3f1: {  	[tilespmem:s31], [sflag:$0x3] =	stream.indirect_vreg.gather [hbm4b:s10+s0], $0x80, v18, vm0, $0xb8;
	[tilespmem:$0x1E500] =	vst v63  }
0x3f2: {  	s22 =	simm.s32 $0x3E00;
	v18 =	vadd.s32 v3, v21;
	v21 =	vperm.xlane v17, v14  }
0x3f3: {  	[tilespmem:s22], [sflag:$0x3] =	stream.indirect_vreg.gather [hbm4b:s10+s0], $0x80, v19, vm0, $0xb8;
	[tilespmem:$0x1E500] =	vst v63  }
0x3f4: {  	s25 =	simm.s32 $0x3E80;
	v19 =	vadd.s32 v3, v21;
	v21 =	vperm.xlane v17, v15  }
0x3f5: {  	[tilespmem:s25], [sflag:$0x3] =	stream.indirect_vreg.gather [hbm4b:s10+s0], $0x80, v20, vm0, $0xb8;
	[tilespmem:$0x1E500] =	vst v63  }
0x3f6: {  	s30 =	simm.s32 $0x3F00;
	v17 =	vperm.xlane v17, v16;
	v20 =	vadd.s32 v3, v21  }
0x3f7: {  	[tilespmem:s30], [sflag:$0x3] =	stream.indirect_vreg.gather [hbm4b:s10+s0], $0x80, v18, vm0, $0xb8;
	[tilespmem:$0x1E500] =	vst v63  }
0x3f8: {  	s31 =	simm.s32 $0x3F80;
	v17 =	vadd.s32 v3, v17  }
0x3f9: {  	[tilespmem:s31], [sflag:$0x3] =	stream.indirect_vreg.gather [hbm4b:s10+s0], $0x80, v19, vm0, $0xb8;
	[tilespmem:$0x1E500] =	vst v63  }
0x3fa: {  	s22 =	simm.s32 $0x4000  }
0x3fb: {  	[tilespmem:s22], [sflag:$0x3] =	stream.indirect_vreg.gather [hbm4b:s10+s0], $0x80, v20, vm0, $0xb8;
	[tilespmem:$0x1E500] =	vst v63  }
0x3fc: {  	s25 =	simm.s32 $0x4080  }
0x3fd: {  	[tilespmem:s25], [sflag:$0x3] =	stream.indirect_vreg.gather [hbm4b:s10+s0], $0x80, v17, vm0, $0xb8;
	[tilespmem:$0x1E500] =	vst v63  }
0x3fe: {  	v17 =	vld [tilespmem:$0x2730];
	_ =	sdelay $0x4  }
0x3ff: {  	v18 =	vshll.u32 v17, $0x1  }
0x400: {  	v17 =	vand.u32 $0x7, v17;
	v18 =	vand.u32 $0xFFFFFFF0, v18  }
0x401: {  	v17 =	vor.u32 v17, v18  }
0x402: {  	v18 =	vperm.xlane v17, v2;
	_ =	sdelay $0x1  }
0x403: {  	v19 =	vperm.xlane v17, v1;
	v18 =	vadd.s32 v3, v18;
	_ =	sdelay $0x1  }
0x404: {  	v20 =	vperm.xlane v17, v4;
	v19 =	vadd.s32 v3, v19;
	_ =	sdelay $0x1  }
0x405: {  	s30 =	simm.s32 $0x4100;
	v21 =	vperm.xlane v17, v5;
	v20 =	vadd.s32 v3, v20  }
0x406: {  	[tilespmem:s30], [sflag:$0x3] =	stream.indirect_vreg.gather [hbm4b:s10+s0], $0x80, v18, vm0, $0xb8;
	[tilespmem:$0x1E500] =	vst v63  }
0x407: {  	s31 =	simm.s32 $0x4180;
	v18 =	vadd.s32 v3, v21;
	v21 =	vperm.xlane v17, v6  }
0x408: {  	[tilespmem:s31], [sflag:$0x3] =	stream.indirect_vreg.gather [hbm4b:s10+s0], $0x80, v19, vm0, $0xb8;
	[tilespmem:$0x1E500] =	vst v63  }
0x409: {  	s22 =	simm.s32 $0x4200;
	v19 =	vadd.s32 v3, v21;
	v21 =	vperm.xlane v17, v7  }
0x40a: {  	[tilespmem:s22], [sflag:$0x3] =	stream.indirect_vreg.gather [hbm4b:s10+s0], $0x80, v20, vm0, $0xb8;
	[tilespmem:$0x1E500] =	vst v63  }
0x40b: {  	s25 =	simm.s32 $0x4280;
	v20 =	vadd.s32 v3, v21;
	v21 =	vperm.xlane v17, v8  }
0x40c: {  	[tilespmem:s25], [sflag:$0x3] =	stream.indirect_vreg.gather [hbm4b:s10+s0], $0x80, v18, vm0, $0xb8;
	[tilespmem:$0x1E500] =	vst v63  }
0x40d: {  	s30 =	simm.s32 $0x4300;
	v18 =	vadd.s32 v3, v21;
	v21 =	vperm.xlane v17, v0  }
0x40e: {  	[tilespmem:s30], [sflag:$0x3] =	stream.indirect_vreg.gather [hbm4b:s10+s0], $0x80, v19, vm0, $0xb8;
	[tilespmem:$0x1E500] =	vst v63  }
0x40f: {  	s31 =	simm.s32 $0x4380;
	v19 =	vadd.s32 v3, v21;
	v21 =	vperm.xlane v17, v9  }
0x410: {  	[tilespmem:s31], [sflag:$0x3] =	stream.indirect_vreg.gather [hbm4b:s10+s0], $0x80, v20, vm0, $0xb8;
	[tilespmem:$0x1E500] =	vst v63  }
0x411: {  	s22 =	simm.s32 $0x4400;
	v20 =	vadd.s32 v3, v21;
	v21 =	vperm.xlane v17, v10  }
0x412: {  	[tilespmem:s22], [sflag:$0x3] =	stream.indirect_vreg.gather [hbm4b:s10+s0], $0x80, v18, vm0, $0xb8;
	[tilespmem:$0x1E500] =	vst v63  }
0x413: {  	s25 =	simm.s32 $0x4480;
	v18 =	vadd.s32 v3, v21;
	v21 =	vperm.xlane v17, v11  }
0x414: {  	[tilespmem:s25], [sflag:$0x3] =	stream.indirect_vreg.gather [hbm4b:s10+s0], $0x80, v19, vm0, $0xb8;
	[tilespmem:$0x1E500] =	vst v63  }
0x415: {  	s30 =	simm.s32 $0x4500;
	v19 =	vadd.s32 v3, v21;
	v21 =	vperm.xlane v17, v12  }
0x416: {  	[tilespmem:s30], [sflag:$0x3] =	stream.indirect_vreg.gather [hbm4b:s10+s0], $0x80, v20, vm0, $0xb8;
	[tilespmem:$0x1E500] =	vst v63  }
0x417: {  	s31 =	simm.s32 $0x4580;
	v20 =	vadd.s32 v3, v21;
	v21 =	vperm.xlane v17, v13  }
0x418: {  	[tilespmem:s31], [sflag:$0x3] =	stream.indirect_vreg.gather [hbm4b:s10+s0], $0x80, v18, vm0, $0xb8;
	[tilespmem:$0x1E500] =	vst v63  }
0x419: {  	s22 =	simm.s32 $0x4600;
	v18 =	vadd.s32 v3, v21;
	v21 =	vperm.xlane v17, v14  }
0x41a: {  	[tilespmem:s22], [sflag:$0x3] =	stream.indirect_vreg.gather [hbm4b:s10+s0], $0x80, v19, vm0, $0xb8;
	[tilespmem:$0x1E500] =	vst v63  }
0x41b: {  	s25 =	simm.s32 $0x4680;
	v19 =	vadd.s32 v3, v21;
	v21 =	vperm.xlane v17, v15  }
0x41c: {  	[tilespmem:s25], [sflag:$0x3] =	stream.indirect_vreg.gather [hbm4b:s10+s0], $0x80, v20, vm0, $0xb8;
	[tilespmem:$0x1E500] =	vst v63  }
0x41d: {  	s30 =	simm.s32 $0x4700;
	v17 =	vperm.xlane v17, v16;
	v20 =	vadd.s32 v3, v21  }
0x41e: {  	[tilespmem:s30], [sflag:$0x3] =	stream.indirect_vreg.gather [hbm4b:s10+s0], $0x80, v18, vm0, $0xb8;
	[tilespmem:$0x1E500] =	vst v63  }
0x41f: {  	s31 =	simm.s32 $0x4780;
	v17 =	vadd.s32 v3, v17  }
0x420: {  	[tilespmem:s31], [sflag:$0x3] =	stream.indirect_vreg.gather [hbm4b:s10+s0], $0x80, v19, vm0, $0xb8;
	[tilespmem:$0x1E500] =	vst v63  }
0x421: {  	s22 =	simm.s32 $0x4800  }
0x422: {  	[tilespmem:s22], [sflag:$0x3] =	stream.indirect_vreg.gather [hbm4b:s10+s0], $0x80, v20, vm0, $0xb8;
	[tilespmem:$0x1E500] =	vst v63  }
0x423: {  	s25 =	simm.s32 $0x4880  }
0x424: {  	[tilespmem:s25], [sflag:$0x3] =	stream.indirect_vreg.gather [hbm4b:s10+s0], $0x80, v17, vm0, $0xb8;
	[tilespmem:$0x1E500] =	vst v63  }
0x425: {  	_ =	swait.ge [sflag:s20], $0x2000  }
0x426: {  	[sflag:s20] =	ssyncset.done $0x0  }
0x427: {  	s30 =	rddreg [dreg:$0xd];
	[sflag:s20] =	ssyncadd.s32 $0xFFFFE000  }
0x428: {  	[tilespmem:s19], [sflag:$0x3] =	stream.linear.gather [hbm4b:s30+s0], $0x80, $0x38;
	[tilespmem:$0x1E500] =	vst v63  }
0x429: {  	_ =	swait.ge [sflag:s20], $0x80  }
0x42a: {  	[sflag:s20] =	ssyncset.done $0x0  }
0x42b: {  	s31 =	rddreg [dreg:$0xe];
	[sflag:s20] =	ssyncadd.s32 $0xFFFFFF80  }
0x42c: {  	[tilespmem:s18], [sflag:$0x3] =	stream.strided.gather [hbm4b:s31+s16], $0x800, s17, s16, $0x38;
	[tilespmem:$0x1E500] =	vst v63  }
0x42d: {  	_ =	swait.ge [sflag:s20], $0x800  }
0x42e: {  	[sflag:s20] =	ssyncset.done $0x0  }
0x42f: {  	s0 =	simm.s32 $0x0;
	[sflag:s20] =	ssyncadd.s32 $0xFFFFF800  }
0x430: {  	v23 =	vld [tilespmem:s0+$0x2900]  }
0x431: {  	v28 =	vld [tilespmem:s0+$0x2910]  }
0x432: {  	v22 =	vld [tilespmem:s0+$0x2920]  }
0x433: {  	v21 =	vld [tilespmem:s0+$0x2930]  }
0x434: {  	v20 =	vld [tilespmem:s0+$0x2940]  }
0x435: {  	v19 =	vld [tilespmem:s0+$0x2950]  }
0x436: {  	v18 =	vld [tilespmem:s0+$0x2960]  }
0x437: {  	v17 =	vld [tilespmem:s0+$0x2970]  }
0x438: {  	v29 =	vld [tilespmem:s0+$0x6900]  }
0x439: {  	v30 =	vld [tilespmem:s0+$0x6910]  }
0x43a: {  	v27 =	vld [tilespmem:s0+$0x6920]  }
0x43b: {  	v26 =	vld [tilespmem:s0+$0x6930]  }
0x43c: {  	v25 =	vld [tilespmem:s0+$0x6940]  }
0x43d: {  	v24 =	vld [tilespmem:s0+$0x6950];
	v29 =	vadd.f32 v23, v29  }
0x43e: {  	s22 =	simm.s32 $0x200;
	v28 =	vadd.f32 v28, v30;
	v23 =	vld [tilespmem:s0+$0x6960]  }
.LBB2_12:
0x43f: {  	s21 =	sshra.s32 s22, $0x2;
	p0 =	sne.s32 s22, $0x7E00;
	v29 =	vmax.f32 v29, $0.0e+00;
	v22 =	vadd.f32 v22, v27;
	v27 =	vld [tilespmem:s0+$0x6970]  }
0x440: {  	v30 =	vld [tilespmem:s21+$0x2900];
	[tilespmem:s0+$0x6900] =	vst v29;
	v28 =	vmax.f32 v28, $0.0e+00;
	v21 =	vadd.f32 v21, v26  }
0x441: {  	v31 =	vld [tilespmem:s21+$0x2910];
	[tilespmem:s0+$0x6910] =	vst v28;
	v26 =	vmax.f32 v22, $0.0e+00;
	v20 =	vadd.f32 v20, v25  }
0x442: {  	v22 =	vld [tilespmem:s21+$0x2920];
	[tilespmem:s0+$0x6920] =	vst v26;
	v25 =	vmax.f32 v21, $0.0e+00;
	v19 =	vadd.f32 v19, v24  }
0x443: {  	v21 =	vld [tilespmem:s21+$0x2930];
	[tilespmem:s0+$0x6930] =	vst v25;
	v24 =	vmax.f32 v20, $0.0e+00;
	v18 =	vadd.f32 v18, v23  }
0x444: {  	v20 =	vld [tilespmem:s21+$0x2940];
	[tilespmem:s0+$0x6940] =	vst v24;
	v23 =	vmax.f32 v19, $0.0e+00;
	v17 =	vadd.f32 v17, v27  }
0x445: {  	v19 =	vld [tilespmem:s21+$0x2950];
	[tilespmem:s0+$0x6950] =	vst v23;
	v23 =	vmax.f32 v18, $0.0e+00  }
0x446: {  	v18 =	vld [tilespmem:s21+$0x2960];
	[tilespmem:s0+$0x6960] =	vst v23;
	v23 =	vmax.f32 v17, $0.0e+00  }
0x447: {  	v17 =	vld [tilespmem:s21+$0x2970];
	[tilespmem:s0+$0x6970] =	vst v23;
	s0 =	smov.u32 s21  }
0x448: {  	v23 =	vld [tilespmem:s0+$0x6900]  }
0x449: {  	v28 =	vld [tilespmem:s0+$0x6910]  }
.Ltmp5:
0x44a: {  	v27 =	vld [tilespmem:s0+$0x6920];
	(pc) =	sbr.rel @p0 .LBB2_12-.Ltmp5, $4  }
0x44b: {  	v26 =	vld [tilespmem:s0+$0x6930]  }
0x44c: {  	v25 =	vld [tilespmem:s0+$0x6940]  }
0x44d: {  	v29 =	vadd.f32 v30, v23;
	v24 =	vld [tilespmem:s0+$0x6950]  }
0x44e: {  	s22 =	sadd.s32 $0x200, s22;
	v28 =	vadd.f32 v31, v28;
	v23 =	vld [tilespmem:s0+$0x6960]  }
0x44f: {  	v29 =	vmax.f32 v29, $0.0e+00;
	v22 =	vadd.f32 v22, v27;
	v63 =	vld [tilespmem:s0+$0x6970]  }
0x450: {  	[tilespmem:s0+$0x6900] =	vst v29;
	v28 =	vmax.f32 v28, $0.0e+00;
	v21 =	vadd.f32 v21, v26  }
0x451: {  	[tilespmem:s0+$0x6910] =	vst v28;
	v22 =	vmax.f32 v22, $0.0e+00;
	v20 =	vadd.f32 v20, v25  }
0x452: {  	[tilespmem:s0+$0x6920] =	vst v22;
	v21 =	vmax.f32 v21, $0.0e+00;
	v19 =	vadd.f32 v19, v24  }
0x453: {  	[tilespmem:s0+$0x6930] =	vst v21;
	v20 =	vmax.f32 v20, $0.0e+00;
	v18 =	vadd.f32 v18, v23  }
0x454: {  	[tilespmem:s0+$0x6940] =	vst v20;
	v19 =	vmax.f32 v19, $0.0e+00;
	v17 =	vadd.f32 v17, v63  }
0x455: {  	[tilespmem:s0+$0x6950] =	vst v19;
	v18 =	vmax.f32 v18, $0.0e+00  }
0x456: {  	[tilespmem:s0+$0x6960] =	vst v18;
	v17 =	vmax.f32 v17, $0.0e+00  }
0x457: {  	[tilespmem:s0+$0x6970] =	vst v17  }
0x458: {  	[spmem:s4] =	stream.indirect.scatter.add.f32 [tilespmem:s18], [sflag:$0x3], $0x80, s19, s24, $0xb8;
	[tilespmem:$0x1E500] =	vst v63  }
0x459: {  	_ =	swait.ge [sflag:s20], $0x2000  }
0x45a: {  	[sflag:s20] =	ssyncset.done $0x0  }
0x45b: {  	[sflag:s20] =	ssyncadd.s32 $0xFFFFE000  }
0x45c: {  	[bflag:$0x0] =	sbarrier.arrive $0xFFFF  }
0x45d: {  	s0 =	rddreg [dreg:$0xf]  }
0x45e: {  	s21 =	simm.s32 $0x8;
	s30 =	rddreg [dreg:$0x12]  }
0x45f: {  	s22 =	simm.s32 $0x100;
	s25 =	simm.s32 $0x80;
	s31 =	rddreg [dreg:$0x13]  }
0x460: {  	[hbm:s0@s22], [sflag:s30] =	dma.strided [spmem:s31@s25], $0x2780, s21, $0x10   }
0x461: {  	_ =	swait.ge [sflag:s20], $0x2780  }
0x462: {  	s30 =	rddreg [dreg:$0x11]  }
0x463: {  	s31 =	rddreg [dreg:$0x10];
	s21 =	sadd.s32 $0x1, s30  }
0x464: {  	p0 =	sne.s32 s21, s31  }
.Ltmp6:
0x465: {  	_ = 	snop;
	(pc) =	sbr.rel @p0 .LBB2_1-.Ltmp6, $3  }
0x466: {  	_ =	sdelay $0x1  }
0x467: {  	[sflag:s20] =	ssyncset.done $0x0  }
0x468: {  	[sflag:s20] =	ssyncadd.s32 $0xFFFFD880  }
0x469: {  	_ =	sfence.sel $0x180000  }
0x46a: {  	[bflag:$0x0] =	sbarrier.arrive $0xFFFF  }
0x46b: {  	_ =	strace $0x90000047  }
0x46c: {  	s0 =	stileid.u32;
	[bflag:$0x2] =	sbarrier.arrive $0xFFFF  }
0x46d: {  	p0 =	sne.s32 s0, $0x0;
	s0 =	rddreg [dreg:$0x5]  }
0x46e: {  	s0 =	sadd.s32 @!p0 $0x100000, s0  }
0x46f: {  	[sflag:s0] =	ssyncadd.tile.s32 @!p0 $0x1;
	_ =	shalt  }
.Lfunc_end2:
_tile_overlayer_lowered:
.L_overlay_start_2:
0x470: {  	(tag) =	ssettag $0x2  }
0x471: {  	s0 =	rddreg [dreg:$0x0];
	s2 =	stileid.u32  }
0x472: {  	s1 =	rddreg [dreg:$0x1];
	p0 =	sne.s32 s2, $0x0  }
0x473: {  	s3 =	rddreg [dreg:$0x2];
	[bflag:$0x3] =	sbarrier.arrive $0xFFFF;
	s2 =	simm.s32 @!p0 $0x1C03  }
0x474: {  	[timem:s3], [sflag:s2] =	dma.local @!p0 [hbm:s0], s1  }
0x475: {  	s0 =	simm.s32 @!p0 $0x3  }
0x476: {  	_ =	swait.ge @!p0 [sflag:s0], s1  }
0x477: {  	s1 =	ssub.s32 @!p0 $0x0, s1;
	[sflag:s0] =	ssyncset.done @!p0 $0x0  }
0x478: {  	[sflag:s0] =	ssyncadd.s32 @!p0 s1  }
0x479: {  	[bflag:$0x3] =	sbarrier.arrive $0xFFFF  }
0x47a: {  	_ =	shalt  }

</sc_bundles>
